<compile_context>
chip_gen: v7x
topology: tpu7x:2x2x1
jax: 0.10.2.dev20260603
libtpu: 0.0.44.dev20260713+nightly
codegen_flags: <defaults>
</compile_context>

<pallas_src>
import functools

import jax
import jax.numpy as jnp
from jax import lax
from jax.experimental import pallas as pl
from jax.experimental.pallas import tpu as pltpu
from jax.experimental.pallas import tpu_sc as plsc

N = 10000
E = 320000
D = 128
H = 16

NC = 2
NS = 16
NW = NC * NS

NPAD = 10112
ROWS_PER_SUB = NPAD // NS
MAIN_ROWS = 78
CHUNK_ROWS = 13
N_CHUNKS = MAIN_ROWS // CHUNK_ROWS
CHUNK_E = CHUNK_ROWS * 128
TAIL_E0 = MAIN_ROWS * NW * 128
TAIL_E = E - TAIL_E0
TAIL_OWNERS = (NS - 1, NW - 1)

_mesh = plsc.VectorSubcoreMesh(
    core_axis_name="c", subcore_axis_name="s", num_cores=NC, num_subcores=NS
)
_sc_params = pltpu.CompilerParams(use_tc_tiling_on_sc=False)


@functools.partial(
    pl.kernel,
    out_type=jax.ShapeDtypeStruct((NC, NPAD, H), jnp.float32),
    mesh=_mesh,
    scratch_types=[
        pltpu.VMEM_SHARED((NPAD, H), jnp.float32),
        pltpu.VMEM((CHUNK_E,), jnp.int32),
        pltpu.VMEM((CHUNK_E,), jnp.int32),
        pltpu.VMEM((TAIL_E,), jnp.int32),
        pltpu.VMEM((CHUNK_E, H), jnp.float32),
        pltpu.VMEM((TAIL_E, H), jnp.float32),
        pltpu.SemaphoreType.DMA,
        pltpu.SemaphoreType.DMA,
    ],
    compiler_params=_sc_params,
)
def _deg_kernel(ei_hbm, zeros_hbm, ones_hbm, out_hbm,
                acc_sh, dstv0, dstv1, dstvt, ones_v, mones, ssem0, ssem1):
  cid = lax.axis_index("c")
  sid = lax.axis_index("s")
  tid = cid * NS + sid
  base = tid * MAIN_ROWS * 128
  dstv = (dstv0, dstv1)
  ssem = (ssem0, ssem1)
  m0 = jnp.where(tid == TAIL_OWNERS[0], 1.0, 0.0).astype(jnp.float32)
  m1 = jnp.where(tid == TAIL_OWNERS[1], 1.0, 0.0).astype(jnp.float32)

  pltpu.sync_copy(ones_hbm, ones_v)

  def mbody(i, carry):
    mones[i, :] = ones_v[i, :] * m0
    mones[256 + i, :] = ones_v[256 + i, :] * m1
    return carry
  lax.fori_loop(0, TAIL_E // 2, mbody, 0)

  pltpu.sync_copy(
      zeros_hbm, acc_sh.at[pl.ds(sid * ROWS_PER_SUB, ROWS_PER_SUB)])
  plsc.subcore_barrier()

  pltpu.sync_copy(ei_hbm.at[1, pl.ds(base, CHUNK_E)], dstv[0])
  pending = [None, None]
  for c in range(N_CHUNKS):
    b = c % 2
    pending[b] = pltpu.async_copy(
        ones_v, acc_sh.at[dstv[b]], ssem[b], add=True)
    if c + 1 < N_CHUNKS:
      if pending[1 - b] is not None:
        pending[1 - b].wait()
      pltpu.sync_copy(
          ei_hbm.at[1, pl.ds(base + (c + 1) * CHUNK_E, CHUNK_E)],
          dstv[1 - b])
  pltpu.sync_copy(ei_hbm.at[1, pl.ds(TAIL_E0, TAIL_E)], dstvt)
  tail = pltpu.async_copy(mones, acc_sh.at[dstvt], ssem[0], add=True)
  pending[0].wait()
  pending[1].wait()
  tail.wait()

  plsc.subcore_barrier()
  pltpu.sync_copy(
      acc_sh.at[pl.ds(sid * ROWS_PER_SUB, ROWS_PER_SUB)],
      out_hbm.at[cid, pl.ds(sid * ROWS_PER_SUB, ROWS_PER_SUB)],
  )


@functools.partial(
    pl.kernel,
    out_type=jax.ShapeDtypeStruct((NC, NPAD, H), jnp.float32),
    mesh=_mesh,
    scratch_types=[
        pltpu.VMEM_SHARED((NPAD, H), jnp.float32),
        pltpu.VMEM_SHARED((NPAD, H), jnp.float32),
        pltpu.VMEM((CHUNK_E,), jnp.int32),
        pltpu.VMEM((CHUNK_E,), jnp.int32),
        pltpu.VMEM((CHUNK_E,), jnp.int32),
        pltpu.VMEM((CHUNK_E,), jnp.int32),
        pltpu.VMEM((TAIL_E,), jnp.int32),
        pltpu.VMEM((TAIL_E,), jnp.int32),
        pltpu.VMEM((CHUNK_E, H), jnp.float32),
        pltpu.VMEM((CHUNK_E, H), jnp.float32),
        pltpu.SemaphoreType.DMA,
        pltpu.SemaphoreType.DMA,
        pltpu.SemaphoreType.DMA,
        pltpu.SemaphoreType.DMA,
    ],
    compiler_params=_sc_params,
)
def _prop_kernel(hp_hbm, ei_hbm, zeros_hbm, out_hbm,
                 acc_sh, hp_sh, srcv0, srcv1, dstv0, dstv1, srcvt, dstvt,
                 rows0, rows1, gsem0, gsem1, ssem0, ssem1):
  cid = lax.axis_index("c")
  sid = lax.axis_index("s")
  tid = cid * NS + sid
  base = tid * MAIN_ROWS * 128
  srcv = (srcv0, srcv1)
  dstv = (dstv0, dstv1)
  rows = (rows0, rows1)
  gsem = (gsem0, gsem1)
  ssem = (ssem0, ssem1)
  m0 = jnp.where(tid == TAIL_OWNERS[0], 1.0, 0.0).astype(jnp.float32)
  m1 = jnp.where(tid == TAIL_OWNERS[1], 1.0, 0.0).astype(jnp.float32)

  pltpu.sync_copy(
      zeros_hbm, acc_sh.at[pl.ds(sid * ROWS_PER_SUB, ROWS_PER_SUB)])
  pltpu.sync_copy(
      hp_hbm.at[pl.ds(sid * ROWS_PER_SUB, ROWS_PER_SUB)],
      hp_sh.at[pl.ds(sid * ROWS_PER_SUB, ROWS_PER_SUB)])
  plsc.subcore_barrier()

  def load_idx(c, b):
    off = base + c * CHUNK_E
    pltpu.sync_copy(ei_hbm.at[0, pl.ds(off, CHUNK_E)], srcv[b])
    pltpu.sync_copy(ei_hbm.at[1, pl.ds(off, CHUNK_E)], dstv[b])

  load_idx(0, 0)
  gpend = [None, None]
  spend = [None, None]
  gpend[0] = pltpu.async_copy(hp_sh.at[srcv[0]], rows[0], gsem[0])
  for c in range(N_CHUNKS):
    b = c % 2
    gpend[b].wait()
    spend[b] = pltpu.async_copy(
        rows[b], acc_sh.at[dstv[b]], ssem[b], add=True)
    if c + 1 < N_CHUNKS:
      if spend[1 - b] is not None:
        spend[1 - b].wait()
      load_idx(c + 1, 1 - b)
      gpend[1 - b] = pltpu.async_copy(
          hp_sh.at[srcv[1 - b]], rows[1 - b], gsem[1 - b])
  spend[0].wait()
  spend[1].wait()

  pltpu.sync_copy(ei_hbm.at[0, pl.ds(TAIL_E0, TAIL_E)], srcvt)
  pltpu.sync_copy(ei_hbm.at[1, pl.ds(TAIL_E0, TAIL_E)], dstvt)
  pltpu.async_copy(
      hp_sh.at[srcvt], rows0.at[pl.ds(0, TAIL_E)], gsem[0]).wait()

  def mbody(i, carry):
    rows0[i, :] = rows0[i, :] * m0
    rows0[256 + i, :] = rows0[256 + i, :] * m1
    return carry
  lax.fori_loop(0, TAIL_E // 2, mbody, 0)
  pltpu.async_copy(
      rows0.at[pl.ds(0, TAIL_E)], acc_sh.at[dstvt], ssem[0],
      add=True).wait()

  plsc.subcore_barrier()
  pltpu.sync_copy(
      acc_sh.at[pl.ds(sid * ROWS_PER_SUB, ROWS_PER_SUB)],
      out_hbm.at[cid, pl.ds(sid * ROWS_PER_SUB, ROWS_PER_SUB)],
  )


NP8 = NPAD // 8


def _mm_body(x_ref, w_ref, u_ref):
  u_ref[...] = jnp.dot(x_ref[...], w_ref[...],
                       preferred_element_type=jnp.float32)


def _scale_body(u_ref, deg_ref, hp_ref):
  deg = deg_ref[0] + deg_ref[1] + 1.0
  dis = 1.0 / jnp.sqrt(deg)
  hp_ref[...] = dis * u_ref[...]


def _tc2_body(acc_ref, hp_ref, deg_ref, w_ref, b_ref, out_ref):
  deg = deg_ref[0] + deg_ref[1] + 1.0
  dis = 1.0 / jnp.sqrt(deg)
  t = jnp.tanh(dis * (acc_ref[0] + acc_ref[1] + hp_ref[...]) + b_ref[...])
  out_ref[...] = dis * jnp.dot(t, w_ref[...],
                               preferred_element_type=jnp.float32)


def _tc3_body(acc_ref, hp_ref, deg_ref, b_ref, out_ref):
  deg = deg_ref[0] + deg_ref[1] + 1.0
  dis = 1.0 / jnp.sqrt(deg)
  out_ref[...] = jnp.tanh(
      dis * (acc_ref[0] + acc_ref[1] + hp_ref[...]) + b_ref[...])


def kernel(x, edge_index, W1, b1, W2, b2):
  f32 = jnp.float32
  ei = edge_index.astype(jnp.int32)
  x_p = jnp.concatenate([x, jnp.zeros((NPAD - N, D), f32)], axis=0)
  zeros_hbm = jnp.zeros((ROWS_PER_SUB, H), f32)
  ones_hbm = jnp.ones((CHUNK_E, H), f32)
  x8 = x_p.reshape(NP8, 8 * D)
  W1b = jnp.zeros((8 * D, 128), f32)
  W2b = jnp.zeros((128, 128), f32)
  for j in range(8):
    W1b = lax.dynamic_update_slice(W1b, W1, (j * D, j * H))
    W2b = lax.dynamic_update_slice(W2b, W2, (j * H, j * H))
  b1t = jnp.tile(b1, 8).reshape(1, 128)
  b2t = jnp.tile(b2, 8).reshape(1, 128)

  deg = _deg_kernel(ei, zeros_hbm, ones_hbm)
  deg8 = deg.reshape(NC, NP8, 128)

  u1_8 = pl.pallas_call(
      _mm_body,
      out_shape=jax.ShapeDtypeStruct((NP8, 128), f32),
  )(x8, W1b)
  hp1_8 = pl.pallas_call(
      _scale_body,
      out_shape=jax.ShapeDtypeStruct((NP8, 128), f32),
  )(u1_8, deg8)

  acc1 = _prop_kernel(hp1_8.reshape(NPAD, H), ei, zeros_hbm)

  hp2_8 = pl.pallas_call(
      _tc2_body,
      out_shape=jax.ShapeDtypeStruct((NP8, 128), f32),
  )(acc1.reshape(NC, NP8, 128), hp1_8, deg8, W2b, b1t)

  acc2 = _prop_kernel(hp2_8.reshape(NPAD, H), ei, zeros_hbm)

  out8 = pl.pallas_call(
      _tc3_body,
      out_shape=jax.ShapeDtypeStruct((NP8, 128), f32),
  )(acc2.reshape(NC, NP8, 128), hp2_8, deg8, b2t)

  return out8.reshape(NPAD, H)[:N]

# --- scband reference (transcript-rebuilt; emitter-appended) ---
"""Pipeline reference for scband-e-gcn-51788715655810 (READ-ONLY COPY).

The authoritative reference and input builder live on the scoring server;
editing this copy changes nothing except your own understanding.
"""

import jax, jax.numpy as jnp
import numpy as np

N_NODES = 10000
N_EDGES = 320000
D_FEAT = 128
HID = 16


def setup_inputs(seed: int = 0) -> dict:
    key = jax.random.key(seed)
    k1, k2, k3, k4, k5, k6 = jax.random.split(key, 6)
    x = jax.random.normal(k1, (N_NODES, D_FEAT), dtype=jnp.float32)
    edge_index = jax.random.randint(k2, (2, N_EDGES), 0, N_NODES, dtype=jnp.int64)
    # GCNConv(-1, 16): lazy in_channels resolves to D_FEAT
    W1 = jax.random.normal(k3, (D_FEAT, HID), dtype=jnp.float32) * (1.0 / np.sqrt(D_FEAT))
    b1 = jnp.zeros((HID,), dtype=jnp.float32)
    W2 = jax.random.normal(k4, (HID, HID), dtype=jnp.float32) * (1.0 / np.sqrt(HID))
    b2 = jnp.zeros((HID,), dtype=jnp.float32)
    return {"x": x, "edge_index": edge_index, "W1": W1, "b1": b1, "W2": W2, "b2": b2}


def _gcn_conv(x, edge_index, W, b):
    # PyG GCNConv: add self-loops, symmetric normalization D^-1/2 (A+I) D^-1/2 (X W) + b
    n = x.shape[0]
    src = edge_index[0]
    dst = edge_index[1]
    loop = jnp.arange(n, dtype=src.dtype)
    src = jnp.concatenate([src, loop])
    dst = jnp.concatenate([dst, loop])
    h = x @ W
    ones = jnp.ones(src.shape[0], dtype=h.dtype)
    deg = jax.ops.segment_sum(ones, dst, num_segments=n)
    deg_inv_sqrt = jnp.where(deg > 0, 1.0 / jnp.sqrt(deg), 0.0)
    norm = deg_inv_sqrt[src] * deg_inv_sqrt[dst]
    msgs = h[src] * norm[:, None]
    out = jax.ops.segment_sum(msgs, dst, num_segments=n)
    return out + b


def reference(x, edge_index, W1, b1, W2, b2):
    h = _gcn_conv(x, edge_index, W1, b1)
    h = jnp.tanh(h)
    h = _gcn_conv(h, edge_index, W2, b2)
    h = jnp.tanh(h)
    return h

if __name__ == "__main__":
    import jax
    _d = setup_inputs()
    print(jax.jit(kernel)(*tuple(_d.values())))

</pallas_src>

<mosaic_0001>
#map = affine_map<(d0, d1) -> (0, 0)>
#map1 = affine_map<(d0, d1) -> (0, 0, 0)>
module attributes {stable_mosaic.version = 14 : i64} {
  func.func @_deg_kernel(%arg0: i32, %arg1: i32, %arg2: memref<2x320000xi32, #tpu.memory_space<hbm>>, %arg3: memref<632x16xf32, #tpu.memory_space<hbm>>, %arg4: memref<1664x16xf32, #tpu.memory_space<hbm>>, %arg5: memref<2x10112x16xf32, #tpu.memory_space<hbm>>, %arg6: memref<10112x16xf32, #tpu.memory_space<vmem_shared>>, %arg7: memref<1664xi32, #tpu.memory_space<vmem>>, %arg8: memref<1664xi32, #tpu.memory_space<vmem>>, %arg9: memref<512xi32, #tpu.memory_space<vmem>>, %arg10: memref<1664x16xf32, #tpu.memory_space<vmem>>, %arg11: memref<512x16xf32, #tpu.memory_space<vmem>>, %arg12: memref<!tpu.dma_semaphore, #tpu.memory_space<semaphore_mem>>, %arg13: memref<!tpu.dma_semaphore, #tpu.memory_space<semaphore_mem>>) attributes {dimension_semantics = [#tpu.dimension_semantics<core_parallel>, #tpu.dimension_semantics<subcore_parallel>], iteration_bounds = array<i64: 2, 16>, scalar_prefetch = 0 : i64, scratch_operands = 8 : i64, tpu.core_type = #tpu.core_type<sc_vector_subcore>, window_params = [{transform_indices = #map}, {transform_indices = #map}, {transform_indices = #map}, {transform_indices = #map1}]} {
    %mul3A = arith.constant 16 : i32
    %mul3A_0 = arith.muli %arg0, %mul3A : i32
    %add3A = arith.addi %mul3A_0, %arg1 : i32
    %mul3A_1 = arith.constant 78 : i32
    %mul3A_2 = arith.muli %add3A, %mul3A_1 : i32
    %mul3A_3 = arith.constant 128 : i32
    %mul3A_4 = arith.muli %mul3A_2, %mul3A_3 : i32
    %eq3A = arith.constant 15 : i32
    %eq3A_5 = arith.cmpi eq, %add3A, %eq3A : i32
    %jit3A = arith.constant 1.000000e+00 : f32
    %jit3A_6 = arith.constant 0.000000e+00 : f32
    %select_n3A = arith.select %eq3A_5, %jit3A, %jit3A_6 : f32
    %eq3A_7 = arith.constant 31 : i32
    %eq3A_8 = arith.cmpi eq, %add3A, %eq3A_7 : i32
    %jit3A_9 = arith.constant 1.000000e+00 : f32
    %jit3A_10 = arith.constant 0.000000e+00 : f32
    %select_n3A_11 = arith.select %eq3A_8, %jit3A_9, %jit3A_10 : f32
    "tpu.region"() ({
      %run_scoped3A_80 = tpu.sem_alloc : memref<!tpu.dma_semaphore, #tpu.memory_space<semaphore_mem>>
      tpu.enqueue_dma source(%arg4 : memref<1664x16xf32, #tpu.memory_space<hbm>>) target(%arg10 : memref<1664x16xf32, #tpu.memory_space<vmem>>) target_semaphore(%run_scoped3A_80 : memref<!tpu.dma_semaphore, #tpu.memory_space<semaphore_mem>>)
      tpu.wait_dma2 semaphore(%run_scoped3A_80 : memref<!tpu.dma_semaphore, #tpu.memory_space<semaphore_mem>>) src(%arg4 : memref<1664x16xf32, #tpu.memory_space<hbm>>) dst(%arg10 : memref<1664x16xf32, #tpu.memory_space<vmem>>)
      tpu.yield
    }) : () -> ()
    %scan3A = arith.constant 0 : i32
    %scan3A_12 = arith.constant 0 : i32
    %scan3A_13 = arith.constant 256 : i32
    %scan3A_14 = arith.addi %scan3A_12, %scan3A_13 : i32
    %scan3A_15 = arith.constant 1 : i32
    scf.for %scan3A_80 = %scan3A_12 to %scan3A_14 step %scan3A_15  : i32 {
      %get3A = arith.index_cast %scan3A_80 : i32 to index
      %get3A_81 = arith.constant 0 : index
      %get3A_82 = tpu.vector_load %arg10[%get3A, %get3A_81] {strides = array<i32>} : memref<1664x16xf32, #tpu.memory_space<vmem>>, vector<1x16xf32>,
      %get3A_83 = vector.shape_cast %get3A_82 : vector<1x16xf32> to vector<16xf32>
      %mul3A_84 = vector.broadcast %select_n3A : f32 to vector<16xf32>
      %mul3A_85 = arith.mulf %get3A_83, %mul3A_84 : vector<16xf32>
      %swap3A = arith.index_cast %scan3A_80 : i32 to index
      %swap3A_86 = arith.constant 0 : index
      %swap3A_87 = tpu.vector_load %arg11[%swap3A, %swap3A_86] {strides = array<i32>} : memref<512x16xf32, #tpu.memory_space<vmem>>, vector<1x16xf32>,
      %swap3A_88 = vector.shape_cast %swap3A_87 : vector<1x16xf32> to vector<16xf32>
      %swap3A_89 = vector.shape_cast %mul3A_85 : vector<16xf32> to vector<1x16xf32>
      tpu.vector_store %arg11[%swap3A, %swap3A_86], %swap3A_89 {strides = array<i32>} : memref<512x16xf32, #tpu.memory_space<vmem>>, vector<1x16xf32>,
      %add3A_90 = arith.constant 256 : i32
      %add3A_91 = arith.addi %add3A_90, %scan3A_80 : i32
      %get3A_92 = arith.index_cast %add3A_91 : i32 to index
      %get3A_93 = arith.constant 0 : index
      %get3A_94 = tpu.vector_load %arg10[%get3A_92, %get3A_93] {strides = array<i32>} : memref<1664x16xf32, #tpu.memory_space<vmem>>, vector<1x16xf32>,
      %get3A_95 = vector.shape_cast %get3A_94 : vector<1x16xf32> to vector<16xf32>
      %mul3A_96 = vector.broadcast %select_n3A_11 : f32 to vector<16xf32>
      %mul3A_97 = arith.mulf %get3A_95, %mul3A_96 : vector<16xf32>
      %add3A_98 = arith.constant 256 : i32
      %add3A_99 = arith.addi %add3A_98, %scan3A_80 : i32
      %swap3A_100 = arith.index_cast %add3A_99 : i32 to index
      %swap3A_101 = arith.constant 0 : index
      %swap3A_102 = tpu.vector_load %arg11[%swap3A_100, %swap3A_101] {strides = array<i32>} : memref<512x16xf32, #tpu.memory_space<vmem>>, vector<1x16xf32>,
      %swap3A_103 = vector.shape_cast %swap3A_102 : vector<1x16xf32> to vector<16xf32>
      %swap3A_104 = vector.shape_cast %mul3A_97 : vector<16xf32> to vector<1x16xf32>
      tpu.vector_store %arg11[%swap3A_100, %swap3A_101], %swap3A_104 {strides = array<i32>} : memref<512x16xf32, #tpu.memory_space<vmem>>, vector<1x16xf32>,
    }
    %scan3A_16 = arith.constant 256 : i32
    %mul3A_17 = arith.constant 632 : i32
    %mul3A_18 = arith.muli %arg1, %mul3A_17 : i32
    "tpu.region"() ({
      %run_scoped3A_80 = tpu.sem_alloc : memref<!tpu.dma_semaphore, #tpu.memory_space<semaphore_mem>>
      %dma_start3A_81 = arith.constant 0 : i32
      %dma_start3A_82 = tpu.memref_slice %arg6[%mul3A_18, %dma_start3A_81] : memref<10112x16xf32, #tpu.memory_space<vmem_shared>> -> memref<632x16xf32, #tpu.memory_space<vmem_shared>>
      tpu.enqueue_dma source(%arg3 : memref<632x16xf32, #tpu.memory_space<hbm>>) target(%dma_start3A_82 : memref<632x16xf32, #tpu.memory_space<vmem_shared>>) target_semaphore(%run_scoped3A_80 : memref<!tpu.dma_semaphore, #tpu.memory_space<semaphore_mem>>)
      %dma_wait3A_83 = arith.constant 0 : i32
      %dma_wait3A_84 = tpu.memref_slice %arg6[%mul3A_18, %dma_wait3A_83] : memref<10112x16xf32, #tpu.memory_space<vmem_shared>> -> memref<632x16xf32, #tpu.memory_space<vmem_shared>>
      tpu.wait_dma2 semaphore(%run_scoped3A_80 : memref<!tpu.dma_semaphore, #tpu.memory_space<semaphore_mem>>) src(%arg3 : memref<632x16xf32, #tpu.memory_space<hbm>>) dst(%dma_wait3A_84 : memref<632x16xf32, #tpu.memory_space<vmem_shared>>)
      tpu.yield
    }) : () -> ()
    %barrier3A = arith.constant 0 : index
    tpu.barrier barrier_id(%barrier3A)
    %run_scoped3A = arith.constant 1 : i32
    "tpu.region"() ({
      %run_scoped3A_80 = tpu.sem_alloc : memref<!tpu.dma_semaphore, #tpu.memory_space<semaphore_mem>>
      %dma_start3A_81 = tpu.memref_slice %arg2[%run_scoped3A, %mul3A_4] : memref<2x320000xi32, #tpu.memory_space<hbm>> -> memref<1x1664xi32, #tpu.memory_space<hbm>>
      %dma_start3A_82 = tpu.memref_squeeze %dma_start3A_81 : memref<1x1664xi32, #tpu.memory_space<hbm>> -> memref<1664xi32, #tpu.memory_space<hbm>>
      %dma_start3A_83 = tpu.memref_slice %arg2[%run_scoped3A, %mul3A_4] : memref<2x320000xi32, #tpu.memory_space<hbm>> -> memref<1x1664xi32, #tpu.memory_space<hbm>>
      %dma_start3A_84 = tpu.memref_squeeze %dma_start3A_83 : memref<1x1664xi32, #tpu.memory_space<hbm>> -> memref<1664xi32, #tpu.memory_space<hbm>>
      tpu.enqueue_dma source(%dma_start3A_84 : memref<1664xi32, #tpu.memory_space<hbm>>) target(%arg7 : memref<1664xi32, #tpu.memory_space<vmem>>) target_semaphore(%run_scoped3A_80 : memref<!tpu.dma_semaphore, #tpu.memory_space<semaphore_mem>>)
      %dma_wait3A_85 = tpu.memref_slice %arg2[%run_scoped3A, %mul3A_4] : memref<2x320000xi32, #tpu.memory_space<hbm>> -> memref<1x1664xi32, #tpu.memory_space<hbm>>
      %dma_wait3A_86 = tpu.memref_squeeze %dma_wait3A_85 : memref<1x1664xi32, #tpu.memory_space<hbm>> -> memref<1664xi32, #tpu.memory_space<hbm>>
      %dma_wait3A_87 = tpu.memref_slice %arg2[%run_scoped3A, %mul3A_4] : memref<2x320000xi32, #tpu.memory_space<hbm>> -> memref<1x1664xi32, #tpu.memory_space<hbm>>
      %dma_wait3A_88 = tpu.memref_squeeze %dma_wait3A_87 : memref<1x1664xi32, #tpu.memory_space<hbm>> -> memref<1664xi32, #tpu.memory_space<hbm>>
      tpu.wait_dma2 semaphore(%run_scoped3A_80 : memref<!tpu.dma_semaphore, #tpu.memory_space<semaphore_mem>>) src(%dma_wait3A_88 : memref<1664xi32, #tpu.memory_space<hbm>>) dst(%arg7 : memref<1664xi32, #tpu.memory_space<vmem>>)
      tpu.yield
    }) : () -> ()
    %dma_start3A = arith.constant 0 : i32
    %dma_start3A_19 = arith.constant 0 : i32
    %dma_start3A_20 = tpu.memref_slice %arg6[%dma_start3A, %dma_start3A_19] : memref<10112x16xf32, #tpu.memory_space<vmem_shared>> -> memref<10112x16xf32, #tpu.memory_space<vmem_shared>>
    tpu.enqueue_indirect_dma source(%arg10 : memref<1664x16xf32, #tpu.memory_space<vmem>>) target(%dma_start3A_20 : memref<10112x16xf32, #tpu.memory_space<vmem_shared>>) offsets(%arg7 : memref<1664xi32, #tpu.memory_space<vmem>>) semaphore(%arg12 : memref<!tpu.dma_semaphore, #tpu.memory_space<semaphore_mem>>) {add = true}
    %add3A_21 = arith.constant 1664 : i32
    %add3A_22 = arith.addi %mul3A_4, %add3A_21 : i32
    %run_scoped3A_23 = arith.constant 1 : i32
    "tpu.region"() ({
      %run_scoped3A_80 = tpu.sem_alloc : memref<!tpu.dma_semaphore, #tpu.memory_space<semaphore_mem>>
      %dma_start3A_81 = tpu.memref_slice %arg2[%run_scoped3A_23, %add3A_22] : memref<2x320000xi32, #tpu.memory_space<hbm>> -> memref<1x1664xi32, #tpu.memory_space<hbm>>
      %dma_start3A_82 = tpu.memref_squeeze %dma_start3A_81 : memref<1x1664xi32, #tpu.memory_space<hbm>> -> memref<1664xi32, #tpu.memory_space<hbm>>
      %dma_start3A_83 = tpu.memref_slice %arg2[%run_scoped3A_23, %add3A_22] : memref<2x320000xi32, #tpu.memory_space<hbm>> -> memref<1x1664xi32, #tpu.memory_space<hbm>>
      %dma_start3A_84 = tpu.memref_squeeze %dma_start3A_83 : memref<1x1664xi32, #tpu.memory_space<hbm>> -> memref<1664xi32, #tpu.memory_space<hbm>>
      tpu.enqueue_dma source(%dma_start3A_84 : memref<1664xi32, #tpu.memory_space<hbm>>) target(%arg8 : memref<1664xi32, #tpu.memory_space<vmem>>) target_semaphore(%run_scoped3A_80 : memref<!tpu.dma_semaphore, #tpu.memory_space<semaphore_mem>>)
      %dma_wait3A_85 = tpu.memref_slice %arg2[%run_scoped3A_23, %add3A_22] : memref<2x320000xi32, #tpu.memory_space<hbm>> -> memref<1x1664xi32, #tpu.memory_space<hbm>>
      %dma_wait3A_86 = tpu.memref_squeeze %dma_wait3A_85 : memref<1x1664xi32, #tpu.memory_space<hbm>> -> memref<1664xi32, #tpu.memory_space<hbm>>
      %dma_wait3A_87 = tpu.memref_slice %arg2[%run_scoped3A_23, %add3A_22] : memref<2x320000xi32, #tpu.memory_space<hbm>> -> memref<1x1664xi32, #tpu.memory_space<hbm>>
      %dma_wait3A_88 = tpu.memref_squeeze %dma_wait3A_87 : memref<1x1664xi32, #tpu.memory_space<hbm>> -> memref<1664xi32, #tpu.memory_space<hbm>>
      tpu.wait_dma2 semaphore(%run_scoped3A_80 : memref<!tpu.dma_semaphore, #tpu.memory_space<semaphore_mem>>) src(%dma_wait3A_88 : memref<1664xi32, #tpu.memory_space<hbm>>) dst(%arg8 : memref<1664xi32, #tpu.memory_space<vmem>>)
      tpu.yield
    }) : () -> ()
    %dma_start3A_24 = arith.constant 0 : i32
    %dma_start3A_25 = arith.constant 0 : i32
    %dma_start3A_26 = tpu.memref_slice %arg6[%dma_start3A_24, %dma_start3A_25] : memref<10112x16xf32, #tpu.memory_space<vmem_shared>> -> memref<10112x16xf32, #tpu.memory_space<vmem_shared>>
    tpu.enqueue_indirect_dma source(%arg10 : memref<1664x16xf32, #tpu.memory_space<vmem>>) target(%dma_start3A_26 : memref<10112x16xf32, #tpu.memory_space<vmem_shared>>) offsets(%arg8 : memref<1664xi32, #tpu.memory_space<vmem>>) semaphore(%arg13 : memref<!tpu.dma_semaphore, #tpu.memory_space<semaphore_mem>>) {add = true}
    %dma_wait3A = arith.constant 0 : i32
    %dma_wait3A_27 = arith.constant 0 : i32
    %dma_wait3A_28 = tpu.memref_slice %arg6[%dma_wait3A, %dma_wait3A_27] : memref<10112x16xf32, #tpu.memory_space<vmem_shared>> -> memref<10112x16xf32, #tpu.memory_space<vmem_shared>>
    tpu.wait_indirect_dma semaphore(%arg12 : memref<!tpu.dma_semaphore, #tpu.memory_space<semaphore_mem>>) src(%arg10 : memref<1664x16xf32, #tpu.memory_space<vmem>>) dst(%dma_wait3A_28 : memref<10112x16xf32, #tpu.memory_space<vmem_shared>>)
    %add3A_29 = arith.constant 3328 : i32
    %add3A_30 = arith.addi %mul3A_4, %add3A_29 : i32
    %run_scoped3A_31 = arith.constant 1 : i32
    "tpu.region"() ({
      %run_scoped3A_80 = tpu.sem_alloc : memref<!tpu.dma_semaphore, #tpu.memory_space<semaphore_mem>>
      %dma_start3A_81 = tpu.memref_slice %arg2[%run_scoped3A_31, %add3A_30] : memref<2x320000xi32, #tpu.memory_space<hbm>> -> memref<1x1664xi32, #tpu.memory_space<hbm>>
      %dma_start3A_82 = tpu.memref_squeeze %dma_start3A_81 : memref<1x1664xi32, #tpu.memory_space<hbm>> -> memref<1664xi32, #tpu.memory_space<hbm>>
      %dma_start3A_83 = tpu.memref_slice %arg2[%run_scoped3A_31, %add3A_30] : memref<2x320000xi32, #tpu.memory_space<hbm>> -> memref<1x1664xi32, #tpu.memory_space<hbm>>
      %dma_start3A_84 = tpu.memref_squeeze %dma_start3A_83 : memref<1x1664xi32, #tpu.memory_space<hbm>> -> memref<1664xi32, #tpu.memory_space<hbm>>
      tpu.enqueue_dma source(%dma_start3A_84 : memref<1664xi32, #tpu.memory_space<hbm>>) target(%arg7 : memref<1664xi32, #tpu.memory_space<vmem>>) target_semaphore(%run_scoped3A_80 : memref<!tpu.dma_semaphore, #tpu.memory_space<semaphore_mem>>)
      %dma_wait3A_85 = tpu.memref_slice %arg2[%run_scoped3A_31, %add3A_30] : memref<2x320000xi32, #tpu.memory_space<hbm>> -> memref<1x1664xi32, #tpu.memory_space<hbm>>
      %dma_wait3A_86 = tpu.memref_squeeze %dma_wait3A_85 : memref<1x1664xi32, #tpu.memory_space<hbm>> -> memref<1664xi32, #tpu.memory_space<hbm>>
      %dma_wait3A_87 = tpu.memref_slice %arg2[%run_scoped3A_31, %add3A_30] : memref<2x320000xi32, #tpu.memory_space<hbm>> -> memref<1x1664xi32, #tpu.memory_space<hbm>>
      %dma_wait3A_88 = tpu.memref_squeeze %dma_wait3A_87 : memref<1x1664xi32, #tpu.memory_space<hbm>> -> memref<1664xi32, #tpu.memory_space<hbm>>
      tpu.wait_dma2 semaphore(%run_scoped3A_80 : memref<!tpu.dma_semaphore, #tpu.memory_space<semaphore_mem>>) src(%dma_wait3A_88 : memref<1664xi32, #tpu.memory_space<hbm>>) dst(%arg7 : memref<1664xi32, #tpu.memory_space<vmem>>)
      tpu.yield
    }) : () -> ()
    %dma_start3A_32 = arith.constant 0 : i32
    %dma_start3A_33 = arith.constant 0 : i32
    %dma_start3A_34 = tpu.memref_slice %arg6[%dma_start3A_32, %dma_start3A_33] : memref<10112x16xf32, #tpu.memory_space<vmem_shared>> -> memref<10112x16xf32, #tpu.memory_space<vmem_shared>>
    tpu.enqueue_indirect_dma source(%arg10 : memref<1664x16xf32, #tpu.memory_space<vmem>>) target(%dma_start3A_34 : memref<10112x16xf32, #tpu.memory_space<vmem_shared>>) offsets(%arg7 : memref<1664xi32, #tpu.memory_space<vmem>>) semaphore(%arg12 : memref<!tpu.dma_semaphore, #tpu.memory_space<semaphore_mem>>) {add = true}
    %dma_wait3A_35 = arith.constant 0 : i32
    %dma_wait3A_36 = arith.constant 0 : i32
    %dma_wait3A_37 = tpu.memref_slice %arg6[%dma_wait3A_35, %dma_wait3A_36] : memref<10112x16xf32, #tpu.memory_space<vmem_shared>> -> memref<10112x16xf32, #tpu.memory_space<vmem_shared>>
    tpu.wait_indirect_dma semaphore(%arg13 : memref<!tpu.dma_semaphore, #tpu.memory_space<semaphore_mem>>) src(%arg10 : memref<1664x16xf32, #tpu.memory_space<vmem>>) dst(%dma_wait3A_37 : memref<10112x16xf32, #tpu.memory_space<vmem_shared>>)
    %add3A_38 = arith.constant 4992 : i32
    %add3A_39 = arith.addi %mul3A_4, %add3A_38 : i32
    %run_scoped3A_40 = arith.constant 1 : i32
    "tpu.region"() ({
      %run_scoped3A_80 = tpu.sem_alloc : memref<!tpu.dma_semaphore, #tpu.memory_space<semaphore_mem>>
      %dma_start3A_81 = tpu.memref_slice %arg2[%run_scoped3A_40, %add3A_39] : memref<2x320000xi32, #tpu.memory_space<hbm>> -> memref<1x1664xi32, #tpu.memory_space<hbm>>
      %dma_start3A_82 = tpu.memref_squeeze %dma_start3A_81 : memref<1x1664xi32, #tpu.memory_space<hbm>> -> memref<1664xi32, #tpu.memory_space<hbm>>
      %dma_start3A_83 = tpu.memref_slice %arg2[%run_scoped3A_40, %add3A_39] : memref<2x320000xi32, #tpu.memory_space<hbm>> -> memref<1x1664xi32, #tpu.memory_space<hbm>>
      %dma_start3A_84 = tpu.memref_squeeze %dma_start3A_83 : memref<1x1664xi32, #tpu.memory_space<hbm>> -> memref<1664xi32, #tpu.memory_space<hbm>>
      tpu.enqueue_dma source(%dma_start3A_84 : memref<1664xi32, #tpu.memory_space<hbm>>) target(%arg8 : memref<1664xi32, #tpu.memory_space<vmem>>) target_semaphore(%run_scoped3A_80 : memref<!tpu.dma_semaphore, #tpu.memory_space<semaphore_mem>>)
      %dma_wait3A_85 = tpu.memref_slice %arg2[%run_scoped3A_40, %add3A_39] : memref<2x320000xi32, #tpu.memory_space<hbm>> -> memref<1x1664xi32, #tpu.memory_space<hbm>>
      %dma_wait3A_86 = tpu.memref_squeeze %dma_wait3A_85 : memref<1x1664xi32, #tpu.memory_space<hbm>> -> memref<1664xi32, #tpu.memory_space<hbm>>
      %dma_wait3A_87 = tpu.memref_slice %arg2[%run_scoped3A_40, %add3A_39] : memref<2x320000xi32, #tpu.memory_space<hbm>> -> memref<1x1664xi32, #tpu.memory_space<hbm>>
      %dma_wait3A_88 = tpu.memref_squeeze %dma_wait3A_87 : memref<1x1664xi32, #tpu.memory_space<hbm>> -> memref<1664xi32, #tpu.memory_space<hbm>>
      tpu.wait_dma2 semaphore(%run_scoped3A_80 : memref<!tpu.dma_semaphore, #tpu.memory_space<semaphore_mem>>) src(%dma_wait3A_88 : memref<1664xi32, #tpu.memory_space<hbm>>) dst(%arg8 : memref<1664xi32, #tpu.memory_space<vmem>>)
      tpu.yield
    }) : () -> ()
    %dma_start3A_41 = arith.constant 0 : i32
    %dma_start3A_42 = arith.constant 0 : i32
    %dma_start3A_43 = tpu.memref_slice %arg6[%dma_start3A_41, %dma_start3A_42] : memref<10112x16xf32, #tpu.memory_space<vmem_shared>> -> memref<10112x16xf32, #tpu.memory_space<vmem_shared>>
    tpu.enqueue_indirect_dma source(%arg10 : memref<1664x16xf32, #tpu.memory_space<vmem>>) target(%dma_start3A_43 : memref<10112x16xf32, #tpu.memory_space<vmem_shared>>) offsets(%arg8 : memref<1664xi32, #tpu.memory_space<vmem>>) semaphore(%arg13 : memref<!tpu.dma_semaphore, #tpu.memory_space<semaphore_mem>>) {add = true}
    %dma_wait3A_44 = arith.constant 0 : i32
    %dma_wait3A_45 = arith.constant 0 : i32
    %dma_wait3A_46 = tpu.memref_slice %arg6[%dma_wait3A_44, %dma_wait3A_45] : memref<10112x16xf32, #tpu.memory_space<vmem_shared>> -> memref<10112x16xf32, #tpu.memory_space<vmem_shared>>
    tpu.wait_indirect_dma semaphore(%arg12 : memref<!tpu.dma_semaphore, #tpu.memory_space<semaphore_mem>>) src(%arg10 : memref<1664x16xf32, #tpu.memory_space<vmem>>) dst(%dma_wait3A_46 : memref<10112x16xf32, #tpu.memory_space<vmem_shared>>)
    %add3A_47 = arith.constant 6656 : i32
    %add3A_48 = arith.addi %mul3A_4, %add3A_47 : i32
    %run_scoped3A_49 = arith.constant 1 : i32
    "tpu.region"() ({
      %run_scoped3A_80 = tpu.sem_alloc : memref<!tpu.dma_semaphore, #tpu.memory_space<semaphore_mem>>
      %dma_start3A_81 = tpu.memref_slice %arg2[%run_scoped3A_49, %add3A_48] : memref<2x320000xi32, #tpu.memory_space<hbm>> -> memref<1x1664xi32, #tpu.memory_space<hbm>>
      %dma_start3A_82 = tpu.memref_squeeze %dma_start3A_81 : memref<1x1664xi32, #tpu.memory_space<hbm>> -> memref<1664xi32, #tpu.memory_space<hbm>>
      %dma_start3A_83 = tpu.memref_slice %arg2[%run_scoped3A_49, %add3A_48] : memref<2x320000xi32, #tpu.memory_space<hbm>> -> memref<1x1664xi32, #tpu.memory_space<hbm>>
      %dma_start3A_84 = tpu.memref_squeeze %dma_start3A_83 : memref<1x1664xi32, #tpu.memory_space<hbm>> -> memref<1664xi32, #tpu.memory_space<hbm>>
      tpu.enqueue_dma source(%dma_start3A_84 : memref<1664xi32, #tpu.memory_space<hbm>>) target(%arg7 : memref<1664xi32, #tpu.memory_space<vmem>>) target_semaphore(%run_scoped3A_80 : memref<!tpu.dma_semaphore, #tpu.memory_space<semaphore_mem>>)
      %dma_wait3A_85 = tpu.memref_slice %arg2[%run_scoped3A_49, %add3A_48] : memref<2x320000xi32, #tpu.memory_space<hbm>> -> memref<1x1664xi32, #tpu.memory_space<hbm>>
      %dma_wait3A_86 = tpu.memref_squeeze %dma_wait3A_85 : memref<1x1664xi32, #tpu.memory_space<hbm>> -> memref<1664xi32, #tpu.memory_space<hbm>>
      %dma_wait3A_87 = tpu.memref_slice %arg2[%run_scoped3A_49, %add3A_48] : memref<2x320000xi32, #tpu.memory_space<hbm>> -> memref<1x1664xi32, #tpu.memory_space<hbm>>
      %dma_wait3A_88 = tpu.memref_squeeze %dma_wait3A_87 : memref<1x1664xi32, #tpu.memory_space<hbm>> -> memref<1664xi32, #tpu.memory_space<hbm>>
      tpu.wait_dma2 semaphore(%run_scoped3A_80 : memref<!tpu.dma_semaphore, #tpu.memory_space<semaphore_mem>>) src(%dma_wait3A_88 : memref<1664xi32, #tpu.memory_space<hbm>>) dst(%arg7 : memref<1664xi32, #tpu.memory_space<vmem>>)
      tpu.yield
    }) : () -> ()
    %dma_start3A_50 = arith.constant 0 : i32
    %dma_start3A_51 = arith.constant 0 : i32
    %dma_start3A_52 = tpu.memref_slice %arg6[%dma_start3A_50, %dma_start3A_51] : memref<10112x16xf32, #tpu.memory_space<vmem_shared>> -> memref<10112x16xf32, #tpu.memory_space<vmem_shared>>
    tpu.enqueue_indirect_dma source(%arg10 : memref<1664x16xf32, #tpu.memory_space<vmem>>) target(%dma_start3A_52 : memref<10112x16xf32, #tpu.memory_space<vmem_shared>>) offsets(%arg7 : memref<1664xi32, #tpu.memory_space<vmem>>) semaphore(%arg12 : memref<!tpu.dma_semaphore, #tpu.memory_space<semaphore_mem>>) {add = true}
    %dma_wait3A_53 = arith.constant 0 : i32
    %dma_wait3A_54 = arith.constant 0 : i32
    %dma_wait3A_55 = tpu.memref_slice %arg6[%dma_wait3A_53, %dma_wait3A_54] : memref<10112x16xf32, #tpu.memory_space<vmem_shared>> -> memref<10112x16xf32, #tpu.memory_space<vmem_shared>>
    tpu.wait_indirect_dma semaphore(%arg13 : memref<!tpu.dma_semaphore, #tpu.memory_space<semaphore_mem>>) src(%arg10 : memref<1664x16xf32, #tpu.memory_space<vmem>>) dst(%dma_wait3A_55 : memref<10112x16xf32, #tpu.memory_space<vmem_shared>>)
    %add3A_56 = arith.constant 8320 : i32
    %add3A_57 = arith.addi %mul3A_4, %add3A_56 : i32
    %run_scoped3A_58 = arith.constant 1 : i32
    "tpu.region"() ({
      %run_scoped3A_80 = tpu.sem_alloc : memref<!tpu.dma_semaphore, #tpu.memory_space<semaphore_mem>>
      %dma_start3A_81 = tpu.memref_slice %arg2[%run_scoped3A_58, %add3A_57] : memref<2x320000xi32, #tpu.memory_space<hbm>> -> memref<1x1664xi32, #tpu.memory_space<hbm>>
      %dma_start3A_82 = tpu.memref_squeeze %dma_start3A_81 : memref<1x1664xi32, #tpu.memory_space<hbm>> -> memref<1664xi32, #tpu.memory_space<hbm>>
      %dma_start3A_83 = tpu.memref_slice %arg2[%run_scoped3A_58, %add3A_57] : memref<2x320000xi32, #tpu.memory_space<hbm>> -> memref<1x1664xi32, #tpu.memory_space<hbm>>
      %dma_start3A_84 = tpu.memref_squeeze %dma_start3A_83 : memref<1x1664xi32, #tpu.memory_space<hbm>> -> memref<1664xi32, #tpu.memory_space<hbm>>
      tpu.enqueue_dma source(%dma_start3A_84 : memref<1664xi32, #tpu.memory_space<hbm>>) target(%arg8 : memref<1664xi32, #tpu.memory_space<vmem>>) target_semaphore(%run_scoped3A_80 : memref<!tpu.dma_semaphore, #tpu.memory_space<semaphore_mem>>)
      %dma_wait3A_85 = tpu.memref_slice %arg2[%run_scoped3A_58, %add3A_57] : memref<2x320000xi32, #tpu.memory_space<hbm>> -> memref<1x1664xi32, #tpu.memory_space<hbm>>
      %dma_wait3A_86 = tpu.memref_squeeze %dma_wait3A_85 : memref<1x1664xi32, #tpu.memory_space<hbm>> -> memref<1664xi32, #tpu.memory_space<hbm>>
      %dma_wait3A_87 = tpu.memref_slice %arg2[%run_scoped3A_58, %add3A_57] : memref<2x320000xi32, #tpu.memory_space<hbm>> -> memref<1x1664xi32, #tpu.memory_space<hbm>>
      %dma_wait3A_88 = tpu.memref_squeeze %dma_wait3A_87 : memref<1x1664xi32, #tpu.memory_space<hbm>> -> memref<1664xi32, #tpu.memory_space<hbm>>
      tpu.wait_dma2 semaphore(%run_scoped3A_80 : memref<!tpu.dma_semaphore, #tpu.memory_space<semaphore_mem>>) src(%dma_wait3A_88 : memref<1664xi32, #tpu.memory_space<hbm>>) dst(%arg8 : memref<1664xi32, #tpu.memory_space<vmem>>)
      tpu.yield
    }) : () -> ()
    %dma_start3A_59 = arith.constant 0 : i32
    %dma_start3A_60 = arith.constant 0 : i32
    %dma_start3A_61 = tpu.memref_slice %arg6[%dma_start3A_59, %dma_start3A_60] : memref<10112x16xf32, #tpu.memory_space<vmem_shared>> -> memref<10112x16xf32, #tpu.memory_space<vmem_shared>>
    tpu.enqueue_indirect_dma source(%arg10 : memref<1664x16xf32, #tpu.memory_space<vmem>>) target(%dma_start3A_61 : memref<10112x16xf32, #tpu.memory_space<vmem_shared>>) offsets(%arg8 : memref<1664xi32, #tpu.memory_space<vmem>>) semaphore(%arg13 : memref<!tpu.dma_semaphore, #tpu.memory_space<semaphore_mem>>) {add = true}
    %run_scoped3A_62 = arith.constant 1 : i32
    "tpu.region"() ({
      %run_scoped3A_80 = tpu.sem_alloc : memref<!tpu.dma_semaphore, #tpu.memory_space<semaphore_mem>>
      %dma_start3A_81 = arith.constant 319488 : i32
      %dma_start3A_82 = tpu.memref_slice %arg2[%run_scoped3A_62, %dma_start3A_81] : memref<2x320000xi32, #tpu.memory_space<hbm>> -> memref<1x512xi32, #tpu.memory_space<hbm>>
      %dma_start3A_83 = tpu.memref_squeeze %dma_start3A_82 : memref<1x512xi32, #tpu.memory_space<hbm>> -> memref<512xi32, #tpu.memory_space<hbm>>
      %dma_start3A_84 = arith.constant 319488 : i32
      %dma_start3A_85 = tpu.memref_slice %arg2[%run_scoped3A_62, %dma_start3A_84] : memref<2x320000xi32, #tpu.memory_space<hbm>> -> memref<1x512xi32, #tpu.memory_space<hbm>>
      %dma_start3A_86 = tpu.memref_squeeze %dma_start3A_85 : memref<1x512xi32, #tpu.memory_space<hbm>> -> memref<512xi32, #tpu.memory_space<hbm>>
      tpu.enqueue_dma source(%dma_start3A_86 : memref<512xi32, #tpu.memory_space<hbm>>) target(%arg9 : memref<512xi32, #tpu.memory_space<vmem>>) target_semaphore(%run_scoped3A_80 : memref<!tpu.dma_semaphore, #tpu.memory_space<semaphore_mem>>)
      %dma_wait3A_87 = arith.constant 319488 : i32
      %dma_wait3A_88 = tpu.memref_slice %arg2[%run_scoped3A_62, %dma_wait3A_87] : memref<2x320000xi32, #tpu.memory_space<hbm>> -> memref<1x512xi32, #tpu.memory_space<hbm>>
      %dma_wait3A_89 = tpu.memref_squeeze %dma_wait3A_88 : memref<1x512xi32, #tpu.memory_space<hbm>> -> memref<512xi32, #tpu.memory_space<hbm>>
      %dma_wait3A_90 = arith.constant 319488 : i32
      %dma_wait3A_91 = tpu.memref_slice %arg2[%run_scoped3A_62, %dma_wait3A_90] : memref<2x320000xi32, #tpu.memory_space<hbm>> -> memref<1x512xi32, #tpu.memory_space<hbm>>
      %dma_wait3A_92 = tpu.memref_squeeze %dma_wait3A_91 : memref<1x512xi32, #tpu.memory_space<hbm>> -> memref<512xi32, #tpu.memory_space<hbm>>
      tpu.wait_dma2 semaphore(%run_scoped3A_80 : memref<!tpu.dma_semaphore, #tpu.memory_space<semaphore_mem>>) src(%dma_wait3A_92 : memref<512xi32, #tpu.memory_space<hbm>>) dst(%arg9 : memref<512xi32, #tpu.memory_space<vmem>>)
      tpu.yield
    }) : () -> ()
    %dma_start3A_63 = arith.constant 0 : i32
    %dma_start3A_64 = arith.constant 0 : i32
    %dma_start3A_65 = tpu.memref_slice %arg6[%dma_start3A_63, %dma_start3A_64] : memref<10112x16xf32, #tpu.memory_space<vmem_shared>> -> memref<10112x16xf32, #tpu.memory_space<vmem_shared>>
    tpu.enqueue_indirect_dma source(%arg11 : memref<512x16xf32, #tpu.memory_space<vmem>>) target(%dma_start3A_65 : memref<10112x16xf32, #tpu.memory_space<vmem_shared>>) offsets(%arg9 : memref<512xi32, #tpu.memory_space<vmem>>) semaphore(%arg12 : memref<!tpu.dma_semaphore, #tpu.memory_space<semaphore_mem>>) {add = true}
    %dma_wait3A_66 = arith.constant 0 : i32
    %dma_wait3A_67 = arith.constant 0 : i32
    %dma_wait3A_68 = tpu.memref_slice %arg6[%dma_wait3A_66, %dma_wait3A_67] : memref<10112x16xf32, #tpu.memory_space<vmem_shared>> -> memref<10112x16xf32, #tpu.memory_space<vmem_shared>>
    tpu.wait_indirect_dma semaphore(%arg12 : memref<!tpu.dma_semaphore, #tpu.memory_space<semaphore_mem>>) src(%arg10 : memref<1664x16xf32, #tpu.memory_space<vmem>>) dst(%dma_wait3A_68 : memref<10112x16xf32, #tpu.memory_space<vmem_shared>>)
    %dma_wait3A_69 = arith.constant 0 : i32
    %dma_wait3A_70 = arith.constant 0 : i32
    %dma_wait3A_71 = tpu.memref_slice %arg6[%dma_wait3A_69, %dma_wait3A_70] : memref<10112x16xf32, #tpu.memory_space<vmem_shared>> -> memref<10112x16xf32, #tpu.memory_space<vmem_shared>>
    tpu.wait_indirect_dma semaphore(%arg13 : memref<!tpu.dma_semaphore, #tpu.memory_space<semaphore_mem>>) src(%arg10 : memref<1664x16xf32, #tpu.memory_space<vmem>>) dst(%dma_wait3A_71 : memref<10112x16xf32, #tpu.memory_space<vmem_shared>>)
    %dma_wait3A_72 = arith.constant 0 : i32
    %dma_wait3A_73 = arith.constant 0 : i32
    %dma_wait3A_74 = tpu.memref_slice %arg6[%dma_wait3A_72, %dma_wait3A_73] : memref<10112x16xf32, #tpu.memory_space<vmem_shared>> -> memref<10112x16xf32, #tpu.memory_space<vmem_shared>>
    tpu.wait_indirect_dma semaphore(%arg12 : memref<!tpu.dma_semaphore, #tpu.memory_space<semaphore_mem>>) src(%arg11 : memref<512x16xf32, #tpu.memory_space<vmem>>) dst(%dma_wait3A_74 : memref<10112x16xf32, #tpu.memory_space<vmem_shared>>)
    %barrier3A_75 = arith.constant 0 : index
    tpu.barrier barrier_id(%barrier3A_75)
    %mul3A_76 = arith.constant 632 : i32
    %mul3A_77 = arith.muli %arg1, %mul3A_76 : i32
    %mul3A_78 = arith.constant 632 : i32
    %mul3A_79 = arith.muli %arg1, %mul3A_78 : i32
    "tpu.region"() ({
      %run_scoped3A_80 = tpu.sem_alloc : memref<!tpu.dma_semaphore, #tpu.memory_space<semaphore_mem>>
      %dma_start3A_81 = arith.constant 0 : i32
      %dma_start3A_82 = tpu.memref_slice %arg5[%arg0, %mul3A_79, %dma_start3A_81] : memref<2x10112x16xf32, #tpu.memory_space<hbm>> -> memref<1x632x16xf32, #tpu.memory_space<hbm>>
      %dma_start3A_83 = tpu.memref_squeeze %dma_start3A_82 : memref<1x632x16xf32, #tpu.memory_space<hbm>> -> memref<632x16xf32, #tpu.memory_space<hbm>>
      %dma_start3A_84 = arith.constant 0 : i32
      %dma_start3A_85 = tpu.memref_slice %arg6[%mul3A_77, %dma_start3A_84] : memref<10112x16xf32, #tpu.memory_space<vmem_shared>> -> memref<632x16xf32, #tpu.memory_space<vmem_shared>>
      tpu.enqueue_dma source(%dma_start3A_85 : memref<632x16xf32, #tpu.memory_space<vmem_shared>>) target(%dma_start3A_83 : memref<632x16xf32, #tpu.memory_space<hbm>>) target_semaphore(%run_scoped3A_80 : memref<!tpu.dma_semaphore, #tpu.memory_space<semaphore_mem>>)
      %dma_wait3A_86 = arith.constant 0 : i32
      %dma_wait3A_87 = tpu.memref_slice %arg5[%arg0, %mul3A_79, %dma_wait3A_86] : memref<2x10112x16xf32, #tpu.memory_space<hbm>> -> memref<1x632x16xf32, #tpu.memory_space<hbm>>
      %dma_wait3A_88 = tpu.memref_squeeze %dma_wait3A_87 : memref<1x632x16xf32, #tpu.memory_space<hbm>> -> memref<632x16xf32, #tpu.memory_space<hbm>>
      %dma_wait3A_89 = arith.constant 0 : i32
      %dma_wait3A_90 = tpu.memref_slice %arg6[%mul3A_77, %dma_wait3A_89] : memref<10112x16xf32, #tpu.memory_space<vmem_shared>> -> memref<632x16xf32, #tpu.memory_space<vmem_shared>>
      tpu.wait_dma2 semaphore(%run_scoped3A_80 : memref<!tpu.dma_semaphore, #tpu.memory_space<semaphore_mem>>) src(%dma_wait3A_90 : memref<632x16xf32, #tpu.memory_space<vmem_shared>>) dst(%dma_wait3A_88 : memref<632x16xf32, #tpu.memory_space<hbm>>)
      tpu.yield
    }) : () -> ()
    return
  }
}

#map = affine_map<(d0, d1) -> (0, 0)>
#map1 = affine_map<(d0, d1) -> (0, 0, 0)>
module attributes {stable_mosaic.version = 14 : i64} {
  func.func @_prop_kernel(%arg0: i32, %arg1: i32, %arg2: memref<10112x16xf32, #tpu.memory_space<hbm>>, %arg3: memref<2x320000xi32, #tpu.memory_space<hbm>>, %arg4: memref<632x16xf32, #tpu.memory_space<hbm>>, %arg5: memref<2x10112x16xf32, #tpu.memory_space<hbm>>, %arg6: memref<10112x16xf32, #tpu.memory_space<vmem_shared>>, %arg7: memref<10112x16xf32, #tpu.memory_space<vmem_shared>>, %arg8: memref<1664xi32, #tpu.memory_space<vmem>>, %arg9: memref<1664xi32, #tpu.memory_space<vmem>>, %arg10: memref<1664xi32, #tpu.memory_space<vmem>>, %arg11: memref<1664xi32, #tpu.memory_space<vmem>>, %arg12: memref<512xi32, #tpu.memory_space<vmem>>, %arg13: memref<512xi32, #tpu.memory_space<vmem>>, %arg14: memref<1664x16xf32, #tpu.memory_space<vmem>>, %arg15: memref<1664x16xf32, #tpu.memory_space<vmem>>, %arg16: memref<!tpu.dma_semaphore, #tpu.memory_space<semaphore_mem>>, %arg17: memref<!tpu.dma_semaphore, #tpu.memory_space<semaphore_mem>>, %arg18: memref<!tpu.dma_semaphore, #tpu.memory_space<semaphore_mem>>, %arg19: memref<!tpu.dma_semaphore, #tpu.memory_space<semaphore_mem>>) attributes {dimension_semantics = [#tpu.dimension_semantics<core_parallel>, #tpu.dimension_semantics<subcore_parallel>], iteration_bounds = array<i64: 2, 16>, scalar_prefetch = 0 : i64, scratch_operands = 14 : i64, tpu.core_type = #tpu.core_type<sc_vector_subcore>, window_params = [{transform_indices = #map}, {transform_indices = #map}, {transform_indices = #map}, {transform_indices = #map1}]} {
    %mul3A = arith.constant 16 : i32
    %mul3A_0 = arith.muli %arg0, %mul3A : i32
    %add3A = arith.addi %mul3A_0, %arg1 : i32
    %mul3A_1 = arith.constant 78 : i32
    %mul3A_2 = arith.muli %add3A, %mul3A_1 : i32
    %mul3A_3 = arith.constant 128 : i32
    %mul3A_4 = arith.muli %mul3A_2, %mul3A_3 : i32
    %eq3A = arith.constant 15 : i32
    %eq3A_5 = arith.cmpi eq, %add3A, %eq3A : i32
    %jit3A = arith.constant 1.000000e+00 : f32
    %jit3A_6 = arith.constant 0.000000e+00 : f32
    %select_n3A = arith.select %eq3A_5, %jit3A, %jit3A_6 : f32
    %eq3A_7 = arith.constant 31 : i32
    %eq3A_8 = arith.cmpi eq, %add3A, %eq3A_7 : i32
    %jit3A_9 = arith.constant 1.000000e+00 : f32
    %jit3A_10 = arith.constant 0.000000e+00 : f32
    %select_n3A_11 = arith.select %eq3A_8, %jit3A_9, %jit3A_10 : f32
    %mul3A_12 = arith.constant 632 : i32
    %mul3A_13 = arith.muli %arg1, %mul3A_12 : i32
    "tpu.region"() ({
      %run_scoped3A_147 = tpu.sem_alloc : memref<!tpu.dma_semaphore, #tpu.memory_space<semaphore_mem>>
      %dma_start3A_148 = arith.constant 0 : i32
      %dma_start3A_149 = tpu.memref_slice %arg6[%mul3A_13, %dma_start3A_148] : memref<10112x16xf32, #tpu.memory_space<vmem_shared>> -> memref<632x16xf32, #tpu.memory_space<vmem_shared>>
      tpu.enqueue_dma source(%arg4 : memref<632x16xf32, #tpu.memory_space<hbm>>) target(%dma_start3A_149 : memref<632x16xf32, #tpu.memory_space<vmem_shared>>) target_semaphore(%run_scoped3A_147 : memref<!tpu.dma_semaphore, #tpu.memory_space<semaphore_mem>>)
      %dma_wait3A_150 = arith.constant 0 : i32
      %dma_wait3A_151 = tpu.memref_slice %arg6[%mul3A_13, %dma_wait3A_150] : memref<10112x16xf32, #tpu.memory_space<vmem_shared>> -> memref<632x16xf32, #tpu.memory_space<vmem_shared>>
      tpu.wait_dma2 semaphore(%run_scoped3A_147 : memref<!tpu.dma_semaphore, #tpu.memory_space<semaphore_mem>>) src(%arg4 : memref<632x16xf32, #tpu.memory_space<hbm>>) dst(%dma_wait3A_151 : memref<632x16xf32, #tpu.memory_space<vmem_shared>>)
      tpu.yield
    }) : () -> ()
    %mul3A_14 = arith.constant 632 : i32
    %mul3A_15 = arith.muli %arg1, %mul3A_14 : i32
    %mul3A_16 = arith.constant 632 : i32
    %mul3A_17 = arith.muli %arg1, %mul3A_16 : i32
    "tpu.region"() ({
      %run_scoped3A_147 = tpu.sem_alloc : memref<!tpu.dma_semaphore, #tpu.memory_space<semaphore_mem>>
      %dma_start3A_148 = arith.constant 0 : i32
      %dma_start3A_149 = tpu.memref_slice %arg7[%mul3A_17, %dma_start3A_148] : memref<10112x16xf32, #tpu.memory_space<vmem_shared>> -> memref<632x16xf32, #tpu.memory_space<vmem_shared>>
      %dma_start3A_150 = arith.constant 0 : i32
      %dma_start3A_151 = tpu.memref_slice %arg2[%mul3A_15, %dma_start3A_150] : memref<10112x16xf32, #tpu.memory_space<hbm>> -> memref<632x16xf32, #tpu.memory_space<hbm>>
      tpu.enqueue_dma source(%dma_start3A_151 : memref<632x16xf32, #tpu.memory_space<hbm>>) target(%dma_start3A_149 : memref<632x16xf32, #tpu.memory_space<vmem_shared>>) target_semaphore(%run_scoped3A_147 : memref<!tpu.dma_semaphore, #tpu.memory_space<semaphore_mem>>)
      %dma_wait3A_152 = arith.constant 0 : i32
      %dma_wait3A_153 = tpu.memref_slice %arg7[%mul3A_17, %dma_wait3A_152] : memref<10112x16xf32, #tpu.memory_space<vmem_shared>> -> memref<632x16xf32, #tpu.memory_space<vmem_shared>>
      %dma_wait3A_154 = arith.constant 0 : i32
      %dma_wait3A_155 = tpu.memref_slice %arg2[%mul3A_15, %dma_wait3A_154] : memref<10112x16xf32, #tpu.memory_space<hbm>> -> memref<632x16xf32, #tpu.memory_space<hbm>>
      tpu.wait_dma2 semaphore(%run_scoped3A_147 : memref<!tpu.dma_semaphore, #tpu.memory_space<semaphore_mem>>) src(%dma_wait3A_155 : memref<632x16xf32, #tpu.memory_space<hbm>>) dst(%dma_wait3A_153 : memref<632x16xf32, #tpu.memory_space<vmem_shared>>)
      tpu.yield
    }) : () -> ()
    %barrier3A = arith.constant 0 : index
    tpu.barrier barrier_id(%barrier3A)
    %add3A_18 = arith.constant 0 : i32
    %add3A_19 = arith.addi %mul3A_4, %add3A_18 : i32
    %run_scoped3A = arith.constant 0 : i32
    "tpu.region"() ({
      %run_scoped3A_147 = tpu.sem_alloc : memref<!tpu.dma_semaphore, #tpu.memory_space<semaphore_mem>>
      %dma_start3A_148 = tpu.memref_slice %arg3[%run_scoped3A, %add3A_19] : memref<2x320000xi32, #tpu.memory_space<hbm>> -> memref<1x1664xi32, #tpu.memory_space<hbm>>
      %dma_start3A_149 = tpu.memref_squeeze %dma_start3A_148 : memref<1x1664xi32, #tpu.memory_space<hbm>> -> memref<1664xi32, #tpu.memory_space<hbm>>
      %dma_start3A_150 = tpu.memref_slice %arg3[%run_scoped3A, %add3A_19] : memref<2x320000xi32, #tpu.memory_space<hbm>> -> memref<1x1664xi32, #tpu.memory_space<hbm>>
      %dma_start3A_151 = tpu.memref_squeeze %dma_start3A_150 : memref<1x1664xi32, #tpu.memory_space<hbm>> -> memref<1664xi32, #tpu.memory_space<hbm>>
      tpu.enqueue_dma source(%dma_start3A_151 : memref<1664xi32, #tpu.memory_space<hbm>>) target(%arg8 : memref<1664xi32, #tpu.memory_space<vmem>>) target_semaphore(%run_scoped3A_147 : memref<!tpu.dma_semaphore, #tpu.memory_space<semaphore_mem>>)
      %dma_wait3A_152 = tpu.memref_slice %arg3[%run_scoped3A, %add3A_19] : memref<2x320000xi32, #tpu.memory_space<hbm>> -> memref<1x1664xi32, #tpu.memory_space<hbm>>
      %dma_wait3A_153 = tpu.memref_squeeze %dma_wait3A_152 : memref<1x1664xi32, #tpu.memory_space<hbm>> -> memref<1664xi32, #tpu.memory_space<hbm>>
      %dma_wait3A_154 = tpu.memref_slice %arg3[%run_scoped3A, %add3A_19] : memref<2x320000xi32, #tpu.memory_space<hbm>> -> memref<1x1664xi32, #tpu.memory_space<hbm>>
      %dma_wait3A_155 = tpu.memref_squeeze %dma_wait3A_154 : memref<1x1664xi32, #tpu.memory_space<hbm>> -> memref<1664xi32, #tpu.memory_space<hbm>>
      tpu.wait_dma2 semaphore(%run_scoped3A_147 : memref<!tpu.dma_semaphore, #tpu.memory_space<semaphore_mem>>) src(%dma_wait3A_155 : memref<1664xi32, #tpu.memory_space<hbm>>) dst(%arg8 : memref<1664xi32, #tpu.memory_space<vmem>>)
      tpu.yield
    }) : () -> ()
    %run_scoped3A_20 = arith.constant 1 : i32
    "tpu.region"() ({
      %run_scoped3A_147 = tpu.sem_alloc : memref<!tpu.dma_semaphore, #tpu.memory_space<semaphore_mem>>
      %dma_start3A_148 = tpu.memref_slice %arg3[%run_scoped3A_20, %add3A_19] : memref<2x320000xi32, #tpu.memory_space<hbm>> -> memref<1x1664xi32, #tpu.memory_space<hbm>>
      %dma_start3A_149 = tpu.memref_squeeze %dma_start3A_148 : memref<1x1664xi32, #tpu.memory_space<hbm>> -> memref<1664xi32, #tpu.memory_space<hbm>>
      %dma_start3A_150 = tpu.memref_slice %arg3[%run_scoped3A_20, %add3A_19] : memref<2x320000xi32, #tpu.memory_space<hbm>> -> memref<1x1664xi32, #tpu.memory_space<hbm>>
      %dma_start3A_151 = tpu.memref_squeeze %dma_start3A_150 : memref<1x1664xi32, #tpu.memory_space<hbm>> -> memref<1664xi32, #tpu.memory_space<hbm>>
      tpu.enqueue_dma source(%dma_start3A_151 : memref<1664xi32, #tpu.memory_space<hbm>>) target(%arg10 : memref<1664xi32, #tpu.memory_space<vmem>>) target_semaphore(%run_scoped3A_147 : memref<!tpu.dma_semaphore, #tpu.memory_space<semaphore_mem>>)
      %dma_wait3A_152 = tpu.memref_slice %arg3[%run_scoped3A_20, %add3A_19] : memref<2x320000xi32, #tpu.memory_space<hbm>> -> memref<1x1664xi32, #tpu.memory_space<hbm>>
      %dma_wait3A_153 = tpu.memref_squeeze %dma_wait3A_152 : memref<1x1664xi32, #tpu.memory_space<hbm>> -> memref<1664xi32, #tpu.memory_space<hbm>>
      %dma_wait3A_154 = tpu.memref_slice %arg3[%run_scoped3A_20, %add3A_19] : memref<2x320000xi32, #tpu.memory_space<hbm>> -> memref<1x1664xi32, #tpu.memory_space<hbm>>
      %dma_wait3A_155 = tpu.memref_squeeze %dma_wait3A_154 : memref<1x1664xi32, #tpu.memory_space<hbm>> -> memref<1664xi32, #tpu.memory_space<hbm>>
      tpu.wait_dma2 semaphore(%run_scoped3A_147 : memref<!tpu.dma_semaphore, #tpu.memory_space<semaphore_mem>>) src(%dma_wait3A_155 : memref<1664xi32, #tpu.memory_space<hbm>>) dst(%arg10 : memref<1664xi32, #tpu.memory_space<vmem>>)
      tpu.yield
    }) : () -> ()
    %dma_start3A = arith.constant 0 : i32
    %dma_start3A_21 = arith.constant 0 : i32
    %dma_start3A_22 = tpu.memref_slice %arg7[%dma_start3A, %dma_start3A_21] : memref<10112x16xf32, #tpu.memory_space<vmem_shared>> -> memref<10112x16xf32, #tpu.memory_space<vmem_shared>>
    tpu.enqueue_indirect_dma source(%dma_start3A_22 : memref<10112x16xf32, #tpu.memory_space<vmem_shared>>) target(%arg14 : memref<1664x16xf32, #tpu.memory_space<vmem>>) offsets(%arg8 : memref<1664xi32, #tpu.memory_space<vmem>>) semaphore(%arg16 : memref<!tpu.dma_semaphore, #tpu.memory_space<semaphore_mem>>)
    %dma_wait3A = arith.constant 0 : i32
    %dma_wait3A_23 = arith.constant 0 : i32
    %dma_wait3A_24 = tpu.memref_slice %arg7[%dma_wait3A, %dma_wait3A_23] : memref<10112x16xf32, #tpu.memory_space<vmem_shared>> -> memref<10112x16xf32, #tpu.memory_space<vmem_shared>>
    tpu.wait_indirect_dma semaphore(%arg16 : memref<!tpu.dma_semaphore, #tpu.memory_space<semaphore_mem>>) src(%dma_wait3A_24 : memref<10112x16xf32, #tpu.memory_space<vmem_shared>>) dst(%arg14 : memref<1664x16xf32, #tpu.memory_space<vmem>>)
    %dma_start3A_25 = arith.constant 0 : i32
    %dma_start3A_26 = arith.constant 0 : i32
    %dma_start3A_27 = tpu.memref_slice %arg6[%dma_start3A_25, %dma_start3A_26] : memref<10112x16xf32, #tpu.memory_space<vmem_shared>> -> memref<10112x16xf32, #tpu.memory_space<vmem_shared>>
    tpu.enqueue_indirect_dma source(%arg14 : memref<1664x16xf32, #tpu.memory_space<vmem>>) target(%dma_start3A_27 : memref<10112x16xf32, #tpu.memory_space<vmem_shared>>) offsets(%arg10 : memref<1664xi32, #tpu.memory_space<vmem>>) semaphore(%arg18 : memref<!tpu.dma_semaphore, #tpu.memory_space<semaphore_mem>>) {add = true}
    %add3A_28 = arith.constant 1664 : i32
    %add3A_29 = arith.addi %mul3A_4, %add3A_28 : i32
    %run_scoped3A_30 = arith.constant 0 : i32
    "tpu.region"() ({
      %run_scoped3A_147 = tpu.sem_alloc : memref<!tpu.dma_semaphore, #tpu.memory_space<semaphore_mem>>
      %dma_start3A_148 = tpu.memref_slice %arg3[%run_scoped3A_30, %add3A_29] : memref<2x320000xi32, #tpu.memory_space<hbm>> -> memref<1x1664xi32, #tpu.memory_space<hbm>>
      %dma_start3A_149 = tpu.memref_squeeze %dma_start3A_148 : memref<1x1664xi32, #tpu.memory_space<hbm>> -> memref<1664xi32, #tpu.memory_space<hbm>>
      %dma_start3A_150 = tpu.memref_slice %arg3[%run_scoped3A_30, %add3A_29] : memref<2x320000xi32, #tpu.memory_space<hbm>> -> memref<1x1664xi32, #tpu.memory_space<hbm>>
      %dma_start3A_151 = tpu.memref_squeeze %dma_start3A_150 : memref<1x1664xi32, #tpu.memory_space<hbm>> -> memref<1664xi32, #tpu.memory_space<hbm>>
      tpu.enqueue_dma source(%dma_start3A_151 : memref<1664xi32, #tpu.memory_space<hbm>>) target(%arg9 : memref<1664xi32, #tpu.memory_space<vmem>>) target_semaphore(%run_scoped3A_147 : memref<!tpu.dma_semaphore, #tpu.memory_space<semaphore_mem>>)
      %dma_wait3A_152 = tpu.memref_slice %arg3[%run_scoped3A_30, %add3A_29] : memref<2x320000xi32, #tpu.memory_space<hbm>> -> memref<1x1664xi32, #tpu.memory_space<hbm>>
      %dma_wait3A_153 = tpu.memref_squeeze %dma_wait3A_152 : memref<1x1664xi32, #tpu.memory_space<hbm>> -> memref<1664xi32, #tpu.memory_space<hbm>>
      %dma_wait3A_154 = tpu.memref_slice %arg3[%run_scoped3A_30, %add3A_29] : memref<2x320000xi32, #tpu.memory_space<hbm>> -> memref<1x1664xi32, #tpu.memory_space<hbm>>
      %dma_wait3A_155 = tpu.memref_squeeze %dma_wait3A_154 : memref<1x1664xi32, #tpu.memory_space<hbm>> -> memref<1664xi32, #tpu.memory_space<hbm>>
      tpu.wait_dma2 semaphore(%run_scoped3A_147 : memref<!tpu.dma_semaphore, #tpu.memory_space<semaphore_mem>>) src(%dma_wait3A_155 : memref<1664xi32, #tpu.memory_space<hbm>>) dst(%arg9 : memref<1664xi32, #tpu.memory_space<vmem>>)
      tpu.yield
    }) : () -> ()
    %run_scoped3A_31 = arith.constant 1 : i32
    "tpu.region"() ({
      %run_scoped3A_147 = tpu.sem_alloc : memref<!tpu.dma_semaphore, #tpu.memory_space<semaphore_mem>>
      %dma_start3A_148 = tpu.memref_slice %arg3[%run_scoped3A_31, %add3A_29] : memref<2x320000xi32, #tpu.memory_space<hbm>> -> memref<1x1664xi32, #tpu.memory_space<hbm>>
      %dma_start3A_149 = tpu.memref_squeeze %dma_start3A_148 : memref<1x1664xi32, #tpu.memory_space<hbm>> -> memref<1664xi32, #tpu.memory_space<hbm>>
      %dma_start3A_150 = tpu.memref_slice %arg3[%run_scoped3A_31, %add3A_29] : memref<2x320000xi32, #tpu.memory_space<hbm>> -> memref<1x1664xi32, #tpu.memory_space<hbm>>
      %dma_start3A_151 = tpu.memref_squeeze %dma_start3A_150 : memref<1x1664xi32, #tpu.memory_space<hbm>> -> memref<1664xi32, #tpu.memory_space<hbm>>
      tpu.enqueue_dma source(%dma_start3A_151 : memref<1664xi32, #tpu.memory_space<hbm>>) target(%arg11 : memref<1664xi32, #tpu.memory_space<vmem>>) target_semaphore(%run_scoped3A_147 : memref<!tpu.dma_semaphore, #tpu.memory_space<semaphore_mem>>)
      %dma_wait3A_152 = tpu.memref_slice %arg3[%run_scoped3A_31, %add3A_29] : memref<2x320000xi32, #tpu.memory_space<hbm>> -> memref<1x1664xi32, #tpu.memory_space<hbm>>
      %dma_wait3A_153 = tpu.memref_squeeze %dma_wait3A_152 : memref<1x1664xi32, #tpu.memory_space<hbm>> -> memref<1664xi32, #tpu.memory_space<hbm>>
      %dma_wait3A_154 = tpu.memref_slice %arg3[%run_scoped3A_31, %add3A_29] : memref<2x320000xi32, #tpu.memory_space<hbm>> -> memref<1x1664xi32, #tpu.memory_space<hbm>>
      %dma_wait3A_155 = tpu.memref_squeeze %dma_wait3A_154 : memref<1x1664xi32, #tpu.memory_space<hbm>> -> memref<1664xi32, #tpu.memory_space<hbm>>
      tpu.wait_dma2 semaphore(%run_scoped3A_147 : memref<!tpu.dma_semaphore, #tpu.memory_space<semaphore_mem>>) src(%dma_wait3A_155 : memref<1664xi32, #tpu.memory_space<hbm>>) dst(%arg11 : memref<1664xi32, #tpu.memory_space<vmem>>)
      tpu.yield
    }) : () -> ()
    %dma_start3A_32 = arith.constant 0 : i32
    %dma_start3A_33 = arith.constant 0 : i32
    %dma_start3A_34 = tpu.memref_slice %arg7[%dma_start3A_32, %dma_start3A_33] : memref<10112x16xf32, #tpu.memory_space<vmem_shared>> -> memref<10112x16xf32, #tpu.memory_space<vmem_shared>>
    tpu.enqueue_indirect_dma source(%dma_start3A_34 : memref<10112x16xf32, #tpu.memory_space<vmem_shared>>) target(%arg15 : memref<1664x16xf32, #tpu.memory_space<vmem>>) offsets(%arg9 : memref<1664xi32, #tpu.memory_space<vmem>>) semaphore(%arg17 : memref<!tpu.dma_semaphore, #tpu.memory_space<semaphore_mem>>)
    %dma_wait3A_35 = arith.constant 0 : i32
    %dma_wait3A_36 = arith.constant 0 : i32
    %dma_wait3A_37 = tpu.memref_slice %arg7[%dma_wait3A_35, %dma_wait3A_36] : memref<10112x16xf32, #tpu.memory_space<vmem_shared>> -> memref<10112x16xf32, #tpu.memory_space<vmem_shared>>
    tpu.wait_indirect_dma semaphore(%arg17 : memref<!tpu.dma_semaphore, #tpu.memory_space<semaphore_mem>>) src(%dma_wait3A_37 : memref<10112x16xf32, #tpu.memory_space<vmem_shared>>) dst(%arg15 : memref<1664x16xf32, #tpu.memory_space<vmem>>)
    %dma_start3A_38 = arith.constant 0 : i32
    %dma_start3A_39 = arith.constant 0 : i32
    %dma_start3A_40 = tpu.memref_slice %arg6[%dma_start3A_38, %dma_start3A_39] : memref<10112x16xf32, #tpu.memory_space<vmem_shared>> -> memref<10112x16xf32, #tpu.memory_space<vmem_shared>>
    tpu.enqueue_indirect_dma source(%arg15 : memref<1664x16xf32, #tpu.memory_space<vmem>>) target(%dma_start3A_40 : memref<10112x16xf32, #tpu.memory_space<vmem_shared>>) offsets(%arg11 : memref<1664xi32, #tpu.memory_space<vmem>>) semaphore(%arg19 : memref<!tpu.dma_semaphore, #tpu.memory_space<semaphore_mem>>) {add = true}
    %dma_wait3A_41 = arith.constant 0 : i32
    %dma_wait3A_42 = arith.constant 0 : i32
    %dma_wait3A_43 = tpu.memref_slice %arg6[%dma_wait3A_41, %dma_wait3A_42] : memref<10112x16xf32, #tpu.memory_space<vmem_shared>> -> memref<10112x16xf32, #tpu.memory_space<vmem_shared>>
    tpu.wait_indirect_dma semaphore(%arg18 : memref<!tpu.dma_semaphore, #tpu.memory_space<semaphore_mem>>) src(%arg14 : memref<1664x16xf32, #tpu.memory_space<vmem>>) dst(%dma_wait3A_43 : memref<10112x16xf32, #tpu.memory_space<vmem_shared>>)
    %add3A_44 = arith.constant 3328 : i32
    %add3A_45 = arith.addi %mul3A_4, %add3A_44 : i32
    %run_scoped3A_46 = arith.constant 0 : i32
    "tpu.region"() ({
      %run_scoped3A_147 = tpu.sem_alloc : memref<!tpu.dma_semaphore, #tpu.memory_space<semaphore_mem>>
      %dma_start3A_148 = tpu.memref_slice %arg3[%run_scoped3A_46, %add3A_45] : memref<2x320000xi32, #tpu.memory_space<hbm>> -> memref<1x1664xi32, #tpu.memory_space<hbm>>
      %dma_start3A_149 = tpu.memref_squeeze %dma_start3A_148 : memref<1x1664xi32, #tpu.memory_space<hbm>> -> memref<1664xi32, #tpu.memory_space<hbm>>
      %dma_start3A_150 = tpu.memref_slice %arg3[%run_scoped3A_46, %add3A_45] : memref<2x320000xi32, #tpu.memory_space<hbm>> -> memref<1x1664xi32, #tpu.memory_space<hbm>>
      %dma_start3A_151 = tpu.memref_squeeze %dma_start3A_150 : memref<1x1664xi32, #tpu.memory_space<hbm>> -> memref<1664xi32, #tpu.memory_space<hbm>>
      tpu.enqueue_dma source(%dma_start3A_151 : memref<1664xi32, #tpu.memory_space<hbm>>) target(%arg8 : memref<1664xi32, #tpu.memory_space<vmem>>) target_semaphore(%run_scoped3A_147 : memref<!tpu.dma_semaphore, #tpu.memory_space<semaphore_mem>>)
      %dma_wait3A_152 = tpu.memref_slice %arg3[%run_scoped3A_46, %add3A_45] : memref<2x320000xi32, #tpu.memory_space<hbm>> -> memref<1x1664xi32, #tpu.memory_space<hbm>>
      %dma_wait3A_153 = tpu.memref_squeeze %dma_wait3A_152 : memref<1x1664xi32, #tpu.memory_space<hbm>> -> memref<1664xi32, #tpu.memory_space<hbm>>
      %dma_wait3A_154 = tpu.memref_slice %arg3[%run_scoped3A_46, %add3A_45] : memref<2x320000xi32, #tpu.memory_space<hbm>> -> memref<1x1664xi32, #tpu.memory_space<hbm>>
      %dma_wait3A_155 = tpu.memref_squeeze %dma_wait3A_154 : memref<1x1664xi32, #tpu.memory_space<hbm>> -> memref<1664xi32, #tpu.memory_space<hbm>>
      tpu.wait_dma2 semaphore(%run_scoped3A_147 : memref<!tpu.dma_semaphore, #tpu.memory_space<semaphore_mem>>) src(%dma_wait3A_155 : memref<1664xi32, #tpu.memory_space<hbm>>) dst(%arg8 : memref<1664xi32, #tpu.memory_space<vmem>>)
      tpu.yield
    }) : () -> ()
    %run_scoped3A_47 = arith.constant 1 : i32
    "tpu.region"() ({
      %run_scoped3A_147 = tpu.sem_alloc : memref<!tpu.dma_semaphore, #tpu.memory_space<semaphore_mem>>
      %dma_start3A_148 = tpu.memref_slice %arg3[%run_scoped3A_47, %add3A_45] : memref<2x320000xi32, #tpu.memory_space<hbm>> -> memref<1x1664xi32, #tpu.memory_space<hbm>>
      %dma_start3A_149 = tpu.memref_squeeze %dma_start3A_148 : memref<1x1664xi32, #tpu.memory_space<hbm>> -> memref<1664xi32, #tpu.memory_space<hbm>>
      %dma_start3A_150 = tpu.memref_slice %arg3[%run_scoped3A_47, %add3A_45] : memref<2x320000xi32, #tpu.memory_space<hbm>> -> memref<1x1664xi32, #tpu.memory_space<hbm>>
      %dma_start3A_151 = tpu.memref_squeeze %dma_start3A_150 : memref<1x1664xi32, #tpu.memory_space<hbm>> -> memref<1664xi32, #tpu.memory_space<hbm>>
      tpu.enqueue_dma source(%dma_start3A_151 : memref<1664xi32, #tpu.memory_space<hbm>>) target(%arg10 : memref<1664xi32, #tpu.memory_space<vmem>>) target_semaphore(%run_scoped3A_147 : memref<!tpu.dma_semaphore, #tpu.memory_space<semaphore_mem>>)
      %dma_wait3A_152 = tpu.memref_slice %arg3[%run_scoped3A_47, %add3A_45] : memref<2x320000xi32, #tpu.memory_space<hbm>> -> memref<1x1664xi32, #tpu.memory_space<hbm>>
      %dma_wait3A_153 = tpu.memref_squeeze %dma_wait3A_152 : memref<1x1664xi32, #tpu.memory_space<hbm>> -> memref<1664xi32, #tpu.memory_space<hbm>>
      %dma_wait3A_154 = tpu.memref_slice %arg3[%run_scoped3A_47, %add3A_45] : memref<2x320000xi32, #tpu.memory_space<hbm>> -> memref<1x1664xi32, #tpu.memory_space<hbm>>
      %dma_wait3A_155 = tpu.memref_squeeze %dma_wait3A_154 : memref<1x1664xi32, #tpu.memory_space<hbm>> -> memref<1664xi32, #tpu.memory_space<hbm>>
      tpu.wait_dma2 semaphore(%run_scoped3A_147 : memref<!tpu.dma_semaphore, #tpu.memory_space<semaphore_mem>>) src(%dma_wait3A_155 : memref<1664xi32, #tpu.memory_space<hbm>>) dst(%arg10 : memref<1664xi32, #tpu.memory_space<vmem>>)
      tpu.yield
    }) : () -> ()
    %dma_start3A_48 = arith.constant 0 : i32
    %dma_start3A_49 = arith.constant 0 : i32
    %dma_start3A_50 = tpu.memref_slice %arg7[%dma_start3A_48, %dma_start3A_49] : memref<10112x16xf32, #tpu.memory_space<vmem_shared>> -> memref<10112x16xf32, #tpu.memory_space<vmem_shared>>
    tpu.enqueue_indirect_dma source(%dma_start3A_50 : memref<10112x16xf32, #tpu.memory_space<vmem_shared>>) target(%arg14 : memref<1664x16xf32, #tpu.memory_space<vmem>>) offsets(%arg8 : memref<1664xi32, #tpu.memory_space<vmem>>) semaphore(%arg16 : memref<!tpu.dma_semaphore, #tpu.memory_space<semaphore_mem>>)
    %dma_wait3A_51 = arith.constant 0 : i32
    %dma_wait3A_52 = arith.constant 0 : i32
    %dma_wait3A_53 = tpu.memref_slice %arg7[%dma_wait3A_51, %dma_wait3A_52] : memref<10112x16xf32, #tpu.memory_space<vmem_shared>> -> memref<10112x16xf32, #tpu.memory_space<vmem_shared>>
    tpu.wait_indirect_dma semaphore(%arg16 : memref<!tpu.dma_semaphore, #tpu.memory_space<semaphore_mem>>) src(%dma_wait3A_53 : memref<10112x16xf32, #tpu.memory_space<vmem_shared>>) dst(%arg14 : memref<1664x16xf32, #tpu.memory_space<vmem>>)
    %dma_start3A_54 = arith.constant 0 : i32
    %dma_start3A_55 = arith.constant 0 : i32
    %dma_start3A_56 = tpu.memref_slice %arg6[%dma_start3A_54, %dma_start3A_55] : memref<10112x16xf32, #tpu.memory_space<vmem_shared>> -> memref<10112x16xf32, #tpu.memory_space<vmem_shared>>
    tpu.enqueue_indirect_dma source(%arg14 : memref<1664x16xf32, #tpu.memory_space<vmem>>) target(%dma_start3A_56 : memref<10112x16xf32, #tpu.memory_space<vmem_shared>>) offsets(%arg10 : memref<1664xi32, #tpu.memory_space<vmem>>) semaphore(%arg18 : memref<!tpu.dma_semaphore, #tpu.memory_space<semaphore_mem>>) {add = true}
    %dma_wait3A_57 = arith.constant 0 : i32
    %dma_wait3A_58 = arith.constant 0 : i32
    %dma_wait3A_59 = tpu.memref_slice %arg6[%dma_wait3A_57, %dma_wait3A_58] : memref<10112x16xf32, #tpu.memory_space<vmem_shared>> -> memref<10112x16xf32, #tpu.memory_space<vmem_shared>>
    tpu.wait_indirect_dma semaphore(%arg19 : memref<!tpu.dma_semaphore, #tpu.memory_space<semaphore_mem>>) src(%arg15 : memref<1664x16xf32, #tpu.memory_space<vmem>>) dst(%dma_wait3A_59 : memref<10112x16xf32, #tpu.memory_space<vmem_shared>>)
    %add3A_60 = arith.constant 4992 : i32
    %add3A_61 = arith.addi %mul3A_4, %add3A_60 : i32
    %run_scoped3A_62 = arith.constant 0 : i32
    "tpu.region"() ({
      %run_scoped3A_147 = tpu.sem_alloc : memref<!tpu.dma_semaphore, #tpu.memory_space<semaphore_mem>>
      %dma_start3A_148 = tpu.memref_slice %arg3[%run_scoped3A_62, %add3A_61] : memref<2x320000xi32, #tpu.memory_space<hbm>> -> memref<1x1664xi32, #tpu.memory_space<hbm>>
      %dma_start3A_149 = tpu.memref_squeeze %dma_start3A_148 : memref<1x1664xi32, #tpu.memory_space<hbm>> -> memref<1664xi32, #tpu.memory_space<hbm>>
      %dma_start3A_150 = tpu.memref_slice %arg3[%run_scoped3A_62, %add3A_61] : memref<2x320000xi32, #tpu.memory_space<hbm>> -> memref<1x1664xi32, #tpu.memory_space<hbm>>
      %dma_start3A_151 = tpu.memref_squeeze %dma_start3A_150 : memref<1x1664xi32, #tpu.memory_space<hbm>> -> memref<1664xi32, #tpu.memory_space<hbm>>
      tpu.enqueue_dma source(%dma_start3A_151 : memref<1664xi32, #tpu.memory_space<hbm>>) target(%arg9 : memref<1664xi32, #tpu.memory_space<vmem>>) target_semaphore(%run_scoped3A_147 : memref<!tpu.dma_semaphore, #tpu.memory_space<semaphore_mem>>)
      %dma_wait3A_152 = tpu.memref_slice %arg3[%run_scoped3A_62, %add3A_61] : memref<2x320000xi32, #tpu.memory_space<hbm>> -> memref<1x1664xi32, #tpu.memory_space<hbm>>
      %dma_wait3A_153 = tpu.memref_squeeze %dma_wait3A_152 : memref<1x1664xi32, #tpu.memory_space<hbm>> -> memref<1664xi32, #tpu.memory_space<hbm>>
      %dma_wait3A_154 = tpu.memref_slice %arg3[%run_scoped3A_62, %add3A_61] : memref<2x320000xi32, #tpu.memory_space<hbm>> -> memref<1x1664xi32, #tpu.memory_space<hbm>>
      %dma_wait3A_155 = tpu.memref_squeeze %dma_wait3A_154 : memref<1x1664xi32, #tpu.memory_space<hbm>> -> memref<1664xi32, #tpu.memory_space<hbm>>
      tpu.wait_dma2 semaphore(%run_scoped3A_147 : memref<!tpu.dma_semaphore, #tpu.memory_space<semaphore_mem>>) src(%dma_wait3A_155 : memref<1664xi32, #tpu.memory_space<hbm>>) dst(%arg9 : memref<1664xi32, #tpu.memory_space<vmem>>)
      tpu.yield
    }) : () -> ()
    %run_scoped3A_63 = arith.constant 1 : i32
    "tpu.region"() ({
      %run_scoped3A_147 = tpu.sem_alloc : memref<!tpu.dma_semaphore, #tpu.memory_space<semaphore_mem>>
      %dma_start3A_148 = tpu.memref_slice %arg3[%run_scoped3A_63, %add3A_61] : memref<2x320000xi32, #tpu.memory_space<hbm>> -> memref<1x1664xi32, #tpu.memory_space<hbm>>
      %dma_start3A_149 = tpu.memref_squeeze %dma_start3A_148 : memref<1x1664xi32, #tpu.memory_space<hbm>> -> memref<1664xi32, #tpu.memory_space<hbm>>
      %dma_start3A_150 = tpu.memref_slice %arg3[%run_scoped3A_63, %add3A_61] : memref<2x320000xi32, #tpu.memory_space<hbm>> -> memref<1x1664xi32, #tpu.memory_space<hbm>>
      %dma_start3A_151 = tpu.memref_squeeze %dma_start3A_150 : memref<1x1664xi32, #tpu.memory_space<hbm>> -> memref<1664xi32, #tpu.memory_space<hbm>>
      tpu.enqueue_dma source(%dma_start3A_151 : memref<1664xi32, #tpu.memory_space<hbm>>) target(%arg11 : memref<1664xi32, #tpu.memory_space<vmem>>) target_semaphore(%run_scoped3A_147 : memref<!tpu.dma_semaphore, #tpu.memory_space<semaphore_mem>>)
      %dma_wait3A_152 = tpu.memref_slice %arg3[%run_scoped3A_63, %add3A_61] : memref<2x320000xi32, #tpu.memory_space<hbm>> -> memref<1x1664xi32, #tpu.memory_space<hbm>>
      %dma_wait3A_153 = tpu.memref_squeeze %dma_wait3A_152 : memref<1x1664xi32, #tpu.memory_space<hbm>> -> memref<1664xi32, #tpu.memory_space<hbm>>
      %dma_wait3A_154 = tpu.memref_slice %arg3[%run_scoped3A_63, %add3A_61] : memref<2x320000xi32, #tpu.memory_space<hbm>> -> memref<1x1664xi32, #tpu.memory_space<hbm>>
      %dma_wait3A_155 = tpu.memref_squeeze %dma_wait3A_154 : memref<1x1664xi32, #tpu.memory_space<hbm>> -> memref<1664xi32, #tpu.memory_space<hbm>>
      tpu.wait_dma2 semaphore(%run_scoped3A_147 : memref<!tpu.dma_semaphore, #tpu.memory_space<semaphore_mem>>) src(%dma_wait3A_155 : memref<1664xi32, #tpu.memory_space<hbm>>) dst(%arg11 : memref<1664xi32, #tpu.memory_space<vmem>>)
      tpu.yield
    }) : () -> ()
    %dma_start3A_64 = arith.constant 0 : i32
    %dma_start3A_65 = arith.constant 0 : i32
    %dma_start3A_66 = tpu.memref_slice %arg7[%dma_start3A_64, %dma_start3A_65] : memref<10112x16xf32, #tpu.memory_space<vmem_shared>> -> memref<10112x16xf32, #tpu.memory_space<vmem_shared>>
    tpu.enqueue_indirect_dma source(%dma_start3A_66 : memref<10112x16xf32, #tpu.memory_space<vmem_shared>>) target(%arg15 : memref<1664x16xf32, #tpu.memory_space<vmem>>) offsets(%arg9 : memref<1664xi32, #tpu.memory_space<vmem>>) semaphore(%arg17 : memref<!tpu.dma_semaphore, #tpu.memory_space<semaphore_mem>>)
    %dma_wait3A_67 = arith.constant 0 : i32
    %dma_wait3A_68 = arith.constant 0 : i32
    %dma_wait3A_69 = tpu.memref_slice %arg7[%dma_wait3A_67, %dma_wait3A_68] : memref<10112x16xf32, #tpu.memory_space<vmem_shared>> -> memref<10112x16xf32, #tpu.memory_space<vmem_shared>>
    tpu.wait_indirect_dma semaphore(%arg17 : memref<!tpu.dma_semaphore, #tpu.memory_space<semaphore_mem>>) src(%dma_wait3A_69 : memref<10112x16xf32, #tpu.memory_space<vmem_shared>>) dst(%arg15 : memref<1664x16xf32, #tpu.memory_space<vmem>>)
    %dma_start3A_70 = arith.constant 0 : i32
    %dma_start3A_71 = arith.constant 0 : i32
    %dma_start3A_72 = tpu.memref_slice %arg6[%dma_start3A_70, %dma_start3A_71] : memref<10112x16xf32, #tpu.memory_space<vmem_shared>> -> memref<10112x16xf32, #tpu.memory_space<vmem_shared>>
    tpu.enqueue_indirect_dma source(%arg15 : memref<1664x16xf32, #tpu.memory_space<vmem>>) target(%dma_start3A_72 : memref<10112x16xf32, #tpu.memory_space<vmem_shared>>) offsets(%arg11 : memref<1664xi32, #tpu.memory_space<vmem>>) semaphore(%arg19 : memref<!tpu.dma_semaphore, #tpu.memory_space<semaphore_mem>>) {add = true}
    %dma_wait3A_73 = arith.constant 0 : i32
    %dma_wait3A_74 = arith.constant 0 : i32
    %dma_wait3A_75 = tpu.memref_slice %arg6[%dma_wait3A_73, %dma_wait3A_74] : memref<10112x16xf32, #tpu.memory_space<vmem_shared>> -> memref<10112x16xf32, #tpu.memory_space<vmem_shared>>
    tpu.wait_indirect_dma semaphore(%arg18 : memref<!tpu.dma_semaphore, #tpu.memory_space<semaphore_mem>>) src(%arg14 : memref<1664x16xf32, #tpu.memory_space<vmem>>) dst(%dma_wait3A_75 : memref<10112x16xf32, #tpu.memory_space<vmem_shared>>)
    %add3A_76 = arith.constant 6656 : i32
    %add3A_77 = arith.addi %mul3A_4, %add3A_76 : i32
    %run_scoped3A_78 = arith.constant 0 : i32
    "tpu.region"() ({
      %run_scoped3A_147 = tpu.sem_alloc : memref<!tpu.dma_semaphore, #tpu.memory_space<semaphore_mem>>
      %dma_start3A_148 = tpu.memref_slice %arg3[%run_scoped3A_78, %add3A_77] : memref<2x320000xi32, #tpu.memory_space<hbm>> -> memref<1x1664xi32, #tpu.memory_space<hbm>>
      %dma_start3A_149 = tpu.memref_squeeze %dma_start3A_148 : memref<1x1664xi32, #tpu.memory_space<hbm>> -> memref<1664xi32, #tpu.memory_space<hbm>>
      %dma_start3A_150 = tpu.memref_slice %arg3[%run_scoped3A_78, %add3A_77] : memref<2x320000xi32, #tpu.memory_space<hbm>> -> memref<1x1664xi32, #tpu.memory_space<hbm>>
      %dma_start3A_151 = tpu.memref_squeeze %dma_start3A_150 : memref<1x1664xi32, #tpu.memory_space<hbm>> -> memref<1664xi32, #tpu.memory_space<hbm>>
      tpu.enqueue_dma source(%dma_start3A_151 : memref<1664xi32, #tpu.memory_space<hbm>>) target(%arg8 : memref<1664xi32, #tpu.memory_space<vmem>>) target_semaphore(%run_scoped3A_147 : memref<!tpu.dma_semaphore, #tpu.memory_space<semaphore_mem>>)
      %dma_wait3A_152 = tpu.memref_slice %arg3[%run_scoped3A_78, %add3A_77] : memref<2x320000xi32, #tpu.memory_space<hbm>> -> memref<1x1664xi32, #tpu.memory_space<hbm>>
      %dma_wait3A_153 = tpu.memref_squeeze %dma_wait3A_152 : memref<1x1664xi32, #tpu.memory_space<hbm>> -> memref<1664xi32, #tpu.memory_space<hbm>>
      %dma_wait3A_154 = tpu.memref_slice %arg3[%run_scoped3A_78, %add3A_77] : memref<2x320000xi32, #tpu.memory_space<hbm>> -> memref<1x1664xi32, #tpu.memory_space<hbm>>
      %dma_wait3A_155 = tpu.memref_squeeze %dma_wait3A_154 : memref<1x1664xi32, #tpu.memory_space<hbm>> -> memref<1664xi32, #tpu.memory_space<hbm>>
      tpu.wait_dma2 semaphore(%run_scoped3A_147 : memref<!tpu.dma_semaphore, #tpu.memory_space<semaphore_mem>>) src(%dma_wait3A_155 : memref<1664xi32, #tpu.memory_space<hbm>>) dst(%arg8 : memref<1664xi32, #tpu.memory_space<vmem>>)
      tpu.yield
    }) : () -> ()
    %run_scoped3A_79 = arith.constant 1 : i32
    "tpu.region"() ({
      %run_scoped3A_147 = tpu.sem_alloc : memref<!tpu.dma_semaphore, #tpu.memory_space<semaphore_mem>>
      %dma_start3A_148 = tpu.memref_slice %arg3[%run_scoped3A_79, %add3A_77] : memref<2x320000xi32, #tpu.memory_space<hbm>> -> memref<1x1664xi32, #tpu.memory_space<hbm>>
      %dma_start3A_149 = tpu.memref_squeeze %dma_start3A_148 : memref<1x1664xi32, #tpu.memory_space<hbm>> -> memref<1664xi32, #tpu.memory_space<hbm>>
      %dma_start3A_150 = tpu.memref_slice %arg3[%run_scoped3A_79, %add3A_77] : memref<2x320000xi32, #tpu.memory_space<hbm>> -> memref<1x1664xi32, #tpu.memory_space<hbm>>
      %dma_start3A_151 = tpu.memref_squeeze %dma_start3A_150 : memref<1x1664xi32, #tpu.memory_space<hbm>> -> memref<1664xi32, #tpu.memory_space<hbm>>
      tpu.enqueue_dma source(%dma_start3A_151 : memref<1664xi32, #tpu.memory_space<hbm>>) target(%arg10 : memref<1664xi32, #tpu.memory_space<vmem>>) target_semaphore(%run_scoped3A_147 : memref<!tpu.dma_semaphore, #tpu.memory_space<semaphore_mem>>)
      %dma_wait3A_152 = tpu.memref_slice %arg3[%run_scoped3A_79, %add3A_77] : memref<2x320000xi32, #tpu.memory_space<hbm>> -> memref<1x1664xi32, #tpu.memory_space<hbm>>
      %dma_wait3A_153 = tpu.memref_squeeze %dma_wait3A_152 : memref<1x1664xi32, #tpu.memory_space<hbm>> -> memref<1664xi32, #tpu.memory_space<hbm>>
      %dma_wait3A_154 = tpu.memref_slice %arg3[%run_scoped3A_79, %add3A_77] : memref<2x320000xi32, #tpu.memory_space<hbm>> -> memref<1x1664xi32, #tpu.memory_space<hbm>>
      %dma_wait3A_155 = tpu.memref_squeeze %dma_wait3A_154 : memref<1x1664xi32, #tpu.memory_space<hbm>> -> memref<1664xi32, #tpu.memory_space<hbm>>
      tpu.wait_dma2 semaphore(%run_scoped3A_147 : memref<!tpu.dma_semaphore, #tpu.memory_space<semaphore_mem>>) src(%dma_wait3A_155 : memref<1664xi32, #tpu.memory_space<hbm>>) dst(%arg10 : memref<1664xi32, #tpu.memory_space<vmem>>)
      tpu.yield
    }) : () -> ()
    %dma_start3A_80 = arith.constant 0 : i32
    %dma_start3A_81 = arith.constant 0 : i32
    %dma_start3A_82 = tpu.memref_slice %arg7[%dma_start3A_80, %dma_start3A_81] : memref<10112x16xf32, #tpu.memory_space<vmem_shared>> -> memref<10112x16xf32, #tpu.memory_space<vmem_shared>>
    tpu.enqueue_indirect_dma source(%dma_start3A_82 : memref<10112x16xf32, #tpu.memory_space<vmem_shared>>) target(%arg14 : memref<1664x16xf32, #tpu.memory_space<vmem>>) offsets(%arg8 : memref<1664xi32, #tpu.memory_space<vmem>>) semaphore(%arg16 : memref<!tpu.dma_semaphore, #tpu.memory_space<semaphore_mem>>)
    %dma_wait3A_83 = arith.constant 0 : i32
    %dma_wait3A_84 = arith.constant 0 : i32
    %dma_wait3A_85 = tpu.memref_slice %arg7[%dma_wait3A_83, %dma_wait3A_84] : memref<10112x16xf32, #tpu.memory_space<vmem_shared>> -> memref<10112x16xf32, #tpu.memory_space<vmem_shared>>
    tpu.wait_indirect_dma semaphore(%arg16 : memref<!tpu.dma_semaphore, #tpu.memory_space<semaphore_mem>>) src(%dma_wait3A_85 : memref<10112x16xf32, #tpu.memory_space<vmem_shared>>) dst(%arg14 : memref<1664x16xf32, #tpu.memory_space<vmem>>)
    %dma_start3A_86 = arith.constant 0 : i32
    %dma_start3A_87 = arith.constant 0 : i32
    %dma_start3A_88 = tpu.memref_slice %arg6[%dma_start3A_86, %dma_start3A_87] : memref<10112x16xf32, #tpu.memory_space<vmem_shared>> -> memref<10112x16xf32, #tpu.memory_space<vmem_shared>>
    tpu.enqueue_indirect_dma source(%arg14 : memref<1664x16xf32, #tpu.memory_space<vmem>>) target(%dma_start3A_88 : memref<10112x16xf32, #tpu.memory_space<vmem_shared>>) offsets(%arg10 : memref<1664xi32, #tpu.memory_space<vmem>>) semaphore(%arg18 : memref<!tpu.dma_semaphore, #tpu.memory_space<semaphore_mem>>) {add = true}
    %dma_wait3A_89 = arith.constant 0 : i32
    %dma_wait3A_90 = arith.constant 0 : i32
    %dma_wait3A_91 = tpu.memref_slice %arg6[%dma_wait3A_89, %dma_wait3A_90] : memref<10112x16xf32, #tpu.memory_space<vmem_shared>> -> memref<10112x16xf32, #tpu.memory_space<vmem_shared>>
    tpu.wait_indirect_dma semaphore(%arg19 : memref<!tpu.dma_semaphore, #tpu.memory_space<semaphore_mem>>) src(%arg15 : memref<1664x16xf32, #tpu.memory_space<vmem>>) dst(%dma_wait3A_91 : memref<10112x16xf32, #tpu.memory_space<vmem_shared>>)
    %add3A_92 = arith.constant 8320 : i32
    %add3A_93 = arith.addi %mul3A_4, %add3A_92 : i32
    %run_scoped3A_94 = arith.constant 0 : i32
    "tpu.region"() ({
      %run_scoped3A_147 = tpu.sem_alloc : memref<!tpu.dma_semaphore, #tpu.memory_space<semaphore_mem>>
      %dma_start3A_148 = tpu.memref_slice %arg3[%run_scoped3A_94, %add3A_93] : memref<2x320000xi32, #tpu.memory_space<hbm>> -> memref<1x1664xi32, #tpu.memory_space<hbm>>
      %dma_start3A_149 = tpu.memref_squeeze %dma_start3A_148 : memref<1x1664xi32, #tpu.memory_space<hbm>> -> memref<1664xi32, #tpu.memory_space<hbm>>
      %dma_start3A_150 = tpu.memref_slice %arg3[%run_scoped3A_94, %add3A_93] : memref<2x320000xi32, #tpu.memory_space<hbm>> -> memref<1x1664xi32, #tpu.memory_space<hbm>>
      %dma_start3A_151 = tpu.memref_squeeze %dma_start3A_150 : memref<1x1664xi32, #tpu.memory_space<hbm>> -> memref<1664xi32, #tpu.memory_space<hbm>>
      tpu.enqueue_dma source(%dma_start3A_151 : memref<1664xi32, #tpu.memory_space<hbm>>) target(%arg9 : memref<1664xi32, #tpu.memory_space<vmem>>) target_semaphore(%run_scoped3A_147 : memref<!tpu.dma_semaphore, #tpu.memory_space<semaphore_mem>>)
      %dma_wait3A_152 = tpu.memref_slice %arg3[%run_scoped3A_94, %add3A_93] : memref<2x320000xi32, #tpu.memory_space<hbm>> -> memref<1x1664xi32, #tpu.memory_space<hbm>>
      %dma_wait3A_153 = tpu.memref_squeeze %dma_wait3A_152 : memref<1x1664xi32, #tpu.memory_space<hbm>> -> memref<1664xi32, #tpu.memory_space<hbm>>
      %dma_wait3A_154 = tpu.memref_slice %arg3[%run_scoped3A_94, %add3A_93] : memref<2x320000xi32, #tpu.memory_space<hbm>> -> memref<1x1664xi32, #tpu.memory_space<hbm>>
      %dma_wait3A_155 = tpu.memref_squeeze %dma_wait3A_154 : memref<1x1664xi32, #tpu.memory_space<hbm>> -> memref<1664xi32, #tpu.memory_space<hbm>>
      tpu.wait_dma2 semaphore(%run_scoped3A_147 : memref<!tpu.dma_semaphore, #tpu.memory_space<semaphore_mem>>) src(%dma_wait3A_155 : memref<1664xi32, #tpu.memory_space<hbm>>) dst(%arg9 : memref<1664xi32, #tpu.memory_space<vmem>>)
      tpu.yield
    }) : () -> ()
    %run_scoped3A_95 = arith.constant 1 : i32
    "tpu.region"() ({
      %run_scoped3A_147 = tpu.sem_alloc : memref<!tpu.dma_semaphore, #tpu.memory_space<semaphore_mem>>
      %dma_start3A_148 = tpu.memref_slice %arg3[%run_scoped3A_95, %add3A_93] : memref<2x320000xi32, #tpu.memory_space<hbm>> -> memref<1x1664xi32, #tpu.memory_space<hbm>>
      %dma_start3A_149 = tpu.memref_squeeze %dma_start3A_148 : memref<1x1664xi32, #tpu.memory_space<hbm>> -> memref<1664xi32, #tpu.memory_space<hbm>>
      %dma_start3A_150 = tpu.memref_slice %arg3[%run_scoped3A_95, %add3A_93] : memref<2x320000xi32, #tpu.memory_space<hbm>> -> memref<1x1664xi32, #tpu.memory_space<hbm>>
      %dma_start3A_151 = tpu.memref_squeeze %dma_start3A_150 : memref<1x1664xi32, #tpu.memory_space<hbm>> -> memref<1664xi32, #tpu.memory_space<hbm>>
      tpu.enqueue_dma source(%dma_start3A_151 : memref<1664xi32, #tpu.memory_space<hbm>>) target(%arg11 : memref<1664xi32, #tpu.memory_space<vmem>>) target_semaphore(%run_scoped3A_147 : memref<!tpu.dma_semaphore, #tpu.memory_space<semaphore_mem>>)
      %dma_wait3A_152 = tpu.memref_slice %arg3[%run_scoped3A_95, %add3A_93] : memref<2x320000xi32, #tpu.memory_space<hbm>> -> memref<1x1664xi32, #tpu.memory_space<hbm>>
      %dma_wait3A_153 = tpu.memref_squeeze %dma_wait3A_152 : memref<1x1664xi32, #tpu.memory_space<hbm>> -> memref<1664xi32, #tpu.memory_space<hbm>>
      %dma_wait3A_154 = tpu.memref_slice %arg3[%run_scoped3A_95, %add3A_93] : memref<2x320000xi32, #tpu.memory_space<hbm>> -> memref<1x1664xi32, #tpu.memory_space<hbm>>
      %dma_wait3A_155 = tpu.memref_squeeze %dma_wait3A_154 : memref<1x1664xi32, #tpu.memory_space<hbm>> -> memref<1664xi32, #tpu.memory_space<hbm>>
      tpu.wait_dma2 semaphore(%run_scoped3A_147 : memref<!tpu.dma_semaphore, #tpu.memory_space<semaphore_mem>>) src(%dma_wait3A_155 : memref<1664xi32, #tpu.memory_space<hbm>>) dst(%arg11 : memref<1664xi32, #tpu.memory_space<vmem>>)
      tpu.yield
    }) : () -> ()
    %dma_start3A_96 = arith.constant 0 : i32
    %dma_start3A_97 = arith.constant 0 : i32
    %dma_start3A_98 = tpu.memref_slice %arg7[%dma_start3A_96, %dma_start3A_97] : memref<10112x16xf32, #tpu.memory_space<vmem_shared>> -> memref<10112x16xf32, #tpu.memory_space<vmem_shared>>
    tpu.enqueue_indirect_dma source(%dma_start3A_98 : memref<10112x16xf32, #tpu.memory_space<vmem_shared>>) target(%arg15 : memref<1664x16xf32, #tpu.memory_space<vmem>>) offsets(%arg9 : memref<1664xi32, #tpu.memory_space<vmem>>) semaphore(%arg17 : memref<!tpu.dma_semaphore, #tpu.memory_space<semaphore_mem>>)
    %dma_wait3A_99 = arith.constant 0 : i32
    %dma_wait3A_100 = arith.constant 0 : i32
    %dma_wait3A_101 = tpu.memref_slice %arg7[%dma_wait3A_99, %dma_wait3A_100] : memref<10112x16xf32, #tpu.memory_space<vmem_shared>> -> memref<10112x16xf32, #tpu.memory_space<vmem_shared>>
    tpu.wait_indirect_dma semaphore(%arg17 : memref<!tpu.dma_semaphore, #tpu.memory_space<semaphore_mem>>) src(%dma_wait3A_101 : memref<10112x16xf32, #tpu.memory_space<vmem_shared>>) dst(%arg15 : memref<1664x16xf32, #tpu.memory_space<vmem>>)
    %dma_start3A_102 = arith.constant 0 : i32
    %dma_start3A_103 = arith.constant 0 : i32
    %dma_start3A_104 = tpu.memref_slice %arg6[%dma_start3A_102, %dma_start3A_103] : memref<10112x16xf32, #tpu.memory_space<vmem_shared>> -> memref<10112x16xf32, #tpu.memory_space<vmem_shared>>
    tpu.enqueue_indirect_dma source(%arg15 : memref<1664x16xf32, #tpu.memory_space<vmem>>) target(%dma_start3A_104 : memref<10112x16xf32, #tpu.memory_space<vmem_shared>>) offsets(%arg11 : memref<1664xi32, #tpu.memory_space<vmem>>) semaphore(%arg19 : memref<!tpu.dma_semaphore, #tpu.memory_space<semaphore_mem>>) {add = true}
    %dma_wait3A_105 = arith.constant 0 : i32
    %dma_wait3A_106 = arith.constant 0 : i32
    %dma_wait3A_107 = tpu.memref_slice %arg6[%dma_wait3A_105, %dma_wait3A_106] : memref<10112x16xf32, #tpu.memory_space<vmem_shared>> -> memref<10112x16xf32, #tpu.memory_space<vmem_shared>>
    tpu.wait_indirect_dma semaphore(%arg18 : memref<!tpu.dma_semaphore, #tpu.memory_space<semaphore_mem>>) src(%arg14 : memref<1664x16xf32, #tpu.memory_space<vmem>>) dst(%dma_wait3A_107 : memref<10112x16xf32, #tpu.memory_space<vmem_shared>>)
    %dma_wait3A_108 = arith.constant 0 : i32
    %dma_wait3A_109 = arith.constant 0 : i32
    %dma_wait3A_110 = tpu.memref_slice %arg6[%dma_wait3A_108, %dma_wait3A_109] : memref<10112x16xf32, #tpu.memory_space<vmem_shared>> -> memref<10112x16xf32, #tpu.memory_space<vmem_shared>>
    tpu.wait_indirect_dma semaphore(%arg19 : memref<!tpu.dma_semaphore, #tpu.memory_space<semaphore_mem>>) src(%arg15 : memref<1664x16xf32, #tpu.memory_space<vmem>>) dst(%dma_wait3A_110 : memref<10112x16xf32, #tpu.memory_space<vmem_shared>>)
    %run_scoped3A_111 = arith.constant 0 : i32
    "tpu.region"() ({
      %run_scoped3A_147 = tpu.sem_alloc : memref<!tpu.dma_semaphore, #tpu.memory_space<semaphore_mem>>
      %dma_start3A_148 = arith.constant 319488 : i32
      %dma_start3A_149 = tpu.memref_slice %arg3[%run_scoped3A_111, %dma_start3A_148] : memref<2x320000xi32, #tpu.memory_space<hbm>> -> memref<1x512xi32, #tpu.memory_space<hbm>>
      %dma_start3A_150 = tpu.memref_squeeze %dma_start3A_149 : memref<1x512xi32, #tpu.memory_space<hbm>> -> memref<512xi32, #tpu.memory_space<hbm>>
      %dma_start3A_151 = arith.constant 319488 : i32
      %dma_start3A_152 = tpu.memref_slice %arg3[%run_scoped3A_111, %dma_start3A_151] : memref<2x320000xi32, #tpu.memory_space<hbm>> -> memref<1x512xi32, #tpu.memory_space<hbm>>
      %dma_start3A_153 = tpu.memref_squeeze %dma_start3A_152 : memref<1x512xi32, #tpu.memory_space<hbm>> -> memref<512xi32, #tpu.memory_space<hbm>>
      tpu.enqueue_dma source(%dma_start3A_153 : memref<512xi32, #tpu.memory_space<hbm>>) target(%arg12 : memref<512xi32, #tpu.memory_space<vmem>>) target_semaphore(%run_scoped3A_147 : memref<!tpu.dma_semaphore, #tpu.memory_space<semaphore_mem>>)
      %dma_wait3A_154 = arith.constant 319488 : i32
      %dma_wait3A_155 = tpu.memref_slice %arg3[%run_scoped3A_111, %dma_wait3A_154] : memref<2x320000xi32, #tpu.memory_space<hbm>> -> memref<1x512xi32, #tpu.memory_space<hbm>>
      %dma_wait3A_156 = tpu.memref_squeeze %dma_wait3A_155 : memref<1x512xi32, #tpu.memory_space<hbm>> -> memref<512xi32, #tpu.memory_space<hbm>>
      %dma_wait3A_157 = arith.constant 319488 : i32
      %dma_wait3A_158 = tpu.memref_slice %arg3[%run_scoped3A_111, %dma_wait3A_157] : memref<2x320000xi32, #tpu.memory_space<hbm>> -> memref<1x512xi32, #tpu.memory_space<hbm>>
      %dma_wait3A_159 = tpu.memref_squeeze %dma_wait3A_158 : memref<1x512xi32, #tpu.memory_space<hbm>> -> memref<512xi32, #tpu.memory_space<hbm>>
      tpu.wait_dma2 semaphore(%run_scoped3A_147 : memref<!tpu.dma_semaphore, #tpu.memory_space<semaphore_mem>>) src(%dma_wait3A_159 : memref<512xi32, #tpu.memory_space<hbm>>) dst(%arg12 : memref<512xi32, #tpu.memory_space<vmem>>)
      tpu.yield
    }) : () -> ()
    %run_scoped3A_112 = arith.constant 1 : i32
    "tpu.region"() ({
      %run_scoped3A_147 = tpu.sem_alloc : memref<!tpu.dma_semaphore, #tpu.memory_space<semaphore_mem>>
      %dma_start3A_148 = arith.constant 319488 : i32
      %dma_start3A_149 = tpu.memref_slice %arg3[%run_scoped3A_112, %dma_start3A_148] : memref<2x320000xi32, #tpu.memory_space<hbm>> -> memref<1x512xi32, #tpu.memory_space<hbm>>
      %dma_start3A_150 = tpu.memref_squeeze %dma_start3A_149 : memref<1x512xi32, #tpu.memory_space<hbm>> -> memref<512xi32, #tpu.memory_space<hbm>>
      %dma_start3A_151 = arith.constant 319488 : i32
      %dma_start3A_152 = tpu.memref_slice %arg3[%run_scoped3A_112, %dma_start3A_151] : memref<2x320000xi32, #tpu.memory_space<hbm>> -> memref<1x512xi32, #tpu.memory_space<hbm>>
      %dma_start3A_153 = tpu.memref_squeeze %dma_start3A_152 : memref<1x512xi32, #tpu.memory_space<hbm>> -> memref<512xi32, #tpu.memory_space<hbm>>
      tpu.enqueue_dma source(%dma_start3A_153 : memref<512xi32, #tpu.memory_space<hbm>>) target(%arg13 : memref<512xi32, #tpu.memory_space<vmem>>) target_semaphore(%run_scoped3A_147 : memref<!tpu.dma_semaphore, #tpu.memory_space<semaphore_mem>>)
      %dma_wait3A_154 = arith.constant 319488 : i32
      %dma_wait3A_155 = tpu.memref_slice %arg3[%run_scoped3A_112, %dma_wait3A_154] : memref<2x320000xi32, #tpu.memory_space<hbm>> -> memref<1x512xi32, #tpu.memory_space<hbm>>
      %dma_wait3A_156 = tpu.memref_squeeze %dma_wait3A_155 : memref<1x512xi32, #tpu.memory_space<hbm>> -> memref<512xi32, #tpu.memory_space<hbm>>
      %dma_wait3A_157 = arith.constant 319488 : i32
      %dma_wait3A_158 = tpu.memref_slice %arg3[%run_scoped3A_112, %dma_wait3A_157] : memref<2x320000xi32, #tpu.memory_space<hbm>> -> memref<1x512xi32, #tpu.memory_space<hbm>>
      %dma_wait3A_159 = tpu.memref_squeeze %dma_wait3A_158 : memref<1x512xi32, #tpu.memory_space<hbm>> -> memref<512xi32, #tpu.memory_space<hbm>>
      tpu.wait_dma2 semaphore(%run_scoped3A_147 : memref<!tpu.dma_semaphore, #tpu.memory_space<semaphore_mem>>) src(%dma_wait3A_159 : memref<512xi32, #tpu.memory_space<hbm>>) dst(%arg13 : memref<512xi32, #tpu.memory_space<vmem>>)
      tpu.yield
    }) : () -> ()
    %dma_start3A_113 = arith.constant 0 : i32
    %dma_start3A_114 = arith.constant 0 : i32
    %dma_start3A_115 = tpu.memref_slice %arg14[%dma_start3A_113, %dma_start3A_114] : memref<1664x16xf32, #tpu.memory_space<vmem>> -> memref<512x16xf32, #tpu.memory_space<vmem>>
    %dma_start3A_116 = arith.constant 0 : i32
    %dma_start3A_117 = arith.constant 0 : i32
    %dma_start3A_118 = tpu.memref_slice %arg7[%dma_start3A_116, %dma_start3A_117] : memref<10112x16xf32, #tpu.memory_space<vmem_shared>> -> memref<10112x16xf32, #tpu.memory_space<vmem_shared>>
    tpu.enqueue_indirect_dma source(%dma_start3A_118 : memref<10112x16xf32, #tpu.memory_space<vmem_shared>>) target(%dma_start3A_115 : memref<512x16xf32, #tpu.memory_space<vmem>>) offsets(%arg12 : memref<512xi32, #tpu.memory_space<vmem>>) semaphore(%arg16 : memref<!tpu.dma_semaphore, #tpu.memory_space<semaphore_mem>>)
    %dma_wait3A_119 = arith.constant 0 : i32
    %dma_wait3A_120 = arith.constant 0 : i32
    %dma_wait3A_121 = tpu.memref_slice %arg14[%dma_wait3A_119, %dma_wait3A_120] : memref<1664x16xf32, #tpu.memory_space<vmem>> -> memref<512x16xf32, #tpu.memory_space<vmem>>
    %dma_wait3A_122 = arith.constant 0 : i32
    %dma_wait3A_123 = arith.constant 0 : i32
    %dma_wait3A_124 = tpu.memref_slice %arg7[%dma_wait3A_122, %dma_wait3A_123] : memref<10112x16xf32, #tpu.memory_space<vmem_shared>> -> memref<10112x16xf32, #tpu.memory_space<vmem_shared>>
    tpu.wait_indirect_dma semaphore(%arg16 : memref<!tpu.dma_semaphore, #tpu.memory_space<semaphore_mem>>) src(%dma_wait3A_124 : memref<10112x16xf32, #tpu.memory_space<vmem_shared>>) dst(%dma_wait3A_121 : memref<512x16xf32, #tpu.memory_space<vmem>>)
    %scan3A = arith.constant 0 : i32
    %scan3A_125 = arith.constant 0 : i32
    %scan3A_126 = arith.constant 256 : i32
    %scan3A_127 = arith.addi %scan3A_125, %scan3A_126 : i32
    %scan3A_128 = arith.constant 1 : i32
    scf.for %scan3A_147 = %scan3A_125 to %scan3A_127 step %scan3A_128  : i32 {
      %get3A = arith.index_cast %scan3A_147 : i32 to index
      %get3A_148 = arith.constant 0 : index
      %get3A_149 = tpu.vector_load %arg14[%get3A, %get3A_148] {strides = array<i32>} : memref<1664x16xf32, #tpu.memory_space<vmem>>, vector<1x16xf32>,
      %get3A_150 = vector.shape_cast %get3A_149 : vector<1x16xf32> to vector<16xf32>
      %mul3A_151 = vector.broadcast %select_n3A : f32 to vector<16xf32>
      %mul3A_152 = arith.mulf %get3A_150, %mul3A_151 : vector<16xf32>
      %swap3A = arith.index_cast %scan3A_147 : i32 to index
      %swap3A_153 = arith.constant 0 : index
      %swap3A_154 = tpu.vector_load %arg14[%swap3A, %swap3A_153] {strides = array<i32>} : memref<1664x16xf32, #tpu.memory_space<vmem>>, vector<1x16xf32>,
      %swap3A_155 = vector.shape_cast %swap3A_154 : vector<1x16xf32> to vector<16xf32>
      %swap3A_156 = vector.shape_cast %mul3A_152 : vector<16xf32> to vector<1x16xf32>
      tpu.vector_store %arg14[%swap3A, %swap3A_153], %swap3A_156 {strides = array<i32>} : memref<1664x16xf32, #tpu.memory_space<vmem>>, vector<1x16xf32>,
      %add3A_157 = arith.constant 256 : i32
      %add3A_158 = arith.addi %add3A_157, %scan3A_147 : i32
      %get3A_159 = arith.index_cast %add3A_158 : i32 to index
      %get3A_160 = arith.constant 0 : index
      %get3A_161 = tpu.vector_load %arg14[%get3A_159, %get3A_160] {strides = array<i32>} : memref<1664x16xf32, #tpu.memory_space<vmem>>, vector<1x16xf32>,
      %get3A_162 = vector.shape_cast %get3A_161 : vector<1x16xf32> to vector<16xf32>
      %mul3A_163 = vector.broadcast %select_n3A_11 : f32 to vector<16xf32>
      %mul3A_164 = arith.mulf %get3A_162, %mul3A_163 : vector<16xf32>
      %add3A_165 = arith.constant 256 : i32
      %add3A_166 = arith.addi %add3A_165, %scan3A_147 : i32
      %swap3A_167 = arith.index_cast %add3A_166 : i32 to index
      %swap3A_168 = arith.constant 0 : index
      %swap3A_169 = tpu.vector_load %arg14[%swap3A_167, %swap3A_168] {strides = array<i32>} : memref<1664x16xf32, #tpu.memory_space<vmem>>, vector<1x16xf32>,
      %swap3A_170 = vector.shape_cast %swap3A_169 : vector<1x16xf32> to vector<16xf32>
      %swap3A_171 = vector.shape_cast %mul3A_164 : vector<16xf32> to vector<1x16xf32>
      tpu.vector_store %arg14[%swap3A_167, %swap3A_168], %swap3A_171 {strides = array<i32>} : memref<1664x16xf32, #tpu.memory_space<vmem>>, vector<1x16xf32>,
    }
    %scan3A_129 = arith.constant 256 : i32
    %dma_start3A_130 = arith.constant 0 : i32
    %dma_start3A_131 = arith.constant 0 : i32
    %dma_start3A_132 = tpu.memref_slice %arg14[%dma_start3A_130, %dma_start3A_131] : memref<1664x16xf32, #tpu.memory_space<vmem>> -> memref<512x16xf32, #tpu.memory_space<vmem>>
    %dma_start3A_133 = arith.constant 0 : i32
    %dma_start3A_134 = arith.constant 0 : i32
    %dma_start3A_135 = tpu.memref_slice %arg6[%dma_start3A_133, %dma_start3A_134] : memref<10112x16xf32, #tpu.memory_space<vmem_shared>> -> memref<10112x16xf32, #tpu.memory_space<vmem_shared>>
    tpu.enqueue_indirect_dma source(%dma_start3A_132 : memref<512x16xf32, #tpu.memory_space<vmem>>) target(%dma_start3A_135 : memref<10112x16xf32, #tpu.memory_space<vmem_shared>>) offsets(%arg13 : memref<512xi32, #tpu.memory_space<vmem>>) semaphore(%arg18 : memref<!tpu.dma_semaphore, #tpu.memory_space<semaphore_mem>>) {add = true}
    %dma_wait3A_136 = arith.constant 0 : i32
    %dma_wait3A_137 = arith.constant 0 : i32
    %dma_wait3A_138 = tpu.memref_slice %arg14[%dma_wait3A_136, %dma_wait3A_137] : memref<1664x16xf32, #tpu.memory_space<vmem>> -> memref<512x16xf32, #tpu.memory_space<vmem>>
    %dma_wait3A_139 = arith.constant 0 : i32
    %dma_wait3A_140 = arith.constant 0 : i32
    %dma_wait3A_141 = tpu.memref_slice %arg6[%dma_wait3A_139, %dma_wait3A_140] : memref<10112x16xf32, #tpu.memory_space<vmem_shared>> -> memref<10112x16xf32, #tpu.memory_space<vmem_shared>>
    tpu.wait_indirect_dma semaphore(%arg18 : memref<!tpu.dma_semaphore, #tpu.memory_space<semaphore_mem>>) src(%dma_wait3A_138 : memref<512x16xf32, #tpu.memory_space<vmem>>) dst(%dma_wait3A_141 : memref<10112x16xf32, #tpu.memory_space<vmem_shared>>)
    %barrier3A_142 = arith.constant 0 : index
    tpu.barrier barrier_id(%barrier3A_142)
    %mul3A_143 = arith.constant 632 : i32
    %mul3A_144 = arith.muli %arg1, %mul3A_143 : i32
    %mul3A_145 = arith.constant 632 : i32
    %mul3A_146 = arith.muli %arg1, %mul3A_145 : i32
    "tpu.region"() ({
      %run_scoped3A_147 = tpu.sem_alloc : memref<!tpu.dma_semaphore, #tpu.memory_space<semaphore_mem>>
      %dma_start3A_148 = arith.constant 0 : i32
      %dma_start3A_149 = tpu.memref_slice %arg5[%arg0, %mul3A_146, %dma_start3A_148] : memref<2x10112x16xf32, #tpu.memory_space<hbm>> -> memref<1x632x16xf32, #tpu.memory_space<hbm>>
      %dma_start3A_150 = tpu.memref_squeeze %dma_start3A_149 : memref<1x632x16xf32, #tpu.memory_space<hbm>> -> memref<632x16xf32, #tpu.memory_space<hbm>>
      %dma_start3A_151 = arith.constant 0 : i32
      %dma_start3A_152 = tpu.memref_slice %arg6[%mul3A_144, %dma_start3A_151] : memref<10112x16xf32, #tpu.memory_space<vmem_shared>> -> memref<632x16xf32, #tpu.memory_space<vmem_shared>>
      tpu.enqueue_dma source(%dma_start3A_152 : memref<632x16xf32, #tpu.memory_space<vmem_shared>>) target(%dma_start3A_150 : memref<632x16xf32, #tpu.memory_space<hbm>>) target_semaphore(%run_scoped3A_147 : memref<!tpu.dma_semaphore, #tpu.memory_space<semaphore_mem>>)
      %dma_wait3A_153 = arith.constant 0 : i32
      %dma_wait3A_154 = tpu.memref_slice %arg5[%arg0, %mul3A_146, %dma_wait3A_153] : memref<2x10112x16xf32, #tpu.memory_space<hbm>> -> memref<1x632x16xf32, #tpu.memory_space<hbm>>
      %dma_wait3A_155 = tpu.memref_squeeze %dma_wait3A_154 : memref<1x632x16xf32, #tpu.memory_space<hbm>> -> memref<632x16xf32, #tpu.memory_space<hbm>>
      %dma_wait3A_156 = arith.constant 0 : i32
      %dma_wait3A_157 = tpu.memref_slice %arg6[%mul3A_144, %dma_wait3A_156] : memref<10112x16xf32, #tpu.memory_space<vmem_shared>> -> memref<632x16xf32, #tpu.memory_space<vmem_shared>>
      tpu.wait_dma2 semaphore(%run_scoped3A_147 : memref<!tpu.dma_semaphore, #tpu.memory_space<semaphore_mem>>) src(%dma_wait3A_157 : memref<632x16xf32, #tpu.memory_space<vmem_shared>>) dst(%dma_wait3A_155 : memref<632x16xf32, #tpu.memory_space<hbm>>)
      tpu.yield
    }) : () -> ()
    return
  }
}

#map = affine_map<(d0, d1) -> (0, 0)>
#map1 = affine_map<(d0, d1) -> (0, 0, 0)>
module attributes {stable_mosaic.version = 14 : i64} {
  func.func @_prop_kernel(%arg0: i32, %arg1: i32, %arg2: memref<10112x16xf32, #tpu.memory_space<hbm>>, %arg3: memref<2x320000xi32, #tpu.memory_space<hbm>>, %arg4: memref<632x16xf32, #tpu.memory_space<hbm>>, %arg5: memref<2x10112x16xf32, #tpu.memory_space<hbm>>, %arg6: memref<10112x16xf32, #tpu.memory_space<vmem_shared>>, %arg7: memref<10112x16xf32, #tpu.memory_space<vmem_shared>>, %arg8: memref<1664xi32, #tpu.memory_space<vmem>>, %arg9: memref<1664xi32, #tpu.memory_space<vmem>>, %arg10: memref<1664xi32, #tpu.memory_space<vmem>>, %arg11: memref<1664xi32, #tpu.memory_space<vmem>>, %arg12: memref<512xi32, #tpu.memory_space<vmem>>, %arg13: memref<512xi32, #tpu.memory_space<vmem>>, %arg14: memref<1664x16xf32, #tpu.memory_space<vmem>>, %arg15: memref<1664x16xf32, #tpu.memory_space<vmem>>, %arg16: memref<!tpu.dma_semaphore, #tpu.memory_space<semaphore_mem>>, %arg17: memref<!tpu.dma_semaphore, #tpu.memory_space<semaphore_mem>>, %arg18: memref<!tpu.dma_semaphore, #tpu.memory_space<semaphore_mem>>, %arg19: memref<!tpu.dma_semaphore, #tpu.memory_space<semaphore_mem>>) attributes {dimension_semantics = [#tpu.dimension_semantics<core_parallel>, #tpu.dimension_semantics<subcore_parallel>], iteration_bounds = array<i64: 2, 16>, scalar_prefetch = 0 : i64, scratch_operands = 14 : i64, tpu.core_type = #tpu.core_type<sc_vector_subcore>, window_params = [{transform_indices = #map}, {transform_indices = #map}, {transform_indices = #map}, {transform_indices = #map1}]} {
    %mul3A = arith.constant 16 : i32
    %mul3A_0 = arith.muli %arg0, %mul3A : i32
    %add3A = arith.addi %mul3A_0, %arg1 : i32
    %mul3A_1 = arith.constant 78 : i32
    %mul3A_2 = arith.muli %add3A, %mul3A_1 : i32
    %mul3A_3 = arith.constant 128 : i32
    %mul3A_4 = arith.muli %mul3A_2, %mul3A_3 : i32
    %eq3A = arith.constant 15 : i32
    %eq3A_5 = arith.cmpi eq, %add3A, %eq3A : i32
    %jit3A = arith.constant 1.000000e+00 : f32
    %jit3A_6 = arith.constant 0.000000e+00 : f32
    %select_n3A = arith.select %eq3A_5, %jit3A, %jit3A_6 : f32
    %eq3A_7 = arith.constant 31 : i32
    %eq3A_8 = arith.cmpi eq, %add3A, %eq3A_7 : i32
    %jit3A_9 = arith.constant 1.000000e+00 : f32
    %jit3A_10 = arith.constant 0.000000e+00 : f32
    %select_n3A_11 = arith.select %eq3A_8, %jit3A_9, %jit3A_10 : f32
    %mul3A_12 = arith.constant 632 : i32
    %mul3A_13 = arith.muli %arg1, %mul3A_12 : i32
    "tpu.region"() ({
      %run_scoped3A_147 = tpu.sem_alloc : memref<!tpu.dma_semaphore, #tpu.memory_space<semaphore_mem>>
      %dma_start3A_148 = arith.constant 0 : i32
      %dma_start3A_149 = tpu.memref_slice %arg6[%mul3A_13, %dma_start3A_148] : memref<10112x16xf32, #tpu.memory_space<vmem_shared>> -> memref<632x16xf32, #tpu.memory_space<vmem_shared>>
      tpu.enqueue_dma source(%arg4 : memref<632x16xf32, #tpu.memory_space<hbm>>) target(%dma_start3A_149 : memref<632x16xf32, #tpu.memory_space<vmem_shared>>) target_semaphore(%run_scoped3A_147 : memref<!tpu.dma_semaphore, #tpu.memory_space<semaphore_mem>>)
      %dma_wait3A_150 = arith.constant 0 : i32
      %dma_wait3A_151 = tpu.memref_slice %arg6[%mul3A_13, %dma_wait3A_150] : memref<10112x16xf32, #tpu.memory_space<vmem_shared>> -> memref<632x16xf32, #tpu.memory_space<vmem_shared>>
      tpu.wait_dma2 semaphore(%run_scoped3A_147 : memref<!tpu.dma_semaphore, #tpu.memory_space<semaphore_mem>>) src(%arg4 : memref<632x16xf32, #tpu.memory_space<hbm>>) dst(%dma_wait3A_151 : memref<632x16xf32, #tpu.memory_space<vmem_shared>>)
      tpu.yield
    }) : () -> ()
    %mul3A_14 = arith.constant 632 : i32
    %mul3A_15 = arith.muli %arg1, %mul3A_14 : i32
    %mul3A_16 = arith.constant 632 : i32
    %mul3A_17 = arith.muli %arg1, %mul3A_16 : i32
    "tpu.region"() ({
      %run_scoped3A_147 = tpu.sem_alloc : memref<!tpu.dma_semaphore, #tpu.memory_space<semaphore_mem>>
      %dma_start3A_148 = arith.constant 0 : i32
      %dma_start3A_149 = tpu.memref_slice %arg7[%mul3A_17, %dma_start3A_148] : memref<10112x16xf32, #tpu.memory_space<vmem_shared>> -> memref<632x16xf32, #tpu.memory_space<vmem_shared>>
      %dma_start3A_150 = arith.constant 0 : i32
      %dma_start3A_151 = tpu.memref_slice %arg2[%mul3A_15, %dma_start3A_150] : memref<10112x16xf32, #tpu.memory_space<hbm>> -> memref<632x16xf32, #tpu.memory_space<hbm>>
      tpu.enqueue_dma source(%dma_start3A_151 : memref<632x16xf32, #tpu.memory_space<hbm>>) target(%dma_start3A_149 : memref<632x16xf32, #tpu.memory_space<vmem_shared>>) target_semaphore(%run_scoped3A_147 : memref<!tpu.dma_semaphore, #tpu.memory_space<semaphore_mem>>)
      %dma_wait3A_152 = arith.constant 0 : i32
      %dma_wait3A_153 = tpu.memref_slice %arg7[%mul3A_17, %dma_wait3A_152] : memref<10112x16xf32, #tpu.memory_space<vmem_shared>> -> memref<632x16xf32, #tpu.memory_space<vmem_shared>>
      %dma_wait3A_154 = arith.constant 0 : i32
      %dma_wait3A_155 = tpu.memref_slice %arg2[%mul3A_15, %dma_wait3A_154] : memref<10112x16xf32, #tpu.memory_space<hbm>> -> memref<632x16xf32, #tpu.memory_space<hbm>>
      tpu.wait_dma2 semaphore(%run_scoped3A_147 : memref<!tpu.dma_semaphore, #tpu.memory_space<semaphore_mem>>) src(%dma_wait3A_155 : memref<632x16xf32, #tpu.memory_space<hbm>>) dst(%dma_wait3A_153 : memref<632x16xf32, #tpu.memory_space<vmem_shared>>)
      tpu.yield
    }) : () -> ()
    %barrier3A = arith.constant 0 : index
    tpu.barrier barrier_id(%barrier3A)
    %add3A_18 = arith.constant 0 : i32
    %add3A_19 = arith.addi %mul3A_4, %add3A_18 : i32
    %run_scoped3A = arith.constant 0 : i32
    "tpu.region"() ({
      %run_scoped3A_147 = tpu.sem_alloc : memref<!tpu.dma_semaphore, #tpu.memory_space<semaphore_mem>>
      %dma_start3A_148 = tpu.memref_slice %arg3[%run_scoped3A, %add3A_19] : memref<2x320000xi32, #tpu.memory_space<hbm>> -> memref<1x1664xi32, #tpu.memory_space<hbm>>
      %dma_start3A_149 = tpu.memref_squeeze %dma_start3A_148 : memref<1x1664xi32, #tpu.memory_space<hbm>> -> memref<1664xi32, #tpu.memory_space<hbm>>
      %dma_start3A_150 = tpu.memref_slice %arg3[%run_scoped3A, %add3A_19] : memref<2x320000xi32, #tpu.memory_space<hbm>> -> memref<1x1664xi32, #tpu.memory_space<hbm>>
      %dma_start3A_151 = tpu.memref_squeeze %dma_start3A_150 : memref<1x1664xi32, #tpu.memory_space<hbm>> -> memref<1664xi32, #tpu.memory_space<hbm>>
      tpu.enqueue_dma source(%dma_start3A_151 : memref<1664xi32, #tpu.memory_space<hbm>>) target(%arg8 : memref<1664xi32, #tpu.memory_space<vmem>>) target_semaphore(%run_scoped3A_147 : memref<!tpu.dma_semaphore, #tpu.memory_space<semaphore_mem>>)
      %dma_wait3A_152 = tpu.memref_slice %arg3[%run_scoped3A, %add3A_19] : memref<2x320000xi32, #tpu.memory_space<hbm>> -> memref<1x1664xi32, #tpu.memory_space<hbm>>
      %dma_wait3A_153 = tpu.memref_squeeze %dma_wait3A_152 : memref<1x1664xi32, #tpu.memory_space<hbm>> -> memref<1664xi32, #tpu.memory_space<hbm>>
      %dma_wait3A_154 = tpu.memref_slice %arg3[%run_scoped3A, %add3A_19] : memref<2x320000xi32, #tpu.memory_space<hbm>> -> memref<1x1664xi32, #tpu.memory_space<hbm>>
      %dma_wait3A_155 = tpu.memref_squeeze %dma_wait3A_154 : memref<1x1664xi32, #tpu.memory_space<hbm>> -> memref<1664xi32, #tpu.memory_space<hbm>>
      tpu.wait_dma2 semaphore(%run_scoped3A_147 : memref<!tpu.dma_semaphore, #tpu.memory_space<semaphore_mem>>) src(%dma_wait3A_155 : memref<1664xi32, #tpu.memory_space<hbm>>) dst(%arg8 : memref<1664xi32, #tpu.memory_space<vmem>>)
      tpu.yield
    }) : () -> ()
    %run_scoped3A_20 = arith.constant 1 : i32
    "tpu.region"() ({
      %run_scoped3A_147 = tpu.sem_alloc : memref<!tpu.dma_semaphore, #tpu.memory_space<semaphore_mem>>
      %dma_start3A_148 = tpu.memref_slice %arg3[%run_scoped3A_20, %add3A_19] : memref<2x320000xi32, #tpu.memory_space<hbm>> -> memref<1x1664xi32, #tpu.memory_space<hbm>>
      %dma_start3A_149 = tpu.memref_squeeze %dma_start3A_148 : memref<1x1664xi32, #tpu.memory_space<hbm>> -> memref<1664xi32, #tpu.memory_space<hbm>>
      %dma_start3A_150 = tpu.memref_slice %arg3[%run_scoped3A_20, %add3A_19] : memref<2x320000xi32, #tpu.memory_space<hbm>> -> memref<1x1664xi32, #tpu.memory_space<hbm>>
      %dma_start3A_151 = tpu.memref_squeeze %dma_start3A_150 : memref<1x1664xi32, #tpu.memory_space<hbm>> -> memref<1664xi32, #tpu.memory_space<hbm>>
      tpu.enqueue_dma source(%dma_start3A_151 : memref<1664xi32, #tpu.memory_space<hbm>>) target(%arg10 : memref<1664xi32, #tpu.memory_space<vmem>>) target_semaphore(%run_scoped3A_147 : memref<!tpu.dma_semaphore, #tpu.memory_space<semaphore_mem>>)
      %dma_wait3A_152 = tpu.memref_slice %arg3[%run_scoped3A_20, %add3A_19] : memref<2x320000xi32, #tpu.memory_space<hbm>> -> memref<1x1664xi32, #tpu.memory_space<hbm>>
      %dma_wait3A_153 = tpu.memref_squeeze %dma_wait3A_152 : memref<1x1664xi32, #tpu.memory_space<hbm>> -> memref<1664xi32, #tpu.memory_space<hbm>>
      %dma_wait3A_154 = tpu.memref_slice %arg3[%run_scoped3A_20, %add3A_19] : memref<2x320000xi32, #tpu.memory_space<hbm>> -> memref<1x1664xi32, #tpu.memory_space<hbm>>
      %dma_wait3A_155 = tpu.memref_squeeze %dma_wait3A_154 : memref<1x1664xi32, #tpu.memory_space<hbm>> -> memref<1664xi32, #tpu.memory_space<hbm>>
      tpu.wait_dma2 semaphore(%run_scoped3A_147 : memref<!tpu.dma_semaphore, #tpu.memory_space<semaphore_mem>>) src(%dma_wait3A_155 : memref<1664xi32, #tpu.memory_space<hbm>>) dst(%arg10 : memref<1664xi32, #tpu.memory_space<vmem>>)
      tpu.yield
    }) : () -> ()
    %dma_start3A = arith.constant 0 : i32
    %dma_start3A_21 = arith.constant 0 : i32
    %dma_start3A_22 = tpu.memref_slice %arg7[%dma_start3A, %dma_start3A_21] : memref<10112x16xf32, #tpu.memory_space<vmem_shared>> -> memref<10112x16xf32, #tpu.memory_space<vmem_shared>>
    tpu.enqueue_indirect_dma source(%dma_start3A_22 : memref<10112x16xf32, #tpu.memory_space<vmem_shared>>) target(%arg14 : memref<1664x16xf32, #tpu.memory_space<vmem>>) offsets(%arg8 : memref<1664xi32, #tpu.memory_space<vmem>>) semaphore(%arg16 : memref<!tpu.dma_semaphore, #tpu.memory_space<semaphore_mem>>)
    %dma_wait3A = arith.constant 0 : i32
    %dma_wait3A_23 = arith.constant 0 : i32
    %dma_wait3A_24 = tpu.memref_slice %arg7[%dma_wait3A, %dma_wait3A_23] : memref<10112x16xf32, #tpu.memory_space<vmem_shared>> -> memref<10112x16xf32, #tpu.memory_space<vmem_shared>>
    tpu.wait_indirect_dma semaphore(%arg16 : memref<!tpu.dma_semaphore, #tpu.memory_space<semaphore_mem>>) src(%dma_wait3A_24 : memref<10112x16xf32, #tpu.memory_space<vmem_shared>>) dst(%arg14 : memref<1664x16xf32, #tpu.memory_space<vmem>>)
    %dma_start3A_25 = arith.constant 0 : i32
    %dma_start3A_26 = arith.constant 0 : i32
    %dma_start3A_27 = tpu.memref_slice %arg6[%dma_start3A_25, %dma_start3A_26] : memref<10112x16xf32, #tpu.memory_space<vmem_shared>> -> memref<10112x16xf32, #tpu.memory_space<vmem_shared>>
    tpu.enqueue_indirect_dma source(%arg14 : memref<1664x16xf32, #tpu.memory_space<vmem>>) target(%dma_start3A_27 : memref<10112x16xf32, #tpu.memory_space<vmem_shared>>) offsets(%arg10 : memref<1664xi32, #tpu.memory_space<vmem>>) semaphore(%arg18 : memref<!tpu.dma_semaphore, #tpu.memory_space<semaphore_mem>>) {add = true}
    %add3A_28 = arith.constant 1664 : i32
    %add3A_29 = arith.addi %mul3A_4, %add3A_28 : i32
    %run_scoped3A_30 = arith.constant 0 : i32
    "tpu.region"() ({
      %run_scoped3A_147 = tpu.sem_alloc : memref<!tpu.dma_semaphore, #tpu.memory_space<semaphore_mem>>
      %dma_start3A_148 = tpu.memref_slice %arg3[%run_scoped3A_30, %add3A_29] : memref<2x320000xi32, #tpu.memory_space<hbm>> -> memref<1x1664xi32, #tpu.memory_space<hbm>>
      %dma_start3A_149 = tpu.memref_squeeze %dma_start3A_148 : memref<1x1664xi32, #tpu.memory_space<hbm>> -> memref<1664xi32, #tpu.memory_space<hbm>>
      %dma_start3A_150 = tpu.memref_slice %arg3[%run_scoped3A_30, %add3A_29] : memref<2x320000xi32, #tpu.memory_space<hbm>> -> memref<1x1664xi32, #tpu.memory_space<hbm>>
      %dma_start3A_151 = tpu.memref_squeeze %dma_start3A_150 : memref<1x1664xi32, #tpu.memory_space<hbm>> -> memref<1664xi32, #tpu.memory_space<hbm>>
      tpu.enqueue_dma source(%dma_start3A_151 : memref<1664xi32, #tpu.memory_space<hbm>>) target(%arg9 : memref<1664xi32, #tpu.memory_space<vmem>>) target_semaphore(%run_scoped3A_147 : memref<!tpu.dma_semaphore, #tpu.memory_space<semaphore_mem>>)
      %dma_wait3A_152 = tpu.memref_slice %arg3[%run_scoped3A_30, %add3A_29] : memref<2x320000xi32, #tpu.memory_space<hbm>> -> memref<1x1664xi32, #tpu.memory_space<hbm>>
      %dma_wait3A_153 = tpu.memref_squeeze %dma_wait3A_152 : memref<1x1664xi32, #tpu.memory_space<hbm>> -> memref<1664xi32, #tpu.memory_space<hbm>>
      %dma_wait3A_154 = tpu.memref_slice %arg3[%run_scoped3A_30, %add3A_29] : memref<2x320000xi32, #tpu.memory_space<hbm>> -> memref<1x1664xi32, #tpu.memory_space<hbm>>
      %dma_wait3A_155 = tpu.memref_squeeze %dma_wait3A_154 : memref<1x1664xi32, #tpu.memory_space<hbm>> -> memref<1664xi32, #tpu.memory_space<hbm>>
      tpu.wait_dma2 semaphore(%run_scoped3A_147 : memref<!tpu.dma_semaphore, #tpu.memory_space<semaphore_mem>>) src(%dma_wait3A_155 : memref<1664xi32, #tpu.memory_space<hbm>>) dst(%arg9 : memref<1664xi32, #tpu.memory_space<vmem>>)
      tpu.yield
    }) : () -> ()
    %run_scoped3A_31 = arith.constant 1 : i32
    "tpu.region"() ({
      %run_scoped3A_147 = tpu.sem_alloc : memref<!tpu.dma_semaphore, #tpu.memory_space<semaphore_mem>>
      %dma_start3A_148 = tpu.memref_slice %arg3[%run_scoped3A_31, %add3A_29] : memref<2x320000xi32, #tpu.memory_space<hbm>> -> memref<1x1664xi32, #tpu.memory_space<hbm>>
      %dma_start3A_149 = tpu.memref_squeeze %dma_start3A_148 : memref<1x1664xi32, #tpu.memory_space<hbm>> -> memref<1664xi32, #tpu.memory_space<hbm>>
      %dma_start3A_150 = tpu.memref_slice %arg3[%run_scoped3A_31, %add3A_29] : memref<2x320000xi32, #tpu.memory_space<hbm>> -> memref<1x1664xi32, #tpu.memory_space<hbm>>
      %dma_start3A_151 = tpu.memref_squeeze %dma_start3A_150 : memref<1x1664xi32, #tpu.memory_space<hbm>> -> memref<1664xi32, #tpu.memory_space<hbm>>
      tpu.enqueue_dma source(%dma_start3A_151 : memref<1664xi32, #tpu.memory_space<hbm>>) target(%arg11 : memref<1664xi32, #tpu.memory_space<vmem>>) target_semaphore(%run_scoped3A_147 : memref<!tpu.dma_semaphore, #tpu.memory_space<semaphore_mem>>)
      %dma_wait3A_152 = tpu.memref_slice %arg3[%run_scoped3A_31, %add3A_29] : memref<2x320000xi32, #tpu.memory_space<hbm>> -> memref<1x1664xi32, #tpu.memory_space<hbm>>
      %dma_wait3A_153 = tpu.memref_squeeze %dma_wait3A_152 : memref<1x1664xi32, #tpu.memory_space<hbm>> -> memref<1664xi32, #tpu.memory_space<hbm>>
      %dma_wait3A_154 = tpu.memref_slice %arg3[%run_scoped3A_31, %add3A_29] : memref<2x320000xi32, #tpu.memory_space<hbm>> -> memref<1x1664xi32, #tpu.memory_space<hbm>>
      %dma_wait3A_155 = tpu.memref_squeeze %dma_wait3A_154 : memref<1x1664xi32, #tpu.memory_space<hbm>> -> memref<1664xi32, #tpu.memory_space<hbm>>
      tpu.wait_dma2 semaphore(%run_scoped3A_147 : memref<!tpu.dma_semaphore, #tpu.memory_space<semaphore_mem>>) src(%dma_wait3A_155 : memref<1664xi32, #tpu.memory_space<hbm>>) dst(%arg11 : memref<1664xi32, #tpu.memory_space<vmem>>)
      tpu.yield
    }) : () -> ()
    %dma_start3A_32 = arith.constant 0 : i32
    %dma_start3A_33 = arith.constant 0 : i32
    %dma_start3A_34 = tpu.memref_slice %arg7[%dma_start3A_32, %dma_start3A_33] : memref<10112x16xf32, #tpu.memory_space<vmem_shared>> -> memref<10112x16xf32, #tpu.memory_space<vmem_shared>>
    tpu.enqueue_indirect_dma source(%dma_start3A_34 : memref<10112x16xf32, #tpu.memory_space<vmem_shared>>) target(%arg15 : memref<1664x16xf32, #tpu.memory_space<vmem>>) offsets(%arg9 : memref<1664xi32, #tpu.memory_space<vmem>>) semaphore(%arg17 : memref<!tpu.dma_semaphore, #tpu.memory_space<semaphore_mem>>)
    %dma_wait3A_35 = arith.constant 0 : i32
    %dma_wait3A_36 = arith.constant 0 : i32
    %dma_wait3A_37 = tpu.memref_slice %arg7[%dma_wait3A_35, %dma_wait3A_36] : memref<10112x16xf32, #tpu.memory_space<vmem_shared>> -> memref<10112x16xf32, #tpu.memory_space<vmem_shared>>
    tpu.wait_indirect_dma semaphore(%arg17 : memref<!tpu.dma_semaphore, #tpu.memory_space<semaphore_mem>>) src(%dma_wait3A_37 : memref<10112x16xf32, #tpu.memory_space<vmem_shared>>) dst(%arg15 : memref<1664x16xf32, #tpu.memory_space<vmem>>)
    %dma_start3A_38 = arith.constant 0 : i32
    %dma_start3A_39 = arith.constant 0 : i32
    %dma_start3A_40 = tpu.memref_slice %arg6[%dma_start3A_38, %dma_start3A_39] : memref<10112x16xf32, #tpu.memory_space<vmem_shared>> -> memref<10112x16xf32, #tpu.memory_space<vmem_shared>>
    tpu.enqueue_indirect_dma source(%arg15 : memref<1664x16xf32, #tpu.memory_space<vmem>>) target(%dma_start3A_40 : memref<10112x16xf32, #tpu.memory_space<vmem_shared>>) offsets(%arg11 : memref<1664xi32, #tpu.memory_space<vmem>>) semaphore(%arg19 : memref<!tpu.dma_semaphore, #tpu.memory_space<semaphore_mem>>) {add = true}
    %dma_wait3A_41 = arith.constant 0 : i32
    %dma_wait3A_42 = arith.constant 0 : i32
    %dma_wait3A_43 = tpu.memref_slice %arg6[%dma_wait3A_41, %dma_wait3A_42] : memref<10112x16xf32, #tpu.memory_space<vmem_shared>> -> memref<10112x16xf32, #tpu.memory_space<vmem_shared>>
    tpu.wait_indirect_dma semaphore(%arg18 : memref<!tpu.dma_semaphore, #tpu.memory_space<semaphore_mem>>) src(%arg14 : memref<1664x16xf32, #tpu.memory_space<vmem>>) dst(%dma_wait3A_43 : memref<10112x16xf32, #tpu.memory_space<vmem_shared>>)
    %add3A_44 = arith.constant 3328 : i32
    %add3A_45 = arith.addi %mul3A_4, %add3A_44 : i32
    %run_scoped3A_46 = arith.constant 0 : i32
    "tpu.region"() ({
      %run_scoped3A_147 = tpu.sem_alloc : memref<!tpu.dma_semaphore, #tpu.memory_space<semaphore_mem>>
      %dma_start3A_148 = tpu.memref_slice %arg3[%run_scoped3A_46, %add3A_45] : memref<2x320000xi32, #tpu.memory_space<hbm>> -> memref<1x1664xi32, #tpu.memory_space<hbm>>
      %dma_start3A_149 = tpu.memref_squeeze %dma_start3A_148 : memref<1x1664xi32, #tpu.memory_space<hbm>> -> memref<1664xi32, #tpu.memory_space<hbm>>
      %dma_start3A_150 = tpu.memref_slice %arg3[%run_scoped3A_46, %add3A_45] : memref<2x320000xi32, #tpu.memory_space<hbm>> -> memref<1x1664xi32, #tpu.memory_space<hbm>>
      %dma_start3A_151 = tpu.memref_squeeze %dma_start3A_150 : memref<1x1664xi32, #tpu.memory_space<hbm>> -> memref<1664xi32, #tpu.memory_space<hbm>>
      tpu.enqueue_dma source(%dma_start3A_151 : memref<1664xi32, #tpu.memory_space<hbm>>) target(%arg8 : memref<1664xi32, #tpu.memory_space<vmem>>) target_semaphore(%run_scoped3A_147 : memref<!tpu.dma_semaphore, #tpu.memory_space<semaphore_mem>>)
      %dma_wait3A_152 = tpu.memref_slice %arg3[%run_scoped3A_46, %add3A_45] : memref<2x320000xi32, #tpu.memory_space<hbm>> -> memref<1x1664xi32, #tpu.memory_space<hbm>>
      %dma_wait3A_153 = tpu.memref_squeeze %dma_wait3A_152 : memref<1x1664xi32, #tpu.memory_space<hbm>> -> memref<1664xi32, #tpu.memory_space<hbm>>
      %dma_wait3A_154 = tpu.memref_slice %arg3[%run_scoped3A_46, %add3A_45] : memref<2x320000xi32, #tpu.memory_space<hbm>> -> memref<1x1664xi32, #tpu.memory_space<hbm>>
      %dma_wait3A_155 = tpu.memref_squeeze %dma_wait3A_154 : memref<1x1664xi32, #tpu.memory_space<hbm>> -> memref<1664xi32, #tpu.memory_space<hbm>>
      tpu.wait_dma2 semaphore(%run_scoped3A_147 : memref<!tpu.dma_semaphore, #tpu.memory_space<semaphore_mem>>) src(%dma_wait3A_155 : memref<1664xi32, #tpu.memory_space<hbm>>) dst(%arg8 : memref<1664xi32, #tpu.memory_space<vmem>>)
      tpu.yield
    }) : () -> ()
    %run_scoped3A_47 = arith.constant 1 : i32
    "tpu.region"() ({
      %run_scoped3A_147 = tpu.sem_alloc : memref<!tpu.dma_semaphore, #tpu.memory_space<semaphore_mem>>
      %dma_start3A_148 = tpu.memref_slice %arg3[%run_scoped3A_47, %add3A_45] : memref<2x320000xi32, #tpu.memory_space<hbm>> -> memref<1x1664xi32, #tpu.memory_space<hbm>>
      %dma_start3A_149 = tpu.memref_squeeze %dma_start3A_148 : memref<1x1664xi32, #tpu.memory_space<hbm>> -> memref<1664xi32, #tpu.memory_space<hbm>>
      %dma_start3A_150 = tpu.memref_slice %arg3[%run_scoped3A_47, %add3A_45] : memref<2x320000xi32, #tpu.memory_space<hbm>> -> memref<1x1664xi32, #tpu.memory_space<hbm>>
      %dma_start3A_151 = tpu.memref_squeeze %dma_start3A_150 : memref<1x1664xi32, #tpu.memory_space<hbm>> -> memref<1664xi32, #tpu.memory_space<hbm>>
      tpu.enqueue_dma source(%dma_start3A_151 : memref<1664xi32, #tpu.memory_space<hbm>>) target(%arg10 : memref<1664xi32, #tpu.memory_space<vmem>>) target_semaphore(%run_scoped3A_147 : memref<!tpu.dma_semaphore, #tpu.memory_space<semaphore_mem>>)
      %dma_wait3A_152 = tpu.memref_slice %arg3[%run_scoped3A_47, %add3A_45] : memref<2x320000xi32, #tpu.memory_space<hbm>> -> memref<1x1664xi32, #tpu.memory_space<hbm>>
      %dma_wait3A_153 = tpu.memref_squeeze %dma_wait3A_152 : memref<1x1664xi32, #tpu.memory_space<hbm>> -> memref<1664xi32, #tpu.memory_space<hbm>>
      %dma_wait3A_154 = tpu.memref_slice %arg3[%run_scoped3A_47, %add3A_45] : memref<2x320000xi32, #tpu.memory_space<hbm>> -> memref<1x1664xi32, #tpu.memory_space<hbm>>
      %dma_wait3A_155 = tpu.memref_squeeze %dma_wait3A_154 : memref<1x1664xi32, #tpu.memory_space<hbm>> -> memref<1664xi32, #tpu.memory_space<hbm>>
      tpu.wait_dma2 semaphore(%run_scoped3A_147 : memref<!tpu.dma_semaphore, #tpu.memory_space<semaphore_mem>>) src(%dma_wait3A_155 : memref<1664xi32, #tpu.memory_space<hbm>>) dst(%arg10 : memref<1664xi32, #tpu.memory_space<vmem>>)
      tpu.yield
    }) : () -> ()
    %dma_start3A_48 = arith.constant 0 : i32
    %dma_start3A_49 = arith.constant 0 : i32
    %dma_start3A_50 = tpu.memref_slice %arg7[%dma_start3A_48, %dma_start3A_49] : memref<10112x16xf32, #tpu.memory_space<vmem_shared>> -> memref<10112x16xf32, #tpu.memory_space<vmem_shared>>
    tpu.enqueue_indirect_dma source(%dma_start3A_50 : memref<10112x16xf32, #tpu.memory_space<vmem_shared>>) target(%arg14 : memref<1664x16xf32, #tpu.memory_space<vmem>>) offsets(%arg8 : memref<1664xi32, #tpu.memory_space<vmem>>) semaphore(%arg16 : memref<!tpu.dma_semaphore, #tpu.memory_space<semaphore_mem>>)
    %dma_wait3A_51 = arith.constant 0 : i32
    %dma_wait3A_52 = arith.constant 0 : i32
    %dma_wait3A_53 = tpu.memref_slice %arg7[%dma_wait3A_51, %dma_wait3A_52] : memref<10112x16xf32, #tpu.memory_space<vmem_shared>> -> memref<10112x16xf32, #tpu.memory_space<vmem_shared>>
    tpu.wait_indirect_dma semaphore(%arg16 : memref<!tpu.dma_semaphore, #tpu.memory_space<semaphore_mem>>) src(%dma_wait3A_53 : memref<10112x16xf32, #tpu.memory_space<vmem_shared>>) dst(%arg14 : memref<1664x16xf32, #tpu.memory_space<vmem>>)
    %dma_start3A_54 = arith.constant 0 : i32
    %dma_start3A_55 = arith.constant 0 : i32
    %dma_start3A_56 = tpu.memref_slice %arg6[%dma_start3A_54, %dma_start3A_55] : memref<10112x16xf32, #tpu.memory_space<vmem_shared>> -> memref<10112x16xf32, #tpu.memory_space<vmem_shared>>
    tpu.enqueue_indirect_dma source(%arg14 : memref<1664x16xf32, #tpu.memory_space<vmem>>) target(%dma_start3A_56 : memref<10112x16xf32, #tpu.memory_space<vmem_shared>>) offsets(%arg10 : memref<1664xi32, #tpu.memory_space<vmem>>) semaphore(%arg18 : memref<!tpu.dma_semaphore, #tpu.memory_space<semaphore_mem>>) {add = true}
    %dma_wait3A_57 = arith.constant 0 : i32
    %dma_wait3A_58 = arith.constant 0 : i32
    %dma_wait3A_59 = tpu.memref_slice %arg6[%dma_wait3A_57, %dma_wait3A_58] : memref<10112x16xf32, #tpu.memory_space<vmem_shared>> -> memref<10112x16xf32, #tpu.memory_space<vmem_shared>>
    tpu.wait_indirect_dma semaphore(%arg19 : memref<!tpu.dma_semaphore, #tpu.memory_space<semaphore_mem>>) src(%arg15 : memref<1664x16xf32, #tpu.memory_space<vmem>>) dst(%dma_wait3A_59 : memref<10112x16xf32, #tpu.memory_space<vmem_shared>>)
    %add3A_60 = arith.constant 4992 : i32
    %add3A_61 = arith.addi %mul3A_4, %add3A_60 : i32
    %run_scoped3A_62 = arith.constant 0 : i32
    "tpu.region"() ({
      %run_scoped3A_147 = tpu.sem_alloc : memref<!tpu.dma_semaphore, #tpu.memory_space<semaphore_mem>>
      %dma_start3A_148 = tpu.memref_slice %arg3[%run_scoped3A_62, %add3A_61] : memref<2x320000xi32, #tpu.memory_space<hbm>> -> memref<1x1664xi32, #tpu.memory_space<hbm>>
      %dma_start3A_149 = tpu.memref_squeeze %dma_start3A_148 : memref<1x1664xi32, #tpu.memory_space<hbm>> -> memref<1664xi32, #tpu.memory_space<hbm>>
      %dma_start3A_150 = tpu.memref_slice %arg3[%run_scoped3A_62, %add3A_61] : memref<2x320000xi32, #tpu.memory_space<hbm>> -> memref<1x1664xi32, #tpu.memory_space<hbm>>
      %dma_start3A_151 = tpu.memref_squeeze %dma_start3A_150 : memref<1x1664xi32, #tpu.memory_space<hbm>> -> memref<1664xi32, #tpu.memory_space<hbm>>
      tpu.enqueue_dma source(%dma_start3A_151 : memref<1664xi32, #tpu.memory_space<hbm>>) target(%arg9 : memref<1664xi32, #tpu.memory_space<vmem>>) target_semaphore(%run_scoped3A_147 : memref<!tpu.dma_semaphore, #tpu.memory_space<semaphore_mem>>)
      %dma_wait3A_152 = tpu.memref_slice %arg3[%run_scoped3A_62, %add3A_61] : memref<2x320000xi32, #tpu.memory_space<hbm>> -> memref<1x1664xi32, #tpu.memory_space<hbm>>
      %dma_wait3A_153 = tpu.memref_squeeze %dma_wait3A_152 : memref<1x1664xi32, #tpu.memory_space<hbm>> -> memref<1664xi32, #tpu.memory_space<hbm>>
      %dma_wait3A_154 = tpu.memref_slice %arg3[%run_scoped3A_62, %add3A_61] : memref<2x320000xi32, #tpu.memory_space<hbm>> -> memref<1x1664xi32, #tpu.memory_space<hbm>>
      %dma_wait3A_155 = tpu.memref_squeeze %dma_wait3A_154 : memref<1x1664xi32, #tpu.memory_space<hbm>> -> memref<1664xi32, #tpu.memory_space<hbm>>
      tpu.wait_dma2 semaphore(%run_scoped3A_147 : memref<!tpu.dma_semaphore, #tpu.memory_space<semaphore_mem>>) src(%dma_wait3A_155 : memref<1664xi32, #tpu.memory_space<hbm>>) dst(%arg9 : memref<1664xi32, #tpu.memory_space<vmem>>)
      tpu.yield
    }) : () -> ()
    %run_scoped3A_63 = arith.constant 1 : i32
    "tpu.region"() ({
      %run_scoped3A_147 = tpu.sem_alloc : memref<!tpu.dma_semaphore, #tpu.memory_space<semaphore_mem>>
      %dma_start3A_148 = tpu.memref_slice %arg3[%run_scoped3A_63, %add3A_61] : memref<2x320000xi32, #tpu.memory_space<hbm>> -> memref<1x1664xi32, #tpu.memory_space<hbm>>
      %dma_start3A_149 = tpu.memref_squeeze %dma_start3A_148 : memref<1x1664xi32, #tpu.memory_space<hbm>> -> memref<1664xi32, #tpu.memory_space<hbm>>
      %dma_start3A_150 = tpu.memref_slice %arg3[%run_scoped3A_63, %add3A_61] : memref<2x320000xi32, #tpu.memory_space<hbm>> -> memref<1x1664xi32, #tpu.memory_space<hbm>>
      %dma_start3A_151 = tpu.memref_squeeze %dma_start3A_150 : memref<1x1664xi32, #tpu.memory_space<hbm>> -> memref<1664xi32, #tpu.memory_space<hbm>>
      tpu.enqueue_dma source(%dma_start3A_151 : memref<1664xi32, #tpu.memory_space<hbm>>) target(%arg11 : memref<1664xi32, #tpu.memory_space<vmem>>) target_semaphore(%run_scoped3A_147 : memref<!tpu.dma_semaphore, #tpu.memory_space<semaphore_mem>>)
      %dma_wait3A_152 = tpu.memref_slice %arg3[%run_scoped3A_63, %add3A_61] : memref<2x320000xi32, #tpu.memory_space<hbm>> -> memref<1x1664xi32, #tpu.memory_space<hbm>>
      %dma_wait3A_153 = tpu.memref_squeeze %dma_wait3A_152 : memref<1x1664xi32, #tpu.memory_space<hbm>> -> memref<1664xi32, #tpu.memory_space<hbm>>
      %dma_wait3A_154 = tpu.memref_slice %arg3[%run_scoped3A_63, %add3A_61] : memref<2x320000xi32, #tpu.memory_space<hbm>> -> memref<1x1664xi32, #tpu.memory_space<hbm>>
      %dma_wait3A_155 = tpu.memref_squeeze %dma_wait3A_154 : memref<1x1664xi32, #tpu.memory_space<hbm>> -> memref<1664xi32, #tpu.memory_space<hbm>>
      tpu.wait_dma2 semaphore(%run_scoped3A_147 : memref<!tpu.dma_semaphore, #tpu.memory_space<semaphore_mem>>) src(%dma_wait3A_155 : memref<1664xi32, #tpu.memory_space<hbm>>) dst(%arg11 : memref<1664xi32, #tpu.memory_space<vmem>>)
      tpu.yield
    }) : () -> ()
    %dma_start3A_64 = arith.constant 0 : i32
    %dma_start3A_65 = arith.constant 0 : i32
    %dma_start3A_66 = tpu.memref_slice %arg7[%dma_start3A_64, %dma_start3A_65] : memref<10112x16xf32, #tpu.memory_space<vmem_shared>> -> memref<10112x16xf32, #tpu.memory_space<vmem_shared>>
    tpu.enqueue_indirect_dma source(%dma_start3A_66 : memref<10112x16xf32, #tpu.memory_space<vmem_shared>>) target(%arg15 : memref<1664x16xf32, #tpu.memory_space<vmem>>) offsets(%arg9 : memref<1664xi32, #tpu.memory_space<vmem>>) semaphore(%arg17 : memref<!tpu.dma_semaphore, #tpu.memory_space<semaphore_mem>>)
    %dma_wait3A_67 = arith.constant 0 : i32
    %dma_wait3A_68 = arith.constant 0 : i32
    %dma_wait3A_69 = tpu.memref_slice %arg7[%dma_wait3A_67, %dma_wait3A_68] : memref<10112x16xf32, #tpu.memory_space<vmem_shared>> -> memref<10112x16xf32, #tpu.memory_space<vmem_shared>>
    tpu.wait_indirect_dma semaphore(%arg17 : memref<!tpu.dma_semaphore, #tpu.memory_space<semaphore_mem>>) src(%dma_wait3A_69 : memref<10112x16xf32, #tpu.memory_space<vmem_shared>>) dst(%arg15 : memref<1664x16xf32, #tpu.memory_space<vmem>>)
    %dma_start3A_70 = arith.constant 0 : i32
    %dma_start3A_71 = arith.constant 0 : i32
    %dma_start3A_72 = tpu.memref_slice %arg6[%dma_start3A_70, %dma_start3A_71] : memref<10112x16xf32, #tpu.memory_space<vmem_shared>> -> memref<10112x16xf32, #tpu.memory_space<vmem_shared>>
    tpu.enqueue_indirect_dma source(%arg15 : memref<1664x16xf32, #tpu.memory_space<vmem>>) target(%dma_start3A_72 : memref<10112x16xf32, #tpu.memory_space<vmem_shared>>) offsets(%arg11 : memref<1664xi32, #tpu.memory_space<vmem>>) semaphore(%arg19 : memref<!tpu.dma_semaphore, #tpu.memory_space<semaphore_mem>>) {add = true}
    %dma_wait3A_73 = arith.constant 0 : i32
    %dma_wait3A_74 = arith.constant 0 : i32
    %dma_wait3A_75 = tpu.memref_slice %arg6[%dma_wait3A_73, %dma_wait3A_74] : memref<10112x16xf32, #tpu.memory_space<vmem_shared>> -> memref<10112x16xf32, #tpu.memory_space<vmem_shared>>
    tpu.wait_indirect_dma semaphore(%arg18 : memref<!tpu.dma_semaphore, #tpu.memory_space<semaphore_mem>>) src(%arg14 : memref<1664x16xf32, #tpu.memory_space<vmem>>) dst(%dma_wait3A_75 : memref<10112x16xf32, #tpu.memory_space<vmem_shared>>)
    %add3A_76 = arith.constant 6656 : i32
    %add3A_77 = arith.addi %mul3A_4, %add3A_76 : i32
    %run_scoped3A_78 = arith.constant 0 : i32
    "tpu.region"() ({
      %run_scoped3A_147 = tpu.sem_alloc : memref<!tpu.dma_semaphore, #tpu.memory_space<semaphore_mem>>
      %dma_start3A_148 = tpu.memref_slice %arg3[%run_scoped3A_78, %add3A_77] : memref<2x320000xi32, #tpu.memory_space<hbm>> -> memref<1x1664xi32, #tpu.memory_space<hbm>>
      %dma_start3A_149 = tpu.memref_squeeze %dma_start3A_148 : memref<1x1664xi32, #tpu.memory_space<hbm>> -> memref<1664xi32, #tpu.memory_space<hbm>>
      %dma_start3A_150 = tpu.memref_slice %arg3[%run_scoped3A_78, %add3A_77] : memref<2x320000xi32, #tpu.memory_space<hbm>> -> memref<1x1664xi32, #tpu.memory_space<hbm>>
      %dma_start3A_151 = tpu.memref_squeeze %dma_start3A_150 : memref<1x1664xi32, #tpu.memory_space<hbm>> -> memref<1664xi32, #tpu.memory_space<hbm>>
      tpu.enqueue_dma source(%dma_start3A_151 : memref<1664xi32, #tpu.memory_space<hbm>>) target(%arg8 : memref<1664xi32, #tpu.memory_space<vmem>>) target_semaphore(%run_scoped3A_147 : memref<!tpu.dma_semaphore, #tpu.memory_space<semaphore_mem>>)
      %dma_wait3A_152 = tpu.memref_slice %arg3[%run_scoped3A_78, %add3A_77] : memref<2x320000xi32, #tpu.memory_space<hbm>> -> memref<1x1664xi32, #tpu.memory_space<hbm>>
      %dma_wait3A_153 = tpu.memref_squeeze %dma_wait3A_152 : memref<1x1664xi32, #tpu.memory_space<hbm>> -> memref<1664xi32, #tpu.memory_space<hbm>>
      %dma_wait3A_154 = tpu.memref_slice %arg3[%run_scoped3A_78, %add3A_77] : memref<2x320000xi32, #tpu.memory_space<hbm>> -> memref<1x1664xi32, #tpu.memory_space<hbm>>
      %dma_wait3A_155 = tpu.memref_squeeze %dma_wait3A_154 : memref<1x1664xi32, #tpu.memory_space<hbm>> -> memref<1664xi32, #tpu.memory_space<hbm>>
      tpu.wait_dma2 semaphore(%run_scoped3A_147 : memref<!tpu.dma_semaphore, #tpu.memory_space<semaphore_mem>>) src(%dma_wait3A_155 : memref<1664xi32, #tpu.memory_space<hbm>>) dst(%arg8 : memref<1664xi32, #tpu.memory_space<vmem>>)
      tpu.yield
    }) : () -> ()
    %run_scoped3A_79 = arith.constant 1 : i32
    "tpu.region"() ({
      %run_scoped3A_147 = tpu.sem_alloc : memref<!tpu.dma_semaphore, #tpu.memory_space<semaphore_mem>>
      %dma_start3A_148 = tpu.memref_slice %arg3[%run_scoped3A_79, %add3A_77] : memref<2x320000xi32, #tpu.memory_space<hbm>> -> memref<1x1664xi32, #tpu.memory_space<hbm>>
      %dma_start3A_149 = tpu.memref_squeeze %dma_start3A_148 : memref<1x1664xi32, #tpu.memory_space<hbm>> -> memref<1664xi32, #tpu.memory_space<hbm>>
      %dma_start3A_150 = tpu.memref_slice %arg3[%run_scoped3A_79, %add3A_77] : memref<2x320000xi32, #tpu.memory_space<hbm>> -> memref<1x1664xi32, #tpu.memory_space<hbm>>
      %dma_start3A_151 = tpu.memref_squeeze %dma_start3A_150 : memref<1x1664xi32, #tpu.memory_space<hbm>> -> memref<1664xi32, #tpu.memory_space<hbm>>
      tpu.enqueue_dma source(%dma_start3A_151 : memref<1664xi32, #tpu.memory_space<hbm>>) target(%arg10 : memref<1664xi32, #tpu.memory_space<vmem>>) target_semaphore(%run_scoped3A_147 : memref<!tpu.dma_semaphore, #tpu.memory_space<semaphore_mem>>)
      %dma_wait3A_152 = tpu.memref_slice %arg3[%run_scoped3A_79, %add3A_77] : memref<2x320000xi32, #tpu.memory_space<hbm>> -> memref<1x1664xi32, #tpu.memory_space<hbm>>
      %dma_wait3A_153 = tpu.memref_squeeze %dma_wait3A_152 : memref<1x1664xi32, #tpu.memory_space<hbm>> -> memref<1664xi32, #tpu.memory_space<hbm>>
      %dma_wait3A_154 = tpu.memref_slice %arg3[%run_scoped3A_79, %add3A_77] : memref<2x320000xi32, #tpu.memory_space<hbm>> -> memref<1x1664xi32, #tpu.memory_space<hbm>>
      %dma_wait3A_155 = tpu.memref_squeeze %dma_wait3A_154 : memref<1x1664xi32, #tpu.memory_space<hbm>> -> memref<1664xi32, #tpu.memory_space<hbm>>
      tpu.wait_dma2 semaphore(%run_scoped3A_147 : memref<!tpu.dma_semaphore, #tpu.memory_space<semaphore_mem>>) src(%dma_wait3A_155 : memref<1664xi32, #tpu.memory_space<hbm>>) dst(%arg10 : memref<1664xi32, #tpu.memory_space<vmem>>)
      tpu.yield
    }) : () -> ()
    %dma_start3A_80 = arith.constant 0 : i32
    %dma_start3A_81 = arith.constant 0 : i32
    %dma_start3A_82 = tpu.memref_slice %arg7[%dma_start3A_80, %dma_start3A_81] : memref<10112x16xf32, #tpu.memory_space<vmem_shared>> -> memref<10112x16xf32, #tpu.memory_space<vmem_shared>>
    tpu.enqueue_indirect_dma source(%dma_start3A_82 : memref<10112x16xf32, #tpu.memory_space<vmem_shared>>) target(%arg14 : memref<1664x16xf32, #tpu.memory_space<vmem>>) offsets(%arg8 : memref<1664xi32, #tpu.memory_space<vmem>>) semaphore(%arg16 : memref<!tpu.dma_semaphore, #tpu.memory_space<semaphore_mem>>)
    %dma_wait3A_83 = arith.constant 0 : i32
    %dma_wait3A_84 = arith.constant 0 : i32
    %dma_wait3A_85 = tpu.memref_slice %arg7[%dma_wait3A_83, %dma_wait3A_84] : memref<10112x16xf32, #tpu.memory_space<vmem_shared>> -> memref<10112x16xf32, #tpu.memory_space<vmem_shared>>
    tpu.wait_indirect_dma semaphore(%arg16 : memref<!tpu.dma_semaphore, #tpu.memory_space<semaphore_mem>>) src(%dma_wait3A_85 : memref<10112x16xf32, #tpu.memory_space<vmem_shared>>) dst(%arg14 : memref<1664x16xf32, #tpu.memory_space<vmem>>)
    %dma_start3A_86 = arith.constant 0 : i32
    %dma_start3A_87 = arith.constant 0 : i32
    %dma_start3A_88 = tpu.memref_slice %arg6[%dma_start3A_86, %dma_start3A_87] : memref<10112x16xf32, #tpu.memory_space<vmem_shared>> -> memref<10112x16xf32, #tpu.memory_space<vmem_shared>>
    tpu.enqueue_indirect_dma source(%arg14 : memref<1664x16xf32, #tpu.memory_space<vmem>>) target(%dma_start3A_88 : memref<10112x16xf32, #tpu.memory_space<vmem_shared>>) offsets(%arg10 : memref<1664xi32, #tpu.memory_space<vmem>>) semaphore(%arg18 : memref<!tpu.dma_semaphore, #tpu.memory_space<semaphore_mem>>) {add = true}
    %dma_wait3A_89 = arith.constant 0 : i32
    %dma_wait3A_90 = arith.constant 0 : i32
    %dma_wait3A_91 = tpu.memref_slice %arg6[%dma_wait3A_89, %dma_wait3A_90] : memref<10112x16xf32, #tpu.memory_space<vmem_shared>> -> memref<10112x16xf32, #tpu.memory_space<vmem_shared>>
    tpu.wait_indirect_dma semaphore(%arg19 : memref<!tpu.dma_semaphore, #tpu.memory_space<semaphore_mem>>) src(%arg15 : memref<1664x16xf32, #tpu.memory_space<vmem>>) dst(%dma_wait3A_91 : memref<10112x16xf32, #tpu.memory_space<vmem_shared>>)
    %add3A_92 = arith.constant 8320 : i32
    %add3A_93 = arith.addi %mul3A_4, %add3A_92 : i32
    %run_scoped3A_94 = arith.constant 0 : i32
    "tpu.region"() ({
      %run_scoped3A_147 = tpu.sem_alloc : memref<!tpu.dma_semaphore, #tpu.memory_space<semaphore_mem>>
      %dma_start3A_148 = tpu.memref_slice %arg3[%run_scoped3A_94, %add3A_93] : memref<2x320000xi32, #tpu.memory_space<hbm>> -> memref<1x1664xi32, #tpu.memory_space<hbm>>
      %dma_start3A_149 = tpu.memref_squeeze %dma_start3A_148 : memref<1x1664xi32, #tpu.memory_space<hbm>> -> memref<1664xi32, #tpu.memory_space<hbm>>
      %dma_start3A_150 = tpu.memref_slice %arg3[%run_scoped3A_94, %add3A_93] : memref<2x320000xi32, #tpu.memory_space<hbm>> -> memref<1x1664xi32, #tpu.memory_space<hbm>>
      %dma_start3A_151 = tpu.memref_squeeze %dma_start3A_150 : memref<1x1664xi32, #tpu.memory_space<hbm>> -> memref<1664xi32, #tpu.memory_space<hbm>>
      tpu.enqueue_dma source(%dma_start3A_151 : memref<1664xi32, #tpu.memory_space<hbm>>) target(%arg9 : memref<1664xi32, #tpu.memory_space<vmem>>) target_semaphore(%run_scoped3A_147 : memref<!tpu.dma_semaphore, #tpu.memory_space<semaphore_mem>>)
      %dma_wait3A_152 = tpu.memref_slice %arg3[%run_scoped3A_94, %add3A_93] : memref<2x320000xi32, #tpu.memory_space<hbm>> -> memref<1x1664xi32, #tpu.memory_space<hbm>>
      %dma_wait3A_153 = tpu.memref_squeeze %dma_wait3A_152 : memref<1x1664xi32, #tpu.memory_space<hbm>> -> memref<1664xi32, #tpu.memory_space<hbm>>
      %dma_wait3A_154 = tpu.memref_slice %arg3[%run_scoped3A_94, %add3A_93] : memref<2x320000xi32, #tpu.memory_space<hbm>> -> memref<1x1664xi32, #tpu.memory_space<hbm>>
      %dma_wait3A_155 = tpu.memref_squeeze %dma_wait3A_154 : memref<1x1664xi32, #tpu.memory_space<hbm>> -> memref<1664xi32, #tpu.memory_space<hbm>>
      tpu.wait_dma2 semaphore(%run_scoped3A_147 : memref<!tpu.dma_semaphore, #tpu.memory_space<semaphore_mem>>) src(%dma_wait3A_155 : memref<1664xi32, #tpu.memory_space<hbm>>) dst(%arg9 : memref<1664xi32, #tpu.memory_space<vmem>>)
      tpu.yield
    }) : () -> ()
    %run_scoped3A_95 = arith.constant 1 : i32
    "tpu.region"() ({
      %run_scoped3A_147 = tpu.sem_alloc : memref<!tpu.dma_semaphore, #tpu.memory_space<semaphore_mem>>
      %dma_start3A_148 = tpu.memref_slice %arg3[%run_scoped3A_95, %add3A_93] : memref<2x320000xi32, #tpu.memory_space<hbm>> -> memref<1x1664xi32, #tpu.memory_space<hbm>>
      %dma_start3A_149 = tpu.memref_squeeze %dma_start3A_148 : memref<1x1664xi32, #tpu.memory_space<hbm>> -> memref<1664xi32, #tpu.memory_space<hbm>>
      %dma_start3A_150 = tpu.memref_slice %arg3[%run_scoped3A_95, %add3A_93] : memref<2x320000xi32, #tpu.memory_space<hbm>> -> memref<1x1664xi32, #tpu.memory_space<hbm>>
      %dma_start3A_151 = tpu.memref_squeeze %dma_start3A_150 : memref<1x1664xi32, #tpu.memory_space<hbm>> -> memref<1664xi32, #tpu.memory_space<hbm>>
      tpu.enqueue_dma source(%dma_start3A_151 : memref<1664xi32, #tpu.memory_space<hbm>>) target(%arg11 : memref<1664xi32, #tpu.memory_space<vmem>>) target_semaphore(%run_scoped3A_147 : memref<!tpu.dma_semaphore, #tpu.memory_space<semaphore_mem>>)
      %dma_wait3A_152 = tpu.memref_slice %arg3[%run_scoped3A_95, %add3A_93] : memref<2x320000xi32, #tpu.memory_space<hbm>> -> memref<1x1664xi32, #tpu.memory_space<hbm>>
      %dma_wait3A_153 = tpu.memref_squeeze %dma_wait3A_152 : memref<1x1664xi32, #tpu.memory_space<hbm>> -> memref<1664xi32, #tpu.memory_space<hbm>>
      %dma_wait3A_154 = tpu.memref_slice %arg3[%run_scoped3A_95, %add3A_93] : memref<2x320000xi32, #tpu.memory_space<hbm>> -> memref<1x1664xi32, #tpu.memory_space<hbm>>
      %dma_wait3A_155 = tpu.memref_squeeze %dma_wait3A_154 : memref<1x1664xi32, #tpu.memory_space<hbm>> -> memref<1664xi32, #tpu.memory_space<hbm>>
      tpu.wait_dma2 semaphore(%run_scoped3A_147 : memref<!tpu.dma_semaphore, #tpu.memory_space<semaphore_mem>>) src(%dma_wait3A_155 : memref<1664xi32, #tpu.memory_space<hbm>>) dst(%arg11 : memref<1664xi32, #tpu.memory_space<vmem>>)
      tpu.yield
    }) : () -> ()
    %dma_start3A_96 = arith.constant 0 : i32
    %dma_start3A_97 = arith.constant 0 : i32
    %dma_start3A_98 = tpu.memref_slice %arg7[%dma_start3A_96, %dma_start3A_97] : memref<10112x16xf32, #tpu.memory_space<vmem_shared>> -> memref<10112x16xf32, #tpu.memory_space<vmem_shared>>
    tpu.enqueue_indirect_dma source(%dma_start3A_98 : memref<10112x16xf32, #tpu.memory_space<vmem_shared>>) target(%arg15 : memref<1664x16xf32, #tpu.memory_space<vmem>>) offsets(%arg9 : memref<1664xi32, #tpu.memory_space<vmem>>) semaphore(%arg17 : memref<!tpu.dma_semaphore, #tpu.memory_space<semaphore_mem>>)
    %dma_wait3A_99 = arith.constant 0 : i32
    %dma_wait3A_100 = arith.constant 0 : i32
    %dma_wait3A_101 = tpu.memref_slice %arg7[%dma_wait3A_99, %dma_wait3A_100] : memref<10112x16xf32, #tpu.memory_space<vmem_shared>> -> memref<10112x16xf32, #tpu.memory_space<vmem_shared>>
    tpu.wait_indirect_dma semaphore(%arg17 : memref<!tpu.dma_semaphore, #tpu.memory_space<semaphore_mem>>) src(%dma_wait3A_101 : memref<10112x16xf32, #tpu.memory_space<vmem_shared>>) dst(%arg15 : memref<1664x16xf32, #tpu.memory_space<vmem>>)
    %dma_start3A_102 = arith.constant 0 : i32
    %dma_start3A_103 = arith.constant 0 : i32
    %dma_start3A_104 = tpu.memref_slice %arg6[%dma_start3A_102, %dma_start3A_103] : memref<10112x16xf32, #tpu.memory_space<vmem_shared>> -> memref<10112x16xf32, #tpu.memory_space<vmem_shared>>
    tpu.enqueue_indirect_dma source(%arg15 : memref<1664x16xf32, #tpu.memory_space<vmem>>) target(%dma_start3A_104 : memref<10112x16xf32, #tpu.memory_space<vmem_shared>>) offsets(%arg11 : memref<1664xi32, #tpu.memory_space<vmem>>) semaphore(%arg19 : memref<!tpu.dma_semaphore, #tpu.memory_space<semaphore_mem>>) {add = true}
    %dma_wait3A_105 = arith.constant 0 : i32
    %dma_wait3A_106 = arith.constant 0 : i32
    %dma_wait3A_107 = tpu.memref_slice %arg6[%dma_wait3A_105, %dma_wait3A_106] : memref<10112x16xf32, #tpu.memory_space<vmem_shared>> -> memref<10112x16xf32, #tpu.memory_space<vmem_shared>>
    tpu.wait_indirect_dma semaphore(%arg18 : memref<!tpu.dma_semaphore, #tpu.memory_space<semaphore_mem>>) src(%arg14 : memref<1664x16xf32, #tpu.memory_space<vmem>>) dst(%dma_wait3A_107 : memref<10112x16xf32, #tpu.memory_space<vmem_shared>>)
    %dma_wait3A_108 = arith.constant 0 : i32
    %dma_wait3A_109 = arith.constant 0 : i32
    %dma_wait3A_110 = tpu.memref_slice %arg6[%dma_wait3A_108, %dma_wait3A_109] : memref<10112x16xf32, #tpu.memory_space<vmem_shared>> -> memref<10112x16xf32, #tpu.memory_space<vmem_shared>>
    tpu.wait_indirect_dma semaphore(%arg19 : memref<!tpu.dma_semaphore, #tpu.memory_space<semaphore_mem>>) src(%arg15 : memref<1664x16xf32, #tpu.memory_space<vmem>>) dst(%dma_wait3A_110 : memref<10112x16xf32, #tpu.memory_space<vmem_shared>>)
    %run_scoped3A_111 = arith.constant 0 : i32
    "tpu.region"() ({
      %run_scoped3A_147 = tpu.sem_alloc : memref<!tpu.dma_semaphore, #tpu.memory_space<semaphore_mem>>
      %dma_start3A_148 = arith.constant 319488 : i32
      %dma_start3A_149 = tpu.memref_slice %arg3[%run_scoped3A_111, %dma_start3A_148] : memref<2x320000xi32, #tpu.memory_space<hbm>> -> memref<1x512xi32, #tpu.memory_space<hbm>>
      %dma_start3A_150 = tpu.memref_squeeze %dma_start3A_149 : memref<1x512xi32, #tpu.memory_space<hbm>> -> memref<512xi32, #tpu.memory_space<hbm>>
      %dma_start3A_151 = arith.constant 319488 : i32
      %dma_start3A_152 = tpu.memref_slice %arg3[%run_scoped3A_111, %dma_start3A_151] : memref<2x320000xi32, #tpu.memory_space<hbm>> -> memref<1x512xi32, #tpu.memory_space<hbm>>
      %dma_start3A_153 = tpu.memref_squeeze %dma_start3A_152 : memref<1x512xi32, #tpu.memory_space<hbm>> -> memref<512xi32, #tpu.memory_space<hbm>>
      tpu.enqueue_dma source(%dma_start3A_153 : memref<512xi32, #tpu.memory_space<hbm>>) target(%arg12 : memref<512xi32, #tpu.memory_space<vmem>>) target_semaphore(%run_scoped3A_147 : memref<!tpu.dma_semaphore, #tpu.memory_space<semaphore_mem>>)
      %dma_wait3A_154 = arith.constant 319488 : i32
      %dma_wait3A_155 = tpu.memref_slice %arg3[%run_scoped3A_111, %dma_wait3A_154] : memref<2x320000xi32, #tpu.memory_space<hbm>> -> memref<1x512xi32, #tpu.memory_space<hbm>>
      %dma_wait3A_156 = tpu.memref_squeeze %dma_wait3A_155 : memref<1x512xi32, #tpu.memory_space<hbm>> -> memref<512xi32, #tpu.memory_space<hbm>>
      %dma_wait3A_157 = arith.constant 319488 : i32
      %dma_wait3A_158 = tpu.memref_slice %arg3[%run_scoped3A_111, %dma_wait3A_157] : memref<2x320000xi32, #tpu.memory_space<hbm>> -> memref<1x512xi32, #tpu.memory_space<hbm>>
      %dma_wait3A_159 = tpu.memref_squeeze %dma_wait3A_158 : memref<1x512xi32, #tpu.memory_space<hbm>> -> memref<512xi32, #tpu.memory_space<hbm>>
      tpu.wait_dma2 semaphore(%run_scoped3A_147 : memref<!tpu.dma_semaphore, #tpu.memory_space<semaphore_mem>>) src(%dma_wait3A_159 : memref<512xi32, #tpu.memory_space<hbm>>) dst(%arg12 : memref<512xi32, #tpu.memory_space<vmem>>)
      tpu.yield
    }) : () -> ()
    %run_scoped3A_112 = arith.constant 1 : i32
    "tpu.region"() ({
      %run_scoped3A_147 = tpu.sem_alloc : memref<!tpu.dma_semaphore, #tpu.memory_space<semaphore_mem>>
      %dma_start3A_148 = arith.constant 319488 : i32
      %dma_start3A_149 = tpu.memref_slice %arg3[%run_scoped3A_112, %dma_start3A_148] : memref<2x320000xi32, #tpu.memory_space<hbm>> -> memref<1x512xi32, #tpu.memory_space<hbm>>
      %dma_start3A_150 = tpu.memref_squeeze %dma_start3A_149 : memref<1x512xi32, #tpu.memory_space<hbm>> -> memref<512xi32, #tpu.memory_space<hbm>>
      %dma_start3A_151 = arith.constant 319488 : i32
      %dma_start3A_152 = tpu.memref_slice %arg3[%run_scoped3A_112, %dma_start3A_151] : memref<2x320000xi32, #tpu.memory_space<hbm>> -> memref<1x512xi32, #tpu.memory_space<hbm>>
      %dma_start3A_153 = tpu.memref_squeeze %dma_start3A_152 : memref<1x512xi32, #tpu.memory_space<hbm>> -> memref<512xi32, #tpu.memory_space<hbm>>
      tpu.enqueue_dma source(%dma_start3A_153 : memref<512xi32, #tpu.memory_space<hbm>>) target(%arg13 : memref<512xi32, #tpu.memory_space<vmem>>) target_semaphore(%run_scoped3A_147 : memref<!tpu.dma_semaphore, #tpu.memory_space<semaphore_mem>>)
      %dma_wait3A_154 = arith.constant 319488 : i32
      %dma_wait3A_155 = tpu.memref_slice %arg3[%run_scoped3A_112, %dma_wait3A_154] : memref<2x320000xi32, #tpu.memory_space<hbm>> -> memref<1x512xi32, #tpu.memory_space<hbm>>
      %dma_wait3A_156 = tpu.memref_squeeze %dma_wait3A_155 : memref<1x512xi32, #tpu.memory_space<hbm>> -> memref<512xi32, #tpu.memory_space<hbm>>
      %dma_wait3A_157 = arith.constant 319488 : i32
      %dma_wait3A_158 = tpu.memref_slice %arg3[%run_scoped3A_112, %dma_wait3A_157] : memref<2x320000xi32, #tpu.memory_space<hbm>> -> memref<1x512xi32, #tpu.memory_space<hbm>>
      %dma_wait3A_159 = tpu.memref_squeeze %dma_wait3A_158 : memref<1x512xi32, #tpu.memory_space<hbm>> -> memref<512xi32, #tpu.memory_space<hbm>>
      tpu.wait_dma2 semaphore(%run_scoped3A_147 : memref<!tpu.dma_semaphore, #tpu.memory_space<semaphore_mem>>) src(%dma_wait3A_159 : memref<512xi32, #tpu.memory_space<hbm>>) dst(%arg13 : memref<512xi32, #tpu.memory_space<vmem>>)
      tpu.yield
    }) : () -> ()
    %dma_start3A_113 = arith.constant 0 : i32
    %dma_start3A_114 = arith.constant 0 : i32
    %dma_start3A_115 = tpu.memref_slice %arg14[%dma_start3A_113, %dma_start3A_114] : memref<1664x16xf32, #tpu.memory_space<vmem>> -> memref<512x16xf32, #tpu.memory_space<vmem>>
    %dma_start3A_116 = arith.constant 0 : i32
    %dma_start3A_117 = arith.constant 0 : i32
    %dma_start3A_118 = tpu.memref_slice %arg7[%dma_start3A_116, %dma_start3A_117] : memref<10112x16xf32, #tpu.memory_space<vmem_shared>> -> memref<10112x16xf32, #tpu.memory_space<vmem_shared>>
    tpu.enqueue_indirect_dma source(%dma_start3A_118 : memref<10112x16xf32, #tpu.memory_space<vmem_shared>>) target(%dma_start3A_115 : memref<512x16xf32, #tpu.memory_space<vmem>>) offsets(%arg12 : memref<512xi32, #tpu.memory_space<vmem>>) semaphore(%arg16 : memref<!tpu.dma_semaphore, #tpu.memory_space<semaphore_mem>>)
    %dma_wait3A_119 = arith.constant 0 : i32
    %dma_wait3A_120 = arith.constant 0 : i32
    %dma_wait3A_121 = tpu.memref_slice %arg14[%dma_wait3A_119, %dma_wait3A_120] : memref<1664x16xf32, #tpu.memory_space<vmem>> -> memref<512x16xf32, #tpu.memory_space<vmem>>
    %dma_wait3A_122 = arith.constant 0 : i32
    %dma_wait3A_123 = arith.constant 0 : i32
    %dma_wait3A_124 = tpu.memref_slice %arg7[%dma_wait3A_122, %dma_wait3A_123] : memref<10112x16xf32, #tpu.memory_space<vmem_shared>> -> memref<10112x16xf32, #tpu.memory_space<vmem_shared>>
    tpu.wait_indirect_dma semaphore(%arg16 : memref<!tpu.dma_semaphore, #tpu.memory_space<semaphore_mem>>) src(%dma_wait3A_124 : memref<10112x16xf32, #tpu.memory_space<vmem_shared>>) dst(%dma_wait3A_121 : memref<512x16xf32, #tpu.memory_space<vmem>>)
    %scan3A = arith.constant 0 : i32
    %scan3A_125 = arith.constant 0 : i32
    %scan3A_126 = arith.constant 256 : i32
    %scan3A_127 = arith.addi %scan3A_125, %scan3A_126 : i32
    %scan3A_128 = arith.constant 1 : i32
    scf.for %scan3A_147 = %scan3A_125 to %scan3A_127 step %scan3A_128  : i32 {
      %get3A = arith.index_cast %scan3A_147 : i32 to index
      %get3A_148 = arith.constant 0 : index
      %get3A_149 = tpu.vector_load %arg14[%get3A, %get3A_148] {strides = array<i32>} : memref<1664x16xf32, #tpu.memory_space<vmem>>, vector<1x16xf32>,
      %get3A_150 = vector.shape_cast %get3A_149 : vector<1x16xf32> to vector<16xf32>
      %mul3A_151 = vector.broadcast %select_n3A : f32 to vector<16xf32>
      %mul3A_152 = arith.mulf %get3A_150, %mul3A_151 : vector<16xf32>
      %swap3A = arith.index_cast %scan3A_147 : i32 to index
      %swap3A_153 = arith.constant 0 : index
      %swap3A_154 = tpu.vector_load %arg14[%swap3A, %swap3A_153] {strides = array<i32>} : memref<1664x16xf32, #tpu.memory_space<vmem>>, vector<1x16xf32>,
      %swap3A_155 = vector.shape_cast %swap3A_154 : vector<1x16xf32> to vector<16xf32>
      %swap3A_156 = vector.shape_cast %mul3A_152 : vector<16xf32> to vector<1x16xf32>
      tpu.vector_store %arg14[%swap3A, %swap3A_153], %swap3A_156 {strides = array<i32>} : memref<1664x16xf32, #tpu.memory_space<vmem>>, vector<1x16xf32>,
      %add3A_157 = arith.constant 256 : i32
      %add3A_158 = arith.addi %add3A_157, %scan3A_147 : i32
      %get3A_159 = arith.index_cast %add3A_158 : i32 to index
      %get3A_160 = arith.constant 0 : index
      %get3A_161 = tpu.vector_load %arg14[%get3A_159, %get3A_160] {strides = array<i32>} : memref<1664x16xf32, #tpu.memory_space<vmem>>, vector<1x16xf32>,
      %get3A_162 = vector.shape_cast %get3A_161 : vector<1x16xf32> to vector<16xf32>
      %mul3A_163 = vector.broadcast %select_n3A_11 : f32 to vector<16xf32>
      %mul3A_164 = arith.mulf %get3A_162, %mul3A_163 : vector<16xf32>
      %add3A_165 = arith.constant 256 : i32
      %add3A_166 = arith.addi %add3A_165, %scan3A_147 : i32
      %swap3A_167 = arith.index_cast %add3A_166 : i32 to index
      %swap3A_168 = arith.constant 0 : index
      %swap3A_169 = tpu.vector_load %arg14[%swap3A_167, %swap3A_168] {strides = array<i32>} : memref<1664x16xf32, #tpu.memory_space<vmem>>, vector<1x16xf32>,
      %swap3A_170 = vector.shape_cast %swap3A_169 : vector<1x16xf32> to vector<16xf32>
      %swap3A_171 = vector.shape_cast %mul3A_164 : vector<16xf32> to vector<1x16xf32>
      tpu.vector_store %arg14[%swap3A_167, %swap3A_168], %swap3A_171 {strides = array<i32>} : memref<1664x16xf32, #tpu.memory_space<vmem>>, vector<1x16xf32>,
    }
    %scan3A_129 = arith.constant 256 : i32
    %dma_start3A_130 = arith.constant 0 : i32
    %dma_start3A_131 = arith.constant 0 : i32
    %dma_start3A_132 = tpu.memref_slice %arg14[%dma_start3A_130, %dma_start3A_131] : memref<1664x16xf32, #tpu.memory_space<vmem>> -> memref<512x16xf32, #tpu.memory_space<vmem>>
    %dma_start3A_133 = arith.constant 0 : i32
    %dma_start3A_134 = arith.constant 0 : i32
    %dma_start3A_135 = tpu.memref_slice %arg6[%dma_start3A_133, %dma_start3A_134] : memref<10112x16xf32, #tpu.memory_space<vmem_shared>> -> memref<10112x16xf32, #tpu.memory_space<vmem_shared>>
    tpu.enqueue_indirect_dma source(%dma_start3A_132 : memref<512x16xf32, #tpu.memory_space<vmem>>) target(%dma_start3A_135 : memref<10112x16xf32, #tpu.memory_space<vmem_shared>>) offsets(%arg13 : memref<512xi32, #tpu.memory_space<vmem>>) semaphore(%arg18 : memref<!tpu.dma_semaphore, #tpu.memory_space<semaphore_mem>>) {add = true}
    %dma_wait3A_136 = arith.constant 0 : i32
    %dma_wait3A_137 = arith.constant 0 : i32
    %dma_wait3A_138 = tpu.memref_slice %arg14[%dma_wait3A_136, %dma_wait3A_137] : memref<1664x16xf32, #tpu.memory_space<vmem>> -> memref<512x16xf32, #tpu.memory_space<vmem>>
    %dma_wait3A_139 = arith.constant 0 : i32
    %dma_wait3A_140 = arith.constant 0 : i32
    %dma_wait3A_141 = tpu.memref_slice %arg6[%dma_wait3A_139, %dma_wait3A_140] : memref<10112x16xf32, #tpu.memory_space<vmem_shared>> -> memref<10112x16xf32, #tpu.memory_space<vmem_shared>>
    tpu.wait_indirect_dma semaphore(%arg18 : memref<!tpu.dma_semaphore, #tpu.memory_space<semaphore_mem>>) src(%dma_wait3A_138 : memref<512x16xf32, #tpu.memory_space<vmem>>) dst(%dma_wait3A_141 : memref<10112x16xf32, #tpu.memory_space<vmem_shared>>)
    %barrier3A_142 = arith.constant 0 : index
    tpu.barrier barrier_id(%barrier3A_142)
    %mul3A_143 = arith.constant 632 : i32
    %mul3A_144 = arith.muli %arg1, %mul3A_143 : i32
    %mul3A_145 = arith.constant 632 : i32
    %mul3A_146 = arith.muli %arg1, %mul3A_145 : i32
    "tpu.region"() ({
      %run_scoped3A_147 = tpu.sem_alloc : memref<!tpu.dma_semaphore, #tpu.memory_space<semaphore_mem>>
      %dma_start3A_148 = arith.constant 0 : i32
      %dma_start3A_149 = tpu.memref_slice %arg5[%arg0, %mul3A_146, %dma_start3A_148] : memref<2x10112x16xf32, #tpu.memory_space<hbm>> -> memref<1x632x16xf32, #tpu.memory_space<hbm>>
      %dma_start3A_150 = tpu.memref_squeeze %dma_start3A_149 : memref<1x632x16xf32, #tpu.memory_space<hbm>> -> memref<632x16xf32, #tpu.memory_space<hbm>>
      %dma_start3A_151 = arith.constant 0 : i32
      %dma_start3A_152 = tpu.memref_slice %arg6[%mul3A_144, %dma_start3A_151] : memref<10112x16xf32, #tpu.memory_space<vmem_shared>> -> memref<632x16xf32, #tpu.memory_space<vmem_shared>>
      tpu.enqueue_dma source(%dma_start3A_152 : memref<632x16xf32, #tpu.memory_space<vmem_shared>>) target(%dma_start3A_150 : memref<632x16xf32, #tpu.memory_space<hbm>>) target_semaphore(%run_scoped3A_147 : memref<!tpu.dma_semaphore, #tpu.memory_space<semaphore_mem>>)
      %dma_wait3A_153 = arith.constant 0 : i32
      %dma_wait3A_154 = tpu.memref_slice %arg5[%arg0, %mul3A_146, %dma_wait3A_153] : memref<2x10112x16xf32, #tpu.memory_space<hbm>> -> memref<1x632x16xf32, #tpu.memory_space<hbm>>
      %dma_wait3A_155 = tpu.memref_squeeze %dma_wait3A_154 : memref<1x632x16xf32, #tpu.memory_space<hbm>> -> memref<632x16xf32, #tpu.memory_space<hbm>>
      %dma_wait3A_156 = arith.constant 0 : i32
      %dma_wait3A_157 = tpu.memref_slice %arg6[%mul3A_144, %dma_wait3A_156] : memref<10112x16xf32, #tpu.memory_space<vmem_shared>> -> memref<632x16xf32, #tpu.memory_space<vmem_shared>>
      tpu.wait_dma2 semaphore(%run_scoped3A_147 : memref<!tpu.dma_semaphore, #tpu.memory_space<semaphore_mem>>) src(%dma_wait3A_157 : memref<632x16xf32, #tpu.memory_space<vmem_shared>>) dst(%dma_wait3A_155 : memref<632x16xf32, #tpu.memory_space<hbm>>)
      tpu.yield
    }) : () -> ()
    return
  }
}

module attributes {stable_mosaic.version = 14 : i64} {
  func.func @_mm_body(%arg0: memref<1264x1024xf32, #tpu.memory_space<vmem>>, %arg1: memref<1024x128xf32, #tpu.memory_space<vmem>>, %arg2: memref<1264x128xf32, #tpu.memory_space<vmem>>) attributes {dimension_semantics = [], scalar_prefetch = 0 : i64, scratch_operands = 0 : i64, tpu.core_type = #tpu.core_type<tc>} {
    %get3A = arith.constant 0 : index
    %get3A_0 = arith.constant 0 : index
    %get3A_1 = vector.load %arg0[%get3A, %get3A_0] : memref<1264x1024xf32, #tpu.memory_space<vmem>>, vector<1264x1024xf32>
    %get3A_2 = arith.constant 0 : index
    %get3A_3 = arith.constant 0 : index
    %get3A_4 = vector.load %arg1[%get3A_2, %get3A_3] : memref<1024x128xf32, #tpu.memory_space<vmem>>, vector<1024x128xf32>
    %dot_general3A = arith.constant dense<0.000000e+00> : vector<1264x128xf32>
    %dot_general3A_5 = tpu.matmul %get3A_1, %get3A_4, %dot_general3A {dimension_numbers = #tpu.dot_dimension_numbers<[1], [0], [0], [1], [0, 0, 1, 1], [], []>, transpose_lhs_hint = false} : vector<1264x1024xf32>, vector<1024x128xf32>, vector<1264x128xf32> -> vector<1264x128xf32>
    %swap3A = arith.constant 0 : index
    %swap3A_6 = arith.constant 0 : index
    %swap3A_7 = vector.load %arg2[%swap3A, %swap3A_6] : memref<1264x128xf32, #tpu.memory_space<vmem>>, vector<1264x128xf32>
    tpu.vector_store %arg2[%swap3A, %swap3A_6], %dot_general3A_5 {strides = array<i32>} : memref<1264x128xf32, #tpu.memory_space<vmem>>, vector<1264x128xf32>,
    return
  }
}

module attributes {stable_mosaic.version = 14 : i64} {
  func.func @_scale_body(%arg0: memref<1264x128xf32, #tpu.memory_space<vmem>>, %arg1: memref<2x1264x128xf32, #tpu.memory_space<vmem>>, %arg2: memref<1264x128xf32, #tpu.memory_space<vmem>>) attributes {dimension_semantics = [], scalar_prefetch = 0 : i64, scratch_operands = 0 : i64, tpu.core_type = #tpu.core_type<tc>} {
    %get3A = arith.constant 0 : index
    %get3A_0 = arith.constant 0 : index
    %get3A_1 = arith.constant 0 : index
    %get3A_2 = vector.load %arg1[%get3A, %get3A_0, %get3A_1] : memref<2x1264x128xf32, #tpu.memory_space<vmem>>, vector<1x1264x128xf32>
    %get3A_3 = vector.shape_cast %get3A_2 : vector<1x1264x128xf32> to vector<1264x128xf32>
    %get3A_4 = arith.constant 1 : index
    %get3A_5 = arith.constant 0 : index
    %get3A_6 = arith.constant 0 : index
    %get3A_7 = vector.load %arg1[%get3A_4, %get3A_5, %get3A_6] : memref<2x1264x128xf32, #tpu.memory_space<vmem>>, vector<1x1264x128xf32>
    %get3A_8 = vector.shape_cast %get3A_7 : vector<1x1264x128xf32> to vector<1264x128xf32>
    %add3A = arith.addf %get3A_3, %get3A_8 : vector<1264x128xf32>
    %add3A_9 = arith.constant 1.000000e+00 : f32
    %add3A_10 = vector.broadcast %add3A_9 : f32 to vector<1264x128xf32>
    %add3A_11 = arith.addf %add3A, %add3A_10 : vector<1264x128xf32>
    %sqrt3A = math.sqrt %add3A_11 : vector<1264x128xf32>
    %div3A = arith.constant 1.000000e+00 : f32
    %div3A_12 = vector.broadcast %div3A : f32 to vector<1264x128xf32>
    %div3A_13 = arith.divf %div3A_12, %sqrt3A : vector<1264x128xf32>
    %get3A_14 = arith.constant 0 : index
    %get3A_15 = arith.constant 0 : index
    %get3A_16 = vector.load %arg0[%get3A_14, %get3A_15] : memref<1264x128xf32, #tpu.memory_space<vmem>>, vector<1264x128xf32>
    %mul3A = arith.mulf %div3A_13, %get3A_16 : vector<1264x128xf32>
    %swap3A = arith.constant 0 : index
    %swap3A_17 = arith.constant 0 : index
    %swap3A_18 = vector.load %arg2[%swap3A, %swap3A_17] : memref<1264x128xf32, #tpu.memory_space<vmem>>, vector<1264x128xf32>
    tpu.vector_store %arg2[%swap3A, %swap3A_17], %mul3A {strides = array<i32>} : memref<1264x128xf32, #tpu.memory_space<vmem>>, vector<1264x128xf32>,
    return
  }
}

module attributes {stable_mosaic.version = 14 : i64} {
  func.func @_tc2_body(%arg0: memref<2x1264x128xf32, #tpu.memory_space<vmem>>, %arg1: memref<1264x128xf32, #tpu.memory_space<vmem>>, %arg2: memref<2x1264x128xf32, #tpu.memory_space<vmem>>, %arg3: memref<128x128xf32, #tpu.memory_space<vmem>>, %arg4: memref<1x128xf32, #tpu.memory_space<vmem>>, %arg5: memref<1264x128xf32, #tpu.memory_space<vmem>>) attributes {dimension_semantics = [], scalar_prefetch = 0 : i64, scratch_operands = 0 : i64, tpu.core_type = #tpu.core_type<tc>} {
    %get3A = arith.constant 0 : index
    %get3A_0 = arith.constant 0 : index
    %get3A_1 = arith.constant 0 : index
    %get3A_2 = vector.load %arg2[%get3A, %get3A_0, %get3A_1] : memref<2x1264x128xf32, #tpu.memory_space<vmem>>, vector<1x1264x128xf32>
    %get3A_3 = vector.shape_cast %get3A_2 : vector<1x1264x128xf32> to vector<1264x128xf32>
    %get3A_4 = arith.constant 1 : index
    %get3A_5 = arith.constant 0 : index
    %get3A_6 = arith.constant 0 : index
    %get3A_7 = vector.load %arg2[%get3A_4, %get3A_5, %get3A_6] : memref<2x1264x128xf32, #tpu.memory_space<vmem>>, vector<1x1264x128xf32>
    %get3A_8 = vector.shape_cast %get3A_7 : vector<1x1264x128xf32> to vector<1264x128xf32>
    %add3A = arith.addf %get3A_3, %get3A_8 : vector<1264x128xf32>
    %add3A_9 = arith.constant 1.000000e+00 : f32
    %add3A_10 = vector.broadcast %add3A_9 : f32 to vector<1264x128xf32>
    %add3A_11 = arith.addf %add3A, %add3A_10 : vector<1264x128xf32>
    %sqrt3A = math.sqrt %add3A_11 : vector<1264x128xf32>
    %div3A = arith.constant 1.000000e+00 : f32
    %div3A_12 = vector.broadcast %div3A : f32 to vector<1264x128xf32>
    %div3A_13 = arith.divf %div3A_12, %sqrt3A : vector<1264x128xf32>
    %get3A_14 = arith.constant 0 : index
    %get3A_15 = arith.constant 0 : index
    %get3A_16 = arith.constant 0 : index
    %get3A_17 = vector.load %arg0[%get3A_14, %get3A_15, %get3A_16] : memref<2x1264x128xf32, #tpu.memory_space<vmem>>, vector<1x1264x128xf32>
    %get3A_18 = vector.shape_cast %get3A_17 : vector<1x1264x128xf32> to vector<1264x128xf32>
    %get3A_19 = arith.constant 1 : index
    %get3A_20 = arith.constant 0 : index
    %get3A_21 = arith.constant 0 : index
    %get3A_22 = vector.load %arg0[%get3A_19, %get3A_20, %get3A_21] : memref<2x1264x128xf32, #tpu.memory_space<vmem>>, vector<1x1264x128xf32>
    %get3A_23 = vector.shape_cast %get3A_22 : vector<1x1264x128xf32> to vector<1264x128xf32>
    %add3A_24 = arith.addf %get3A_18, %get3A_23 : vector<1264x128xf32>
    %get3A_25 = arith.constant 0 : index
    %get3A_26 = arith.constant 0 : index
    %get3A_27 = vector.load %arg1[%get3A_25, %get3A_26] : memref<1264x128xf32, #tpu.memory_space<vmem>>, vector<1264x128xf32>
    %add3A_28 = arith.addf %add3A_24, %get3A_27 : vector<1264x128xf32>
    %mul3A = arith.mulf %div3A_13, %add3A_28 : vector<1264x128xf32>
    %get3A_29 = arith.constant 0 : index
    %get3A_30 = arith.constant 0 : index
    %get3A_31 = vector.load %arg4[%get3A_29, %get3A_30] : memref<1x128xf32, #tpu.memory_space<vmem>>, vector<1x128xf32>
    %add3A_32 = vector.broadcast %get3A_31 : vector<1x128xf32> to vector<1264x128xf32>
    %add3A_33 = arith.addf %mul3A, %add3A_32 : vector<1264x128xf32>
    %tanh3A = math.tanh %add3A_33 : vector<1264x128xf32>
    %get3A_34 = arith.constant 0 : index
    %get3A_35 = arith.constant 0 : index
    %get3A_36 = vector.load %arg3[%get3A_34, %get3A_35] : memref<128x128xf32, #tpu.memory_space<vmem>>, vector<128x128xf32>
    %dot_general3A = arith.constant dense<0.000000e+00> : vector<1264x128xf32>
    %dot_general3A_37 = tpu.matmul %tanh3A, %get3A_36, %dot_general3A {dimension_numbers = #tpu.dot_dimension_numbers<[1], [0], [0], [1], [0, 0, 1, 1], [], []>, transpose_lhs_hint = false} : vector<1264x128xf32>, vector<128x128xf32>, vector<1264x128xf32> -> vector<1264x128xf32>
    %mul3A_38 = arith.mulf %div3A_13, %dot_general3A_37 : vector<1264x128xf32>
    %swap3A = arith.constant 0 : index
    %swap3A_39 = arith.constant 0 : index
    %swap3A_40 = vector.load %arg5[%swap3A, %swap3A_39] : memref<1264x128xf32, #tpu.memory_space<vmem>>, vector<1264x128xf32>
    tpu.vector_store %arg5[%swap3A, %swap3A_39], %mul3A_38 {strides = array<i32>} : memref<1264x128xf32, #tpu.memory_space<vmem>>, vector<1264x128xf32>,
    return
  }
}

module attributes {stable_mosaic.version = 14 : i64} {
  func.func @_tc3_body(%arg0: memref<2x1264x128xf32, #tpu.memory_space<vmem>>, %arg1: memref<1264x128xf32, #tpu.memory_space<vmem>>, %arg2: memref<2x1264x128xf32, #tpu.memory_space<vmem>>, %arg3: memref<1x128xf32, #tpu.memory_space<vmem>>, %arg4: memref<1264x128xf32, #tpu.memory_space<vmem>>) attributes {dimension_semantics = [], scalar_prefetch = 0 : i64, scratch_operands = 0 : i64, tpu.core_type = #tpu.core_type<tc>} {
    %get3A = arith.constant 0 : index
    %get3A_0 = arith.constant 0 : index
    %get3A_1 = arith.constant 0 : index
    %get3A_2 = vector.load %arg2[%get3A, %get3A_0, %get3A_1] : memref<2x1264x128xf32, #tpu.memory_space<vmem>>, vector<1x1264x128xf32>
    %get3A_3 = vector.shape_cast %get3A_2 : vector<1x1264x128xf32> to vector<1264x128xf32>
    %get3A_4 = arith.constant 1 : index
    %get3A_5 = arith.constant 0 : index
    %get3A_6 = arith.constant 0 : index
    %get3A_7 = vector.load %arg2[%get3A_4, %get3A_5, %get3A_6] : memref<2x1264x128xf32, #tpu.memory_space<vmem>>, vector<1x1264x128xf32>
    %get3A_8 = vector.shape_cast %get3A_7 : vector<1x1264x128xf32> to vector<1264x128xf32>
    %add3A = arith.addf %get3A_3, %get3A_8 : vector<1264x128xf32>
    %add3A_9 = arith.constant 1.000000e+00 : f32
    %add3A_10 = vector.broadcast %add3A_9 : f32 to vector<1264x128xf32>
    %add3A_11 = arith.addf %add3A, %add3A_10 : vector<1264x128xf32>
    %sqrt3A = math.sqrt %add3A_11 : vector<1264x128xf32>
    %div3A = arith.constant 1.000000e+00 : f32
    %div3A_12 = vector.broadcast %div3A : f32 to vector<1264x128xf32>
    %div3A_13 = arith.divf %div3A_12, %sqrt3A : vector<1264x128xf32>
    %get3A_14 = arith.constant 0 : index
    %get3A_15 = arith.constant 0 : index
    %get3A_16 = arith.constant 0 : index
    %get3A_17 = vector.load %arg0[%get3A_14, %get3A_15, %get3A_16] : memref<2x1264x128xf32, #tpu.memory_space<vmem>>, vector<1x1264x128xf32>
    %get3A_18 = vector.shape_cast %get3A_17 : vector<1x1264x128xf32> to vector<1264x128xf32>
    %get3A_19 = arith.constant 1 : index
    %get3A_20 = arith.constant 0 : index
    %get3A_21 = arith.constant 0 : index
    %get3A_22 = vector.load %arg0[%get3A_19, %get3A_20, %get3A_21] : memref<2x1264x128xf32, #tpu.memory_space<vmem>>, vector<1x1264x128xf32>
    %get3A_23 = vector.shape_cast %get3A_22 : vector<1x1264x128xf32> to vector<1264x128xf32>
    %add3A_24 = arith.addf %get3A_18, %get3A_23 : vector<1264x128xf32>
    %get3A_25 = arith.constant 0 : index
    %get3A_26 = arith.constant 0 : index
    %get3A_27 = vector.load %arg1[%get3A_25, %get3A_26] : memref<1264x128xf32, #tpu.memory_space<vmem>>, vector<1264x128xf32>
    %add3A_28 = arith.addf %add3A_24, %get3A_27 : vector<1264x128xf32>
    %mul3A = arith.mulf %div3A_13, %add3A_28 : vector<1264x128xf32>
    %get3A_29 = arith.constant 0 : index
    %get3A_30 = arith.constant 0 : index
    %get3A_31 = vector.load %arg3[%get3A_29, %get3A_30] : memref<1x128xf32, #tpu.memory_space<vmem>>, vector<1x128xf32>
    %add3A_32 = vector.broadcast %get3A_31 : vector<1x128xf32> to vector<1264x128xf32>
    %add3A_33 = arith.addf %mul3A, %add3A_32 : vector<1264x128xf32>
    %tanh3A = math.tanh %add3A_33 : vector<1264x128xf32>
    %swap3A = arith.constant 0 : index
    %swap3A_34 = arith.constant 0 : index
    %swap3A_35 = vector.load %arg4[%swap3A, %swap3A_34] : memref<1264x128xf32, #tpu.memory_space<vmem>>, vector<1264x128xf32>
    tpu.vector_store %arg4[%swap3A, %swap3A_34], %tanh3A {strides = array<i32>} : memref<1264x128xf32, #tpu.memory_space<vmem>>, vector<1264x128xf32>,
    return
  }
}

</mosaic_0001>

<sc_bundles>
// kernel: kernel.12.cloned.1.call-start
scs
__scs_entry_jumppad:
0x0: {  	(pc) =	sbr.rel $0x88, $3  }
0x1: {  	(tag) =	ssettag $0x0;
	lr =	simm.s32 $0x1  }
0x2: {  	[smem:$0x3F9B] =	sst lr;
	_ =	strace $0xD0000000  }
0x3: {  	_ = 	snop  }
0x4: {  	_ = 	snop  }
0x5: {  	_ = 	snop  }
0x6: {  	_ = 	snop  }
0x7: {  	_ = 	snop  }
__scs_overlays_trampoline_lowered:
0x8: {  	[smem:$0x3FAA] =	sst s0  }
0x9: {  	[smem:$0x3FAB] =	sst s1  }
0xa: {  	[smem:$0x3FAC] =	sst s2  }
0xb: {  	[smem:$0x3FAD] =	sst s3  }
0xc: {  	[smem:$0x3FAE] =	sst s4  }
0xd: {  	[smem:$0x3FAF] =	sst s5  }
0xe: {  	[smem:$0x3FB0] =	sst s6  }
0xf: {  	[smem:$0x3FB1] =	sst s7  }
0x10: {  	[smem:$0x3FB2] =	sst s8  }
0x11: {  	[smem:$0x3FB3] =	sst s9;
	s0 =	simm.s32 @!p0 $0x0  }
0x12: {  	s1 =	sld [smem:$0x3F99];
	s0 =	simm.s32 @p0 $0x1  }
0x13: {  	[smem:$0x3FB4] =	sst s0;
	s0 =	simm.s32 @!p1 $0x0  }
0x14: {  	s2 =	sld [smem:$0x3F98];
	s0 =	simm.s32 @p1 $0x1  }
0x15: {  	[smem:$0x3FB5] =	sst s0;
	s0 =	simm.s32 @!p2 $0x0  }
0x16: {  	s3 =	sld [smem:$0x3FDB];
	s0 =	simm.s32 @p2 $0x1  }
0x17: {  	s4 =	simm.s32 $0x1BF5;
	[smem:$0x3FB7] =	sst s0  }
0x18: {  	s0 =	sld [smem:$0x3F9A];
	_ =	swait.ge [sflag:s4], $0x0  }
0x19: {  	s7 =	sld [smem:$0x3F9B]  }
0x1a: {  	s8 =	sadd.s32 $0xFFFFE003, lr  }
0x1b: {  	s9 =	sadd.s32 $0xFFFFFEF7, lr;
	s5 =	simm.s32 $0xFFFFFFFF;
	p2 =	slt.u32 s8, $0xFFFFF086  }
0x1c: {  	p1 =	slt.u32 s9, $0xF7A;
	s5 =	simm.s32 @!p2 $0x0  }
0x1d: {  	s5 =	simm.s32 @p1 $0x1;
	p0 =	seq.s32 s7, s2  }
0x1e: {  	s7 =	smul.u32 @!p0 $0xF7A, s2;
	p2 =	seq.s32 @!p0 s5, $0x0  }
0x1f: {  	s9 =	smul.u32 $0xF7A, s1;
	s8 =	simm.s32 @!p0 $0x1BF5;
	p2 =	por !p2, p0  }
0x20: {  	[sflag:s8] =	ssyncset.s32 @!p0 $0xFFFFF086;
	s6 =	sadd.s32 @!p0 s3, s7;
	s7 =	simm.s32 @!p0 $0x108  }
0x21: {  	s3 =	sadd.s32 s3, s9;
	s6 =	sadd.s32 @!p0 $0x88, s6;
	s7 =	simm.s32 @p2 $0x1082  }
0x22: {  	[simem:s7], [sflag:s8] =	dma.local @!p0 [hbm:s6], $0xF7A  }
0x23: {  	s9 =	sor.u32 $0xD0000000, s2;
	s6 =	simm.s32 $0x108;
	_ =	swait.ge @!p0 [sflag:s8], $0x0  }
0x24: {  	s3 =	sadd.s32 $0x88, s3;
	s6 =	simm.s32 @!p1 $0x1082;
	[sflag:s4] =	ssyncset.s32 $0xFFFFF086  }
0x25: {  	[simem:s6], [sflag:s4] =	dma.local [hbm:s3], $0xF7A  }
0x26: {  	[smem:$0x3F9B] =	sst s1;
	(tag) =	ssettag s2;
	_ =	strace s9  }
0x27: {  	s1 =	sld [smem:$0x3FAB]  }
0x28: {  	s2 =	sld [smem:$0x3FAC]  }
0x29: {  	s4 =	sld [smem:$0x3FAE]  }
0x2a: {  	p0 =	seq.s32 s5, $0x0;
	s5 =	sld [smem:$0x3FAF]  }
0x2b: {  	s6 =	sld [smem:$0x3FB0]  }
0x2c: {  	s7 =	sld [smem:$0x3FB1]  }
0x2d: {  	s3 =	simm.s32 $0x108;
	s8 =	sld [smem:$0x3FB2]  }
0x2e: {  	s3 =	simm.s32 @!p0 $0x1082;
	s9 =	sld [smem:$0x3FB3]  }
0x2f: {  	lr =	sadd.s32 s0, s3;
	s0 =	sld [smem:$0x3FAA]  }
0x30: {  	s3 =	sld [smem:$0x3FAD]  }
0x31: {  	[smem:$0x3FB6] =	sst s10  }
0x32: {  	s10 =	sld [smem:$0x3FB4];
	_ =	sdelay $0x3  }
0x33: {  	p0 =	seq.s32 s10, $0x1;
	s10 =	sld [smem:$0x3FB6];
	_ =	sdelay $0x3  }
0x34: {  	[smem:$0x3FB6] =	sst s10  }
0x35: {  	s10 =	sld [smem:$0x3FB5];
	_ =	sdelay $0x3  }
0x36: {  	p1 =	seq.s32 s10, $0x1;
	s10 =	sld [smem:$0x3FB6];
	_ =	sdelay $0x3  }
0x37: {  	[smem:$0x3FB6] =	sst s10  }
0x38: {  	s10 =	sld [smem:$0x3FB7]  }
0x39: {  	_ = 	snop;
	(pc) =	sbr.ind lr, $3  }
0x3a: {  	_ = 	snop  }
0x3b: {  	_ = 	snop  }
0x3c: {  	p2 =	seq.s32 s10, $0x1;
	s10 =	sld [smem:$0x3FB6]  }
0x3d: {  	_ =	shalt  }
0x3e: {  	_ =	shalt  }
0x3f: {  	_ =	shalt  }
0x40: {  	_ =	shalt  }
0x41: {  	_ =	shalt  }
0x42: {  	_ =	shalt  }
0x43: {  	_ =	shalt  }
0x44: {  	_ =	shalt  }
0x45: {  	_ =	shalt  }
0x46: {  	_ =	shalt  }
0x47: {  	_ =	shalt  }
0x48: {  	_ =	shalt  }
0x49: {  	_ =	shalt  }
0x4a: {  	_ =	shalt  }
0x4b: {  	_ =	shalt  }
0x4c: {  	_ =	shalt  }
0x4d: {  	_ =	shalt  }
0x4e: {  	_ =	shalt  }
0x4f: {  	_ =	shalt  }
0x50: {  	_ =	shalt  }
0x51: {  	_ =	shalt  }
0x52: {  	_ =	shalt  }
0x53: {  	_ =	shalt  }
0x54: {  	_ =	shalt  }
0x55: {  	_ =	shalt  }
0x56: {  	_ =	shalt  }
0x57: {  	_ =	shalt  }
0x58: {  	_ =	shalt  }
0x59: {  	_ =	shalt  }
0x5a: {  	_ =	shalt  }
0x5b: {  	_ =	shalt  }
0x5c: {  	_ =	shalt  }
0x5d: {  	_ =	shalt  }
0x5e: {  	_ =	shalt  }
0x5f: {  	_ =	shalt  }
0x60: {  	_ =	shalt  }
0x61: {  	_ =	shalt  }
0x62: {  	_ =	shalt  }
0x63: {  	_ =	shalt  }
0x64: {  	_ =	shalt  }
0x65: {  	_ =	shalt  }
0x66: {  	_ =	shalt  }
0x67: {  	_ =	shalt  }
0x68: {  	_ =	shalt  }
0x69: {  	_ =	shalt  }
0x6a: {  	_ =	shalt  }
0x6b: {  	_ =	shalt  }
0x6c: {  	_ =	shalt  }
0x6d: {  	_ =	shalt  }
0x6e: {  	_ =	shalt  }
0x6f: {  	_ =	shalt  }
0x70: {  	_ =	shalt  }
0x71: {  	_ =	shalt  }
0x72: {  	_ =	shalt  }
0x73: {  	_ =	shalt  }
0x74: {  	_ =	shalt  }
0x75: {  	_ =	shalt  }
0x76: {  	_ =	shalt  }
0x77: {  	_ =	shalt  }
0x78: {  	_ =	shalt  }
0x79: {  	_ =	shalt  }
0x7a: {  	_ =	shalt  }
0x7b: {  	_ =	shalt  }
0x7c: {  	_ =	shalt  }
0x7d: {  	_ =	shalt  }
0x7e: {  	_ =	shalt  }
0x7f: {  	_ =	shalt  }
0x80: {  	_ =	shalt  }
0x81: {  	_ =	shalt  }
0x82: {  	_ =	shalt  }
0x83: {  	_ =	shalt  }
0x84: {  	_ =	shalt  }
0x85: {  	_ =	shalt  }
0x86: {  	_ =	shalt  }
0x87: {  	_ =	shalt  }
.Lfunc_end0:
.L_simem_size_0:
called_computation.1_lowered:
.L_overlay_start_0:
0x88: {  	s2 =	sld [smem:$0x3FD9]  }
0x89: {  	s3 =	sld [smem:$0x3FFE];
	_ =	sdelay $0x1  }
0x8a: {  	s1 =	srdreg.scid  }
0x8b: {  	s0 =	sand.u32 $0x1, s1  }
0x8c: {  	s17 =	sshll.u32 s0, $0xA;
	s2 =	sadd.s32 s3, s2  }
0x8d: {  	s2 =	sadd.s32 s2, s17  }
0x8e: {  	[smem:$0x3FC2] =	sst s2  }
0x8f: {  	_ = 	snop  }
0x90: {  	s2 =	sld [smem:$0x3FD0];
	(tm) =	ssettm $0x1  }
0x91: {  	s18 =	sld [smem:$0x3FFB];
	_ =	sdelay $0x3  }
0x92: {  	_ =	strace s18  }
0x93: {  	s3 =	sld [smem:$0x3FFC];
	_ =	sdelay $0x3  }
0x94: {  	_ =	strace s3  }
0x95: {  	s3 =	sld [smem:$0x3FFD];
	_ =	sdelay $0x3  }
0x96: {  	_ =	strace s3  }
0x97: {  	_ =	strace $0x8FFFFFFF  }
0x98: {  	s19 =	sld [smem:$0x3FDB];
	_ =	sdelay $0x1  }
0x99: {  	s4 =	simm.s32 $_scs_section_size  }
0x9a: {  	s5 =	simm.s32 $_size__tile_overlayer_lowered;
	s6 =	simm.s32 $_tile_overlayer_lowered  }
0x9b: {  	s22 =	simm.s32 $0x1BFF;
	s21 =	sshll.u32 s6, $0x1;
	s3 =	sadd.s32 s4, s19  }
0x9c: {  	s7 =	simm.s32 $0x0;
	s20 =	sshll.u32 s5, $0x1;
	s5 =	sadd.s32 s21, s3  }
0x9d: {  	[timem:s7], [sflag:s22] =	dma.local [hbm:s5], s20  }
0x9e: {  	_ =	swait.ge [sflag:s22], s20  }
0x9f: {  	s4 =	ssub.s32 $0x0, s20;
	[sflag:s22] =	ssyncset.done $0x0  }
0xa0: {  	[sflag:s22] =	ssyncadd.s32 s4;
	_ =	sdelay $0x1  }
0xa1: {  	s23 =	simm.s32 $0x1B8B  }
0xa2: {  	_ =	swait.ge [sflag:s23], $0x1  }
0xa3: {  	[sflag:s23] =	ssyncset.done $0x0  }
0xa4: {  	s25 =	simm.s32 $0x1B8E;
	s24 =	sld [smem:$0x3FFE];
	[sflag:s23] =	ssyncadd.s32 $0xFFFFFFFF  }
0xa5: {  	s26 =	simm.s32 $execute0_lowered;
	[smem:$0x3FD2] =	sst s25  }
0xa6: {  	s5 =	sshll.u32 s26, $0x1;
	_ =	strace $0x80000049;
	[dreg:$0x1] =	wrdreg $0xFFFFFFFF  }
0xa7: {  	s28 =	simm.s32 $_size_execute0_lowered;
	s3 =	sadd.s32 s3, s5;
	[dreg:$0x0] =	wrdreg $0x0  }
0xa8: {  	s5 =	sshll.u32 s28, $0x1;
	[dreg:$0x2] =	wrdreg s3  }
0xa9: {  	[dreg:$0x3] =	wrdreg s5  }
0xaa: {  	[dreg:$0x4] =	wrdreg $0xC0  }
0xab: {  	_ =	task [dreg:s7], $0x5FFFF  }
0xac: {  	[dreg:$0x1] =	wrdreg $0xFFFFFFFF  }
0xad: {  	[dreg:$0x0] =	wrdreg $0x60  }
0xae: {  	[dreg:$0x2] =	wrdreg s2  }
0xaf: {  	[dreg:$0x3] =	wrdreg s24  }
0xb0: {  	[dreg:$0x4] =	wrdreg $0x0  }
0xb1: {  	[dreg:$0x5] =	wrdreg $0x27800  }
0xb2: {  	[dreg:$0x6] =	wrdreg $0x9  }
0xb3: {  	_ =	task.clear_ibuf [dreg:s7], $0x7FFFF;
	_ =	strace $0x90000049  }
0xb4: {  	s29 =	simm.s32 $0x9;
	_ =	strace $0x8000004B  }
0xb5: {  	_ =	swait.ge [sflag:s29], $0x1  }
0xb6: {  	[sflag:s29] =	ssyncadd.s32 $0xFFFFFFFF  }
0xb7: {  	_ =	strace $0x9000004B  }
0xb8: {  	_ =	sfence  }
0xb9: {  	s30 =	sld [smem:$0x0];
	_ =	sdelay $0x2  }
0xba: {  	s31 =	sshll.u32 s1, $0xD;
	s1 =	sshrl.u32 s1, $0x2  }
0xbb: {  	s3 =	sand.u32 $0x4000, s31;
	s1 =	sadd.s32 s1, s30  }
0xbc: {  	s0 =	sor.u32 s3, s0;
	s1 =	sshll.u32 s1, $0x11  }
0xbd: {  	s0 =	sor.u32 s1, s0  }
0xbe: {  	s0 =	sadd.s32 $0x8F2B, s0  }
0xbf: {  	[sflag:s0] =	ssyncadd.remote.s32 $0x1  }
0xc0: {  	_ =	sfence.sel $0xFFFF  }
0xc1: {  	[dreg:$0x0] =	wrdreg $0xFFFFFFFF;
	(pc) =	sbr.abs _section_cstart, $3  }
0xc2: {  	[dreg:$0x1] =	wrdreg $0xFFFFFFFF  }
0xc3: {  	_ =	task.clear_ibuf [dreg:s7], $0x2FFFF;
	_ =	strace $0x9FFFFFFF  }
0xc4: {  	(tm) =	ssettm $0x7FFFFFFF  }
0xc5: {  	_ =	shalt  }
tec
execute0_lowered:
.L_overlay_start_1:
0x0: {  	(tag) =	ssettag $0x1  }
0x1: {  	s0 =	rddreg [dreg:$0x0]  }
0x2: {  	s5 =	rddreg [dreg:$0x1]  }
0x3: {  	s1 =	srdreg.scid;
	s2 =	rddreg [dreg:$0x2]  }
0x4: {  	s11 =	stileid.u32;
	s3 =	rddreg [dreg:$0x3];
	s12 =	simm.f32 $1.000000000e+00  }
0x5: {  	s13 =	simm.f32 $1.000000000e+00;
	s28 =	simm.s32 $0x4F00;
	s29 =	simm.s32 $0x5C00  }
0x6: {  	s30 =	simm.s32 $0x680;
	s1 =	sand.u32 $0x1, s1;
	s7 =	smul.u32 $0x2780, s11  }
0x7: {  	s31 =	simm.s32 $0x6D00;
	s4 =	sshll.u32 s1, $0x4;
	s8 =	smul.u32 $0x27800, s1  }
0x8: {  	s1 =	ssub.s32 $0x2, s1;
	s6 =	sor.u32 s11, s4;
	s4 =	simm.s32 $0x0  }
0x9: {  	s10 =	sshrl.u32 s1, $0x1;
	s11 =	sshll.u32 s11, $0x6;
	s14 =	sadd.s32 s7, s2  }
0xa: {  	s15 =	sshrl.u32 s7, $0x3;
	s9 =	smul.u32 $0x2700, s6;
	[smem:$0x7FF] =	sst s4  }
0xb: {  	s8 =	sadd.s32 s7, s8;
	p0 =	seq.s32 s6, $0xF;
	s1 =	ssub.s32 s1, s10  }
0xc: {  	s7 =	sadd.s32 s7, s3;
	s0 =	sadd.s32 s0, s15;
	s9 =	sshrl.u32 s9, $0x3  }
0xd: {  	_ =	strace $0x8000004A;
	[dreg:$0x5] =	wrdreg s14;
	s9 =	sadd.s32 s9, s5  }
0xe: {  	s10 =	simm.s32 $0x4;
	[dreg:$0x6] =	wrdreg s0;
	s16 =	sadd.s32 $0x2A00, s9  }
0xf: {  	s8 =	sshrl.u32 s8, $0x3;
	s17 =	sadd.s32 $0xC640, s9;
	[dreg:$0x7] =	wrdreg s16  }
0x10: {  	s12 =	simm.s32 @!p0 $0x0;
	s18 =	sadd.s32 $0x2AD0, s9;
	[dreg:$0x8] =	wrdreg s17  }
0x11: {  	p0 =	seq.s32 s6, $0x1F;
	s19 =	sadd.s32 $0xC710, s9;
	[dreg:$0x9] =	wrdreg s18  }
0x12: {  	s6 =	sor.u32 $0x1C05, s11;
	s20 =	sadd.s32 $0x2BA0, s9;
	[dreg:$0xa] =	wrdreg s19  }
0x13: {  	s0 =	simm.s32 $0x5580;
	s21 =	sadd.s32 $0xC7E0, s9;
	[dreg:$0xb] =	wrdreg s20  }
0x14: {  	s11 =	simm.s32 $0x6900;
	s22 =	sadd.s32 $0x2C70, s9;
	[dreg:$0xc] =	wrdreg s21  }
0x15: {  	s14 =	simm.s32 $0x0;
	s23 =	sadd.s32 $0xC8B0, s9;
	[dreg:$0xd] =	wrdreg s22  }
0x16: {  	s8 =	sadd.s32 s8, s5;
	s24 =	sadd.s32 $0x2D40, s9;
	[dreg:$0xe] =	wrdreg s23  }
0x17: {  	s13 =	simm.s32 @!p0 $0x0;
	s25 =	sadd.s32 $0xC980, s9;
	[dreg:$0xf] =	wrdreg s24  }
0x18: {  	v0 =	vmov s12;
	s12 =	simm.s32 $0x6B00;
	s26 =	sadd.s32 $0x2E10, s9;
	[dreg:$0x10] =	wrdreg s25  }
0x19: {  	v1 =	vmov s13;
	s13 =	simm.s32 $0x200;
	[dreg:$0x11] =	wrdreg s26;
	s19 =	sadd.s32 $0xCA50, s9  }
0x1a: {  	s20 =	sadd.s32 $0x16400, s5;
	s21 =	sadd.s32 $0xC600, s5;
	s22 =	sadd.s32 $0x16240, s5  }
0x1b: {  	s23 =	sadd.s32 $0x16A00, s8;
	s24 =	smax.u32 s1, $0x1;
	s25 =	sshrl.u32 s7, $0x3  }
0x1c: {  	s26 =	simm.s32 $0x5;
	s1 =	simm.s32 $0x1;
	s5 =	simm.s32 $0x6280  }
0x1d: {  	s7 =	simm.s32 $0xD500;
	s8 =	simm.s32 $0x2;
	s9 =	simm.s32 $0x3  }
.LBB2_1:
0x1e: {  	s15 =	rddreg [dreg:$0x5]  }
0x1f: {  	s15 =	sshrl.u32 s15, $0x3  }
0x20: {  	[spmem:s15], [sflag:s6] =	dma.local [hbm:s20], $0x4F0  }
0x21: {  	_ =	swait.ge [sflag:s26], $0x4F0  }
0x22: {  	[sflag:s26] =	ssyncset.done $0x0  }
0x23: {  	s16 =	rddreg [dreg:$0x6];
	[sflag:s26] =	ssyncadd.s32 $0xFFFFFB10  }
0x24: {  	[spmem:s25], [sflag:s6] =	dma.local [hbm:s16], $0x4F0  }
0x25: {  	_ =	swait.ge [sflag:s26], $0x4F0  }
0x26: {  	[sflag:s26] =	ssyncset.done $0x0  }
0x27: {  	[sflag:s26] =	ssyncadd.s32 $0xFFFFFB10  }
0x28: {  	[bflag:$0x0] =	sbarrier.arrive $0xFFFF  }
0x29: {  	s18 =	rddreg [dreg:$0x7]  }
0x2a: {  	[tilespmem:s28], [sflag:$0x5] =	stream.linear.gather [hbm4b:s18+s4], $0x680, $0x38;
	[tilespmem:$0x13D00] =	vst v63  }
0x2b: {  	_ =	swait.ge [sflag:s26], $0x680  }
0x2c: {  	[sflag:s26] =	ssyncset.done $0x0  }
0x2d: {  	s17 =	rddreg [dreg:$0x8];
	[sflag:s26] =	ssyncadd.s32 $0xFFFFF980  }
0x2e: {  	[tilespmem:s29], [sflag:$0x5] =	stream.linear.gather [hbm4b:s17+s4], $0x680, $0x38;
	[tilespmem:$0x13D00] =	vst v63  }
0x2f: {  	_ =	swait.ge [sflag:s26], $0x680  }
0x30: {  	[sflag:s26] =	ssyncset.done $0x0  }
0x31: {  	[sflag:s26] =	ssyncadd.s32 $0xFFFFF980  }
0x32: {  	[tilespmem:s31], [sflag:$0x1] =	stream.indirect.gather [spmem:s3], $0x10, s28, s30, $0xb8;
	[tilespmem:$0x13D00] =	vst v63  }
0x33: {  	_ =	swait.ge [sflag:s1], $0x6800  }
0x34: {  	[sflag:s1] =	ssyncset.done $0x0  }
0x35: {  	[sflag:s1] =	ssyncadd.s32 $0xFFFF9800  }
0x36: {  	[spmem:s2] =	stream.indirect.scatter.add.f32 [tilespmem:s31], [sflag:$0x3], $0x10, s29, s30, $0xb8;
	[tilespmem:$0x13D00] =	vst v63  }
0x37: {  	s18 =	rddreg [dreg:$0x9]  }
0x38: {  	[tilespmem:s0], [sflag:$0x5] =	stream.linear.gather [hbm4b:s18+s4], $0x680, $0x38;
	[tilespmem:$0x13D00] =	vst v63  }
0x39: {  	_ =	swait.ge [sflag:s26], $0x680  }
0x3a: {  	[sflag:s26] =	ssyncset.done $0x0  }
0x3b: {  	s17 =	rddreg [dreg:$0xa];
	[sflag:s26] =	ssyncadd.s32 $0xFFFFF980  }
0x3c: {  	[tilespmem:s5], [sflag:$0x5] =	stream.linear.gather [hbm4b:s17+s4], $0x680, $0x38;
	[tilespmem:$0x13D00] =	vst v63  }
0x3d: {  	_ =	swait.ge [sflag:s26], $0x680  }
0x3e: {  	[sflag:s26] =	ssyncset.done $0x0  }
0x3f: {  	[sflag:s26] =	ssyncadd.s32 $0xFFFFF980  }
0x40: {  	[tilespmem:s7], [sflag:$0x2] =	stream.indirect.gather [spmem:s3], $0x10, s0, s30, $0xb8;
	[tilespmem:$0x13D00] =	vst v63  }
0x41: {  	_ =	swait.ge [sflag:s8], $0x6800  }
0x42: {  	[sflag:s8] =	ssyncset.done $0x0  }
0x43: {  	[sflag:s8] =	ssyncadd.s32 $0xFFFF9800  }
0x44: {  	[spmem:s2] =	stream.indirect.scatter.add.f32 [tilespmem:s7], [sflag:$0x4], $0x10, s5, s30, $0xb8;
	[tilespmem:$0x13D00] =	vst v63  }
0x45: {  	_ =	swait.ge [sflag:s9], $0x6800  }
0x46: {  	[sflag:s9] =	ssyncset.done $0x0  }
0x47: {  	s18 =	rddreg [dreg:$0xb];
	[sflag:s9] =	ssyncadd.s32 $0xFFFF9800  }
0x48: {  	[tilespmem:s28], [sflag:$0x5] =	stream.linear.gather [hbm4b:s18+s4], $0x680, $0x38;
	[tilespmem:$0x13D00] =	vst v63  }
0x49: {  	_ =	swait.ge [sflag:s26], $0x680  }
0x4a: {  	[sflag:s26] =	ssyncset.done $0x0  }
0x4b: {  	s17 =	rddreg [dreg:$0xc];
	[sflag:s26] =	ssyncadd.s32 $0xFFFFF980  }
0x4c: {  	[tilespmem:s29], [sflag:$0x5] =	stream.linear.gather [hbm4b:s17+s4], $0x680, $0x38;
	[tilespmem:$0x13D00] =	vst v63  }
0x4d: {  	_ =	swait.ge [sflag:s26], $0x680  }
0x4e: {  	[sflag:s26] =	ssyncset.done $0x0  }
0x4f: {  	[sflag:s26] =	ssyncadd.s32 $0xFFFFF980  }
0x50: {  	[tilespmem:s31], [sflag:$0x1] =	stream.indirect.gather [spmem:s3], $0x10, s28, s30, $0xb8;
	[tilespmem:$0x13D00] =	vst v63  }
0x51: {  	_ =	swait.ge [sflag:s1], $0x6800  }
0x52: {  	[sflag:s1] =	ssyncset.done $0x0  }
0x53: {  	[sflag:s1] =	ssyncadd.s32 $0xFFFF9800  }
0x54: {  	[spmem:s2] =	stream.indirect.scatter.add.f32 [tilespmem:s31], [sflag:$0x3], $0x10, s29, s30, $0xb8;
	[tilespmem:$0x13D00] =	vst v63  }
0x55: {  	_ =	swait.ge [sflag:s10], $0x6800  }
0x56: {  	[sflag:s10] =	ssyncset.done $0x0  }
0x57: {  	s18 =	rddreg [dreg:$0xd];
	[sflag:s10] =	ssyncadd.s32 $0xFFFF9800  }
0x58: {  	[tilespmem:s0], [sflag:$0x5] =	stream.linear.gather [hbm4b:s18+s4], $0x680, $0x38;
	[tilespmem:$0x13D00] =	vst v63  }
0x59: {  	_ =	swait.ge [sflag:s26], $0x680  }
0x5a: {  	[sflag:s26] =	ssyncset.done $0x0  }
0x5b: {  	s17 =	rddreg [dreg:$0xe];
	[sflag:s26] =	ssyncadd.s32 $0xFFFFF980  }
0x5c: {  	[tilespmem:s5], [sflag:$0x5] =	stream.linear.gather [hbm4b:s17+s4], $0x680, $0x38;
	[tilespmem:$0x13D00] =	vst v63  }
0x5d: {  	_ =	swait.ge [sflag:s26], $0x680  }
0x5e: {  	[sflag:s26] =	ssyncset.done $0x0  }
0x5f: {  	[sflag:s26] =	ssyncadd.s32 $0xFFFFF980  }
0x60: {  	[tilespmem:s7], [sflag:$0x2] =	stream.indirect.gather [spmem:s3], $0x10, s0, s30, $0xb8;
	[tilespmem:$0x13D00] =	vst v63  }
0x61: {  	_ =	swait.ge [sflag:s8], $0x6800  }
0x62: {  	[sflag:s8] =	ssyncset.done $0x0  }
0x63: {  	[sflag:s8] =	ssyncadd.s32 $0xFFFF9800  }
0x64: {  	[spmem:s2] =	stream.indirect.scatter.add.f32 [tilespmem:s7], [sflag:$0x4], $0x10, s5, s30, $0xb8;
	[tilespmem:$0x13D00] =	vst v63  }
0x65: {  	_ =	swait.ge [sflag:s9], $0x6800  }
0x66: {  	[sflag:s9] =	ssyncset.done $0x0  }
0x67: {  	s18 =	rddreg [dreg:$0xf];
	[sflag:s9] =	ssyncadd.s32 $0xFFFF9800  }
0x68: {  	[tilespmem:s28], [sflag:$0x5] =	stream.linear.gather [hbm4b:s18+s4], $0x680, $0x38;
	[tilespmem:$0x13D00] =	vst v63  }
0x69: {  	_ =	swait.ge [sflag:s26], $0x680  }
0x6a: {  	[sflag:s26] =	ssyncset.done $0x0  }
0x6b: {  	s17 =	rddreg [dreg:$0x10];
	[sflag:s26] =	ssyncadd.s32 $0xFFFFF980  }
0x6c: {  	[tilespmem:s29], [sflag:$0x5] =	stream.linear.gather [hbm4b:s17+s4], $0x680, $0x38;
	[tilespmem:$0x13D00] =	vst v63  }
0x6d: {  	_ =	swait.ge [sflag:s26], $0x680  }
0x6e: {  	[sflag:s26] =	ssyncset.done $0x0  }
0x6f: {  	[sflag:s26] =	ssyncadd.s32 $0xFFFFF980  }
0x70: {  	[tilespmem:s31], [sflag:$0x1] =	stream.indirect.gather [spmem:s3], $0x10, s28, s30, $0xb8;
	[tilespmem:$0x13D00] =	vst v63  }
0x71: {  	_ =	swait.ge [sflag:s1], $0x6800  }
0x72: {  	[sflag:s1] =	ssyncset.done $0x0  }
0x73: {  	[sflag:s1] =	ssyncadd.s32 $0xFFFF9800  }
0x74: {  	[spmem:s2] =	stream.indirect.scatter.add.f32 [tilespmem:s31], [sflag:$0x3], $0x10, s29, s30, $0xb8;
	[tilespmem:$0x13D00] =	vst v63  }
0x75: {  	_ =	swait.ge [sflag:s10], $0x6800  }
0x76: {  	[sflag:s10] =	ssyncset.done $0x0  }
0x77: {  	s18 =	rddreg [dreg:$0x11];
	[sflag:s10] =	ssyncadd.s32 $0xFFFF9800  }
0x78: {  	[tilespmem:s0], [sflag:$0x5] =	stream.linear.gather [hbm4b:s18+s4], $0x680, $0x38;
	[tilespmem:$0x13D00] =	vst v63  }
0x79: {  	_ =	swait.ge [sflag:s26], $0x680  }
0x7a: {  	[sflag:s26] =	ssyncset.done $0x0  }
0x7b: {  	[sflag:s26] =	ssyncadd.s32 $0xFFFFF980  }
0x7c: {  	[tilespmem:s5], [sflag:$0x5] =	stream.linear.gather [hbm4b:s19+s4], $0x680, $0x38;
	[tilespmem:$0x13D00] =	vst v63  }
0x7d: {  	_ =	swait.ge [sflag:s26], $0x680  }
0x7e: {  	[sflag:s26] =	ssyncset.done $0x0  }
0x7f: {  	[sflag:s26] =	ssyncadd.s32 $0xFFFFF980  }
0x80: {  	[tilespmem:s7], [sflag:$0x2] =	stream.indirect.gather [spmem:s3], $0x10, s0, s30, $0xb8;
	[tilespmem:$0x13D00] =	vst v63  }
0x81: {  	_ =	swait.ge [sflag:s8], $0x6800  }
0x82: {  	[sflag:s8] =	ssyncset.done $0x0  }
0x83: {  	[sflag:s8] =	ssyncadd.s32 $0xFFFF9800  }
0x84: {  	[spmem:s2] =	stream.indirect.scatter.add.f32 [tilespmem:s7], [sflag:$0x4], $0x10, s5, s30, $0xb8;
	[tilespmem:$0x13D00] =	vst v63  }
0x85: {  	_ =	swait.ge [sflag:s9], $0x6800  }
0x86: {  	[sflag:s9] =	ssyncset.done $0x0  }
0x87: {  	[sflag:s9] =	ssyncadd.s32 $0xFFFF9800  }
0x88: {  	_ =	swait.ge [sflag:s10], $0x6800  }
0x89: {  	[sflag:s10] =	ssyncset.done $0x0  }
0x8a: {  	[sflag:s10] =	ssyncadd.s32 $0xFFFF9800  }
0x8b: {  	[tilespmem:s11], [sflag:$0x5] =	stream.linear.gather [hbm4b:s21+s4], $0x200, $0x38;
	[tilespmem:$0x13D00] =	vst v63  }
0x8c: {  	_ =	swait.ge [sflag:s26], $0x200  }
0x8d: {  	[sflag:s26] =	ssyncset.done $0x0  }
0x8e: {  	[sflag:s26] =	ssyncadd.s32 $0xFFFFFE00  }
0x8f: {  	[tilespmem:s12], [sflag:$0x5] =	stream.linear.gather [hbm4b:s22+s4], $0x200, $0x38;
	[tilespmem:$0x13D00] =	vst v63  }
0x90: {  	_ =	swait.ge [sflag:s26], $0x200  }
0x91: {  	[sflag:s26] =	ssyncset.done $0x0  }
0x92: {  	[sflag:s26] =	ssyncadd.s32 $0xFFFFFE00  }
0x93: {  	[tilespmem:s31], [sflag:$0x1] =	stream.indirect.gather [spmem:s3], $0x10, s11, s13, $0xb8;
	[tilespmem:$0x13D00] =	vst v63  }
0x94: {  	_ =	swait.ge [sflag:s1], $0x2000  }
0x95: {  	[sflag:s1] =	ssyncset.done $0x0  }
0x96: {  	s16 =	simm.s32 $0x0;
	[sflag:s1] =	ssyncadd.s32 $0xFFFFE000  }
0x97: {  	s17 =	simm.s32 $0x40;
	v2 =	vld [tilespmem:s16+$0x6D00]  }
.LBB2_2:
0x98: {  	p0 =	sne.s32 s17, $0x3FC0;
	v3 =	vld [tilespmem:s16+$0x7D00];
	_ =	sdelay $0x2  }
.Ltmp0:
0x99: {  	(pc) =	sbr.rel @p0 .LBB2_2-.Ltmp0, $4  }
0x9a: {  	v2 =	vmul.f32 v2, v0  }
0x9b: {  	v3 =	vmul.f32 v3, v1  }
0x9c: {  	s18 =	sshra.s32 s17, $0x2;
	[tilespmem:s16+$0x6D00] =	vst v2  }
0x9d: {  	s17 =	sadd.s32 $0x40, s17;
	v2 =	vld [tilespmem:s18+$0x6D00];
	[tilespmem:s16+$0x7D00] =	vst v3;
	s16 =	smov.u32 s18  }
0x9e: {  	v3 =	vld [tilespmem:s16+$0x7D00];
	_ =	sdelay $0x3  }
0x9f: {  	v2 =	vmul.f32 v2, v0  }
0xa0: {  	v3 =	vmul.f32 v3, v1  }
0xa1: {  	[tilespmem:s16+$0x6D00] =	vst v2  }
0xa2: {  	[tilespmem:s16+$0x7D00] =	vst v3  }
0xa3: {  	[spmem:s2] =	stream.indirect.scatter.add.f32 [tilespmem:s31], [sflag:$0x3], $0x10, s12, s13, $0xb8;
	[tilespmem:$0x13D00] =	vst v63  }
0xa4: {  	_ =	swait.ge [sflag:s9], $0x2000  }
0xa5: {  	s14 =	sadd.s32 $0x1, s14;
	[sflag:s9] =	ssyncset.done $0x0  }
0xa6: {  	p0 =	sne.s32 s14, s24;
	[sflag:s9] =	ssyncadd.s32 $0xFFFFE000  }
.Ltmp1:
0xa7: {  	[bflag:$0x0] =	sbarrier.arrive $0xFFFF;
	(pc) =	sbr.rel @p0 .LBB2_1-.Ltmp1, $4  }
0xa8: {  	[hbm:s23], [sflag:s6] =	dma.local [spmem:s15], $0x4F0  }
0xa9: {  	_ =	swait.ge [sflag:s26], $0x4F0  }
0xaa: {  	[sflag:s26] =	ssyncset.done $0x0  }
0xab: {  	[sflag:s26] =	ssyncadd.s32 $0xFFFFFB10  }
0xac: {  	_ =	sfence.sel $0x180000  }
0xad: {  	[bflag:$0x0] =	sbarrier.arrive $0xFFFF  }
0xae: {  	_ =	strace $0x9000004A  }
0xaf: {  	s0 =	stileid.u32;
	[bflag:$0x2] =	sbarrier.arrive $0xFFFF  }
0xb0: {  	p0 =	sne.s32 s0, $0x0;
	s0 =	rddreg [dreg:$0x4]  }
0xb1: {  	s0 =	sadd.s32 @!p0 $0x100000, s0  }
0xb2: {  	[sflag:s0] =	ssyncadd.tile.s32 @!p0 $0x1;
	_ =	shalt  }
.Lfunc_end2:
_tile_overlayer_lowered:
.L_overlay_start_2:
0xb3: {  	(tag) =	ssettag $0x2  }
0xb4: {  	s0 =	rddreg [dreg:$0x0];
	s2 =	stileid.u32  }
0xb5: {  	s1 =	rddreg [dreg:$0x1];
	p0 =	sne.s32 s2, $0x0  }
0xb6: {  	s3 =	rddreg [dreg:$0x2];
	[bflag:$0x3] =	sbarrier.arrive $0xFFFF;
	s2 =	simm.s32 @!p0 $0x1C05  }
0xb7: {  	[timem:s3], [sflag:s2] =	dma.local @!p0 [hbm:s0], s1  }
0xb8: {  	s0 =	simm.s32 @!p0 $0x5  }
0xb9: {  	_ =	swait.ge @!p0 [sflag:s0], s1  }
0xba: {  	s1 =	ssub.s32 @!p0 $0x0, s1;
	[sflag:s0] =	ssyncset.done @!p0 $0x0  }
0xbb: {  	[sflag:s0] =	ssyncadd.s32 @!p0 s1  }
0xbc: {  	[bflag:$0x3] =	sbarrier.arrive $0xFFFF  }
0xbd: {  	_ =	shalt  }

// kernel: kernel.15.cloned.1.call-start
scs
__scs_entry_jumppad:
0x0: {  	(pc) =	sbr.rel $0x88, $3  }
0x1: {  	(tag) =	ssettag $0x0;
	lr =	simm.s32 $0x1  }
0x2: {  	[smem:$0x3F9B] =	sst lr;
	_ =	strace $0xD0000000  }
0x3: {  	_ = 	snop  }
0x4: {  	_ = 	snop  }
0x5: {  	_ = 	snop  }
0x6: {  	_ = 	snop  }
0x7: {  	_ = 	snop  }
__scs_overlays_trampoline_lowered:
0x8: {  	[smem:$0x3FAA] =	sst s0  }
0x9: {  	[smem:$0x3FAB] =	sst s1  }
0xa: {  	[smem:$0x3FAC] =	sst s2  }
0xb: {  	[smem:$0x3FAD] =	sst s3  }
0xc: {  	[smem:$0x3FAE] =	sst s4  }
0xd: {  	[smem:$0x3FAF] =	sst s5  }
0xe: {  	[smem:$0x3FB0] =	sst s6  }
0xf: {  	[smem:$0x3FB1] =	sst s7  }
0x10: {  	[smem:$0x3FB2] =	sst s8  }
0x11: {  	[smem:$0x3FB3] =	sst s9;
	s0 =	simm.s32 @!p0 $0x0  }
0x12: {  	s1 =	sld [smem:$0x3F99];
	s0 =	simm.s32 @p0 $0x1  }
0x13: {  	[smem:$0x3FB4] =	sst s0;
	s0 =	simm.s32 @!p1 $0x0  }
0x14: {  	s2 =	sld [smem:$0x3F98];
	s0 =	simm.s32 @p1 $0x1  }
0x15: {  	[smem:$0x3FB5] =	sst s0;
	s0 =	simm.s32 @!p2 $0x0  }
0x16: {  	s3 =	sld [smem:$0x3FDB];
	s0 =	simm.s32 @p2 $0x1  }
0x17: {  	s4 =	simm.s32 $0x1BF5;
	[smem:$0x3FB7] =	sst s0  }
0x18: {  	s0 =	sld [smem:$0x3F9A];
	_ =	swait.ge [sflag:s4], $0x0  }
0x19: {  	s7 =	sld [smem:$0x3F9B]  }
0x1a: {  	s8 =	sadd.s32 $0xFFFFE003, lr  }
0x1b: {  	s9 =	sadd.s32 $0xFFFFFEF7, lr;
	s5 =	simm.s32 $0xFFFFFFFF;
	p2 =	slt.u32 s8, $0xFFFFF086  }
0x1c: {  	p1 =	slt.u32 s9, $0xF7A;
	s5 =	simm.s32 @!p2 $0x0  }
0x1d: {  	s5 =	simm.s32 @p1 $0x1;
	p0 =	seq.s32 s7, s2  }
0x1e: {  	s7 =	smul.u32 @!p0 $0xF7A, s2;
	p2 =	seq.s32 @!p0 s5, $0x0  }
0x1f: {  	s9 =	smul.u32 $0xF7A, s1;
	s8 =	simm.s32 @!p0 $0x1BF5;
	p2 =	por !p2, p0  }
0x20: {  	[sflag:s8] =	ssyncset.s32 @!p0 $0xFFFFF086;
	s6 =	sadd.s32 @!p0 s3, s7;
	s7 =	simm.s32 @!p0 $0x108  }
0x21: {  	s3 =	sadd.s32 s3, s9;
	s6 =	sadd.s32 @!p0 $0x88, s6;
	s7 =	simm.s32 @p2 $0x1082  }
0x22: {  	[simem:s7], [sflag:s8] =	dma.local @!p0 [hbm:s6], $0xF7A  }
0x23: {  	s9 =	sor.u32 $0xD0000000, s2;
	s6 =	simm.s32 $0x108;
	_ =	swait.ge @!p0 [sflag:s8], $0x0  }
0x24: {  	s3 =	sadd.s32 $0x88, s3;
	s6 =	simm.s32 @!p1 $0x1082;
	[sflag:s4] =	ssyncset.s32 $0xFFFFF086  }
0x25: {  	[simem:s6], [sflag:s4] =	dma.local [hbm:s3], $0xF7A  }
0x26: {  	[smem:$0x3F9B] =	sst s1;
	(tag) =	ssettag s2;
	_ =	strace s9  }
0x27: {  	s1 =	sld [smem:$0x3FAB]  }
0x28: {  	s2 =	sld [smem:$0x3FAC]  }
0x29: {  	s4 =	sld [smem:$0x3FAE]  }
0x2a: {  	p0 =	seq.s32 s5, $0x0;
	s5 =	sld [smem:$0x3FAF]  }
0x2b: {  	s6 =	sld [smem:$0x3FB0]  }
0x2c: {  	s7 =	sld [smem:$0x3FB1]  }
0x2d: {  	s3 =	simm.s32 $0x108;
	s8 =	sld [smem:$0x3FB2]  }
0x2e: {  	s3 =	simm.s32 @!p0 $0x1082;
	s9 =	sld [smem:$0x3FB3]  }
0x2f: {  	lr =	sadd.s32 s0, s3;
	s0 =	sld [smem:$0x3FAA]  }
0x30: {  	s3 =	sld [smem:$0x3FAD]  }
0x31: {  	[smem:$0x3FB6] =	sst s10  }
0x32: {  	s10 =	sld [smem:$0x3FB4];
	_ =	sdelay $0x3  }
0x33: {  	p0 =	seq.s32 s10, $0x1;
	s10 =	sld [smem:$0x3FB6];
	_ =	sdelay $0x3  }
0x34: {  	[smem:$0x3FB6] =	sst s10  }
0x35: {  	s10 =	sld [smem:$0x3FB5];
	_ =	sdelay $0x3  }
0x36: {  	p1 =	seq.s32 s10, $0x1;
	s10 =	sld [smem:$0x3FB6];
	_ =	sdelay $0x3  }
0x37: {  	[smem:$0x3FB6] =	sst s10  }
0x38: {  	s10 =	sld [smem:$0x3FB7]  }
0x39: {  	_ = 	snop;
	(pc) =	sbr.ind lr, $3  }
0x3a: {  	_ = 	snop  }
0x3b: {  	_ = 	snop  }
0x3c: {  	p2 =	seq.s32 s10, $0x1;
	s10 =	sld [smem:$0x3FB6]  }
0x3d: {  	_ =	shalt  }
0x3e: {  	_ =	shalt  }
0x3f: {  	_ =	shalt  }
0x40: {  	_ =	shalt  }
0x41: {  	_ =	shalt  }
0x42: {  	_ =	shalt  }
0x43: {  	_ =	shalt  }
0x44: {  	_ =	shalt  }
0x45: {  	_ =	shalt  }
0x46: {  	_ =	shalt  }
0x47: {  	_ =	shalt  }
0x48: {  	_ =	shalt  }
0x49: {  	_ =	shalt  }
0x4a: {  	_ =	shalt  }
0x4b: {  	_ =	shalt  }
0x4c: {  	_ =	shalt  }
0x4d: {  	_ =	shalt  }
0x4e: {  	_ =	shalt  }
0x4f: {  	_ =	shalt  }
0x50: {  	_ =	shalt  }
0x51: {  	_ =	shalt  }
0x52: {  	_ =	shalt  }
0x53: {  	_ =	shalt  }
0x54: {  	_ =	shalt  }
0x55: {  	_ =	shalt  }
0x56: {  	_ =	shalt  }
0x57: {  	_ =	shalt  }
0x58: {  	_ =	shalt  }
0x59: {  	_ =	shalt  }
0x5a: {  	_ =	shalt  }
0x5b: {  	_ =	shalt  }
0x5c: {  	_ =	shalt  }
0x5d: {  	_ =	shalt  }
0x5e: {  	_ =	shalt  }
0x5f: {  	_ =	shalt  }
0x60: {  	_ =	shalt  }
0x61: {  	_ =	shalt  }
0x62: {  	_ =	shalt  }
0x63: {  	_ =	shalt  }
0x64: {  	_ =	shalt  }
0x65: {  	_ =	shalt  }
0x66: {  	_ =	shalt  }
0x67: {  	_ =	shalt  }
0x68: {  	_ =	shalt  }
0x69: {  	_ =	shalt  }
0x6a: {  	_ =	shalt  }
0x6b: {  	_ =	shalt  }
0x6c: {  	_ =	shalt  }
0x6d: {  	_ =	shalt  }
0x6e: {  	_ =	shalt  }
0x6f: {  	_ =	shalt  }
0x70: {  	_ =	shalt  }
0x71: {  	_ =	shalt  }
0x72: {  	_ =	shalt  }
0x73: {  	_ =	shalt  }
0x74: {  	_ =	shalt  }
0x75: {  	_ =	shalt  }
0x76: {  	_ =	shalt  }
0x77: {  	_ =	shalt  }
0x78: {  	_ =	shalt  }
0x79: {  	_ =	shalt  }
0x7a: {  	_ =	shalt  }
0x7b: {  	_ =	shalt  }
0x7c: {  	_ =	shalt  }
0x7d: {  	_ =	shalt  }
0x7e: {  	_ =	shalt  }
0x7f: {  	_ =	shalt  }
0x80: {  	_ =	shalt  }
0x81: {  	_ =	shalt  }
0x82: {  	_ =	shalt  }
0x83: {  	_ =	shalt  }
0x84: {  	_ =	shalt  }
0x85: {  	_ =	shalt  }
0x86: {  	_ =	shalt  }
0x87: {  	_ =	shalt  }
.Lfunc_end0:
.L_simem_size_0:
called_computation.2_lowered:
.L_overlay_start_0:
0x88: {  	s2 =	sld [smem:$0x3FD9]  }
0x89: {  	s3 =	sld [smem:$0x3FFE];
	_ =	sdelay $0x1  }
0x8a: {  	s1 =	srdreg.scid  }
0x8b: {  	s0 =	sand.u32 $0x1, s1  }
0x8c: {  	s17 =	sshll.u32 s0, $0xA;
	s2 =	sadd.s32 s3, s2  }
0x8d: {  	s2 =	sadd.s32 s2, s17  }
0x8e: {  	[smem:$0x3FC2] =	sst s2  }
0x8f: {  	_ = 	snop  }
0x90: {  	s2 =	sld [smem:$0x3FD0];
	(tm) =	ssettm $0x1  }
0x91: {  	s18 =	sld [smem:$0x3FFB];
	_ =	sdelay $0x3  }
0x92: {  	_ =	strace s18  }
0x93: {  	s3 =	sld [smem:$0x3FFC];
	_ =	sdelay $0x3  }
0x94: {  	_ =	strace s3  }
0x95: {  	s3 =	sld [smem:$0x3FFD];
	_ =	sdelay $0x3  }
0x96: {  	_ =	strace s3  }
0x97: {  	_ =	strace $0x8FFFFFFF  }
0x98: {  	s19 =	sld [smem:$0x3FDB];
	_ =	sdelay $0x1  }
0x99: {  	s4 =	simm.s32 $_scs_section_size  }
0x9a: {  	s5 =	simm.s32 $_size__tile_overlayer_lowered;
	s6 =	simm.s32 $_tile_overlayer_lowered  }
0x9b: {  	s22 =	simm.s32 $0x1BFF;
	s21 =	sshll.u32 s6, $0x1;
	s3 =	sadd.s32 s4, s19  }
0x9c: {  	s7 =	simm.s32 $0x0;
	s20 =	sshll.u32 s5, $0x1;
	s5 =	sadd.s32 s21, s3  }
0x9d: {  	[timem:s7], [sflag:s22] =	dma.local [hbm:s5], s20  }
0x9e: {  	_ =	swait.ge [sflag:s22], s20  }
0x9f: {  	s4 =	ssub.s32 $0x0, s20;
	[sflag:s22] =	ssyncset.done $0x0  }
0xa0: {  	[sflag:s22] =	ssyncadd.s32 s4;
	_ =	sdelay $0x1  }
0xa1: {  	s23 =	simm.s32 $0x1B8B  }
0xa2: {  	_ =	swait.ge [sflag:s23], $0x1  }
0xa3: {  	[sflag:s23] =	ssyncset.done $0x0  }
0xa4: {  	s25 =	simm.s32 $0x1B8E;
	s24 =	sld [smem:$0x3FFE];
	[sflag:s23] =	ssyncadd.s32 $0xFFFFFFFF  }
0xa5: {  	s26 =	simm.s32 $execute0_lowered;
	[smem:$0x3FD2] =	sst s25  }
0xa6: {  	s5 =	sshll.u32 s26, $0x1;
	_ =	strace $0x8000004C;
	[dreg:$0x1] =	wrdreg $0xFFFFFFFF  }
0xa7: {  	s28 =	simm.s32 $_size_execute0_lowered;
	s3 =	sadd.s32 s3, s5;
	[dreg:$0x0] =	wrdreg $0x0  }
0xa8: {  	s5 =	sshll.u32 s28, $0x1;
	[dreg:$0x2] =	wrdreg s3  }
0xa9: {  	[dreg:$0x3] =	wrdreg s5  }
0xaa: {  	[dreg:$0x4] =	wrdreg $0xC0  }
0xab: {  	_ =	task [dreg:s7], $0x5FFFF  }
0xac: {  	[dreg:$0x1] =	wrdreg $0xFFFFFFFF  }
0xad: {  	[dreg:$0x0] =	wrdreg $0x60  }
0xae: {  	[dreg:$0x2] =	wrdreg s2  }
0xaf: {  	[dreg:$0x3] =	wrdreg s24  }
0xb0: {  	[dreg:$0x4] =	wrdreg $0x0  }
0xb1: {  	[dreg:$0x5] =	wrdreg $0x27800  }
0xb2: {  	[dreg:$0x6] =	wrdreg $0x9  }
0xb3: {  	_ =	task.clear_ibuf [dreg:s7], $0x7FFFF;
	_ =	strace $0x9000004C  }
0xb4: {  	s29 =	simm.s32 $0x9;
	_ =	strace $0x8000004E  }
0xb5: {  	_ =	swait.ge [sflag:s29], $0x1  }
0xb6: {  	[sflag:s29] =	ssyncadd.s32 $0xFFFFFFFF  }
0xb7: {  	_ =	strace $0x9000004E  }
0xb8: {  	_ =	sfence  }
0xb9: {  	s30 =	sld [smem:$0x0];
	_ =	sdelay $0x2  }
0xba: {  	s31 =	sshll.u32 s1, $0xD;
	s1 =	sshrl.u32 s1, $0x2  }
0xbb: {  	s3 =	sand.u32 $0x4000, s31;
	s1 =	sadd.s32 s1, s30  }
0xbc: {  	s0 =	sor.u32 s3, s0;
	s1 =	sshll.u32 s1, $0x11  }
0xbd: {  	s0 =	sor.u32 s1, s0  }
0xbe: {  	s0 =	sadd.s32 $0x8F2B, s0  }
0xbf: {  	[sflag:s0] =	ssyncadd.remote.s32 $0x1  }
0xc0: {  	_ =	sfence.sel $0xFFFF  }
0xc1: {  	[dreg:$0x0] =	wrdreg $0xFFFFFFFF;
	(pc) =	sbr.abs _section_cstart, $3  }
0xc2: {  	[dreg:$0x1] =	wrdreg $0xFFFFFFFF  }
0xc3: {  	_ =	task.clear_ibuf [dreg:s7], $0x2FFFF;
	_ =	strace $0x9FFFFFFF  }
0xc4: {  	(tm) =	ssettm $0x7FFFFFFF  }
0xc5: {  	_ =	shalt  }
tec
execute0_lowered:
.L_overlay_start_1:
0x0: {  	(tag) =	ssettag $0x1  }
0x1: {  	s0 =	rddreg [dreg:$0x0]  }
0x2: {  	s5 =	rddreg [dreg:$0x1]  }
0x3: {  	s1 =	srdreg.scid;
	s2 =	rddreg [dreg:$0x2]  }
0x4: {  	s11 =	stileid.u32;
	s3 =	rddreg [dreg:$0x3];
	s12 =	simm.f32 $1.000000000e+00  }
0x5: {  	s13 =	simm.f32 $1.000000000e+00;
	s28 =	simm.s32 $0x4F00;
	s29 =	simm.s32 $0x5C00  }
0x6: {  	s30 =	simm.s32 $0x680;
	s1 =	sand.u32 $0x1, s1;
	s7 =	smul.u32 $0x2780, s11  }
0x7: {  	s31 =	simm.s32 $0x6D00;
	s4 =	sshll.u32 s1, $0x4;
	s8 =	smul.u32 $0x27800, s1  }
0x8: {  	s1 =	ssub.s32 $0x2, s1;
	s6 =	sor.u32 s11, s4;
	s4 =	simm.s32 $0x0  }
0x9: {  	s10 =	sshrl.u32 s1, $0x1;
	s11 =	sshll.u32 s11, $0x6;
	s14 =	sadd.s32 s7, s2  }
0xa: {  	s15 =	sshrl.u32 s7, $0x3;
	s9 =	smul.u32 $0x2700, s6;
	[smem:$0x7FF] =	sst s4  }
0xb: {  	s8 =	sadd.s32 s7, s8;
	p0 =	seq.s32 s6, $0xF;
	s1 =	ssub.s32 s1, s10  }
0xc: {  	s7 =	sadd.s32 s7, s3;
	s0 =	sadd.s32 s0, s15;
	s9 =	sshrl.u32 s9, $0x3  }
0xd: {  	_ =	strace $0x8000004D;
	[dreg:$0x5] =	wrdreg s14;
	s9 =	sadd.s32 s9, s5  }
0xe: {  	s10 =	simm.s32 $0x4;
	[dreg:$0x6] =	wrdreg s0;
	s16 =	sadd.s32 $0x2A00, s9  }
0xf: {  	s8 =	sshrl.u32 s8, $0x3;
	s17 =	sadd.s32 $0xC640, s9;
	[dreg:$0x7] =	wrdreg s16  }
0x10: {  	s12 =	simm.s32 @!p0 $0x0;
	s18 =	sadd.s32 $0x2AD0, s9;
	[dreg:$0x8] =	wrdreg s17  }
0x11: {  	p0 =	seq.s32 s6, $0x1F;
	s19 =	sadd.s32 $0xC710, s9;
	[dreg:$0x9] =	wrdreg s18  }
0x12: {  	s6 =	sor.u32 $0x1C05, s11;
	s20 =	sadd.s32 $0x2BA0, s9;
	[dreg:$0xa] =	wrdreg s19  }
0x13: {  	s0 =	simm.s32 $0x5580;
	s21 =	sadd.s32 $0xC7E0, s9;
	[dreg:$0xb] =	wrdreg s20  }
0x14: {  	s11 =	simm.s32 $0x6900;
	s22 =	sadd.s32 $0x2C70, s9;
	[dreg:$0xc] =	wrdreg s21  }
0x15: {  	s14 =	simm.s32 $0x0;
	s23 =	sadd.s32 $0xC8B0, s9;
	[dreg:$0xd] =	wrdreg s22  }
0x16: {  	s8 =	sadd.s32 s8, s5;
	s24 =	sadd.s32 $0x2D40, s9;
	[dreg:$0xe] =	wrdreg s23  }
0x17: {  	s13 =	simm.s32 @!p0 $0x0;
	s25 =	sadd.s32 $0xC980, s9;
	[dreg:$0xf] =	wrdreg s24  }
0x18: {  	v0 =	vmov s12;
	s12 =	simm.s32 $0x6B00;
	s26 =	sadd.s32 $0x2E10, s9;
	[dreg:$0x10] =	wrdreg s25  }
0x19: {  	v1 =	vmov s13;
	s13 =	simm.s32 $0x200;
	[dreg:$0x11] =	wrdreg s26;
	s19 =	sadd.s32 $0xCA50, s9  }
0x1a: {  	s20 =	sadd.s32 $0x16400, s5;
	s21 =	sadd.s32 $0xC600, s5;
	s22 =	sadd.s32 $0x16240, s5  }
0x1b: {  	s23 =	sadd.s32 $0x16A00, s8;
	s24 =	smax.u32 s1, $0x1;
	s25 =	sshrl.u32 s7, $0x3  }
0x1c: {  	s26 =	simm.s32 $0x5;
	s1 =	simm.s32 $0x1;
	s5 =	simm.s32 $0x6280  }
0x1d: {  	s7 =	simm.s32 $0xD500;
	s8 =	simm.s32 $0x2;
	s9 =	simm.s32 $0x3  }
.LBB2_1:
0x1e: {  	s15 =	rddreg [dreg:$0x5]  }
0x1f: {  	s15 =	sshrl.u32 s15, $0x3  }
0x20: {  	[spmem:s15], [sflag:s6] =	dma.local [hbm:s20], $0x4F0  }
0x21: {  	_ =	swait.ge [sflag:s26], $0x4F0  }
0x22: {  	[sflag:s26] =	ssyncset.done $0x0  }
0x23: {  	s16 =	rddreg [dreg:$0x6];
	[sflag:s26] =	ssyncadd.s32 $0xFFFFFB10  }
0x24: {  	[spmem:s25], [sflag:s6] =	dma.local [hbm:s16], $0x4F0  }
0x25: {  	_ =	swait.ge [sflag:s26], $0x4F0  }
0x26: {  	[sflag:s26] =	ssyncset.done $0x0  }
0x27: {  	[sflag:s26] =	ssyncadd.s32 $0xFFFFFB10  }
0x28: {  	[bflag:$0x0] =	sbarrier.arrive $0xFFFF  }
0x29: {  	s18 =	rddreg [dreg:$0x7]  }
0x2a: {  	[tilespmem:s28], [sflag:$0x5] =	stream.linear.gather [hbm4b:s18+s4], $0x680, $0x38;
	[tilespmem:$0x13D00] =	vst v63  }
0x2b: {  	_ =	swait.ge [sflag:s26], $0x680  }
0x2c: {  	[sflag:s26] =	ssyncset.done $0x0  }
0x2d: {  	s17 =	rddreg [dreg:$0x8];
	[sflag:s26] =	ssyncadd.s32 $0xFFFFF980  }
0x2e: {  	[tilespmem:s29], [sflag:$0x5] =	stream.linear.gather [hbm4b:s17+s4], $0x680, $0x38;
	[tilespmem:$0x13D00] =	vst v63  }
0x2f: {  	_ =	swait.ge [sflag:s26], $0x680  }
0x30: {  	[sflag:s26] =	ssyncset.done $0x0  }
0x31: {  	[sflag:s26] =	ssyncadd.s32 $0xFFFFF980  }
0x32: {  	[tilespmem:s31], [sflag:$0x1] =	stream.indirect.gather [spmem:s3], $0x10, s28, s30, $0xb8;
	[tilespmem:$0x13D00] =	vst v63  }
0x33: {  	_ =	swait.ge [sflag:s1], $0x6800  }
0x34: {  	[sflag:s1] =	ssyncset.done $0x0  }
0x35: {  	[sflag:s1] =	ssyncadd.s32 $0xFFFF9800  }
0x36: {  	[spmem:s2] =	stream.indirect.scatter.add.f32 [tilespmem:s31], [sflag:$0x3], $0x10, s29, s30, $0xb8;
	[tilespmem:$0x13D00] =	vst v63  }
0x37: {  	s18 =	rddreg [dreg:$0x9]  }
0x38: {  	[tilespmem:s0], [sflag:$0x5] =	stream.linear.gather [hbm4b:s18+s4], $0x680, $0x38;
	[tilespmem:$0x13D00] =	vst v63  }
0x39: {  	_ =	swait.ge [sflag:s26], $0x680  }
0x3a: {  	[sflag:s26] =	ssyncset.done $0x0  }
0x3b: {  	s17 =	rddreg [dreg:$0xa];
	[sflag:s26] =	ssyncadd.s32 $0xFFFFF980  }
0x3c: {  	[tilespmem:s5], [sflag:$0x5] =	stream.linear.gather [hbm4b:s17+s4], $0x680, $0x38;
	[tilespmem:$0x13D00] =	vst v63  }
0x3d: {  	_ =	swait.ge [sflag:s26], $0x680  }
0x3e: {  	[sflag:s26] =	ssyncset.done $0x0  }
0x3f: {  	[sflag:s26] =	ssyncadd.s32 $0xFFFFF980  }
0x40: {  	[tilespmem:s7], [sflag:$0x2] =	stream.indirect.gather [spmem:s3], $0x10, s0, s30, $0xb8;
	[tilespmem:$0x13D00] =	vst v63  }
0x41: {  	_ =	swait.ge [sflag:s8], $0x6800  }
0x42: {  	[sflag:s8] =	ssyncset.done $0x0  }
0x43: {  	[sflag:s8] =	ssyncadd.s32 $0xFFFF9800  }
0x44: {  	[spmem:s2] =	stream.indirect.scatter.add.f32 [tilespmem:s7], [sflag:$0x4], $0x10, s5, s30, $0xb8;
	[tilespmem:$0x13D00] =	vst v63  }
0x45: {  	_ =	swait.ge [sflag:s9], $0x6800  }
0x46: {  	[sflag:s9] =	ssyncset.done $0x0  }
0x47: {  	s18 =	rddreg [dreg:$0xb];
	[sflag:s9] =	ssyncadd.s32 $0xFFFF9800  }
0x48: {  	[tilespmem:s28], [sflag:$0x5] =	stream.linear.gather [hbm4b:s18+s4], $0x680, $0x38;
	[tilespmem:$0x13D00] =	vst v63  }
0x49: {  	_ =	swait.ge [sflag:s26], $0x680  }
0x4a: {  	[sflag:s26] =	ssyncset.done $0x0  }
0x4b: {  	s17 =	rddreg [dreg:$0xc];
	[sflag:s26] =	ssyncadd.s32 $0xFFFFF980  }
0x4c: {  	[tilespmem:s29], [sflag:$0x5] =	stream.linear.gather [hbm4b:s17+s4], $0x680, $0x38;
	[tilespmem:$0x13D00] =	vst v63  }
0x4d: {  	_ =	swait.ge [sflag:s26], $0x680  }
0x4e: {  	[sflag:s26] =	ssyncset.done $0x0  }
0x4f: {  	[sflag:s26] =	ssyncadd.s32 $0xFFFFF980  }
0x50: {  	[tilespmem:s31], [sflag:$0x1] =	stream.indirect.gather [spmem:s3], $0x10, s28, s30, $0xb8;
	[tilespmem:$0x13D00] =	vst v63  }
0x51: {  	_ =	swait.ge [sflag:s1], $0x6800  }
0x52: {  	[sflag:s1] =	ssyncset.done $0x0  }
0x53: {  	[sflag:s1] =	ssyncadd.s32 $0xFFFF9800  }
0x54: {  	[spmem:s2] =	stream.indirect.scatter.add.f32 [tilespmem:s31], [sflag:$0x3], $0x10, s29, s30, $0xb8;
	[tilespmem:$0x13D00] =	vst v63  }
0x55: {  	_ =	swait.ge [sflag:s10], $0x6800  }
0x56: {  	[sflag:s10] =	ssyncset.done $0x0  }
0x57: {  	s18 =	rddreg [dreg:$0xd];
	[sflag:s10] =	ssyncadd.s32 $0xFFFF9800  }
0x58: {  	[tilespmem:s0], [sflag:$0x5] =	stream.linear.gather [hbm4b:s18+s4], $0x680, $0x38;
	[tilespmem:$0x13D00] =	vst v63  }
0x59: {  	_ =	swait.ge [sflag:s26], $0x680  }
0x5a: {  	[sflag:s26] =	ssyncset.done $0x0  }
0x5b: {  	s17 =	rddreg [dreg:$0xe];
	[sflag:s26] =	ssyncadd.s32 $0xFFFFF980  }
0x5c: {  	[tilespmem:s5], [sflag:$0x5] =	stream.linear.gather [hbm4b:s17+s4], $0x680, $0x38;
	[tilespmem:$0x13D00] =	vst v63  }
0x5d: {  	_ =	swait.ge [sflag:s26], $0x680  }
0x5e: {  	[sflag:s26] =	ssyncset.done $0x0  }
0x5f: {  	[sflag:s26] =	ssyncadd.s32 $0xFFFFF980  }
0x60: {  	[tilespmem:s7], [sflag:$0x2] =	stream.indirect.gather [spmem:s3], $0x10, s0, s30, $0xb8;
	[tilespmem:$0x13D00] =	vst v63  }
0x61: {  	_ =	swait.ge [sflag:s8], $0x6800  }
0x62: {  	[sflag:s8] =	ssyncset.done $0x0  }
0x63: {  	[sflag:s8] =	ssyncadd.s32 $0xFFFF9800  }
0x64: {  	[spmem:s2] =	stream.indirect.scatter.add.f32 [tilespmem:s7], [sflag:$0x4], $0x10, s5, s30, $0xb8;
	[tilespmem:$0x13D00] =	vst v63  }
0x65: {  	_ =	swait.ge [sflag:s9], $0x6800  }
0x66: {  	[sflag:s9] =	ssyncset.done $0x0  }
0x67: {  	s18 =	rddreg [dreg:$0xf];
	[sflag:s9] =	ssyncadd.s32 $0xFFFF9800  }
0x68: {  	[tilespmem:s28], [sflag:$0x5] =	stream.linear.gather [hbm4b:s18+s4], $0x680, $0x38;
	[tilespmem:$0x13D00] =	vst v63  }
0x69: {  	_ =	swait.ge [sflag:s26], $0x680  }
0x6a: {  	[sflag:s26] =	ssyncset.done $0x0  }
0x6b: {  	s17 =	rddreg [dreg:$0x10];
	[sflag:s26] =	ssyncadd.s32 $0xFFFFF980  }
0x6c: {  	[tilespmem:s29], [sflag:$0x5] =	stream.linear.gather [hbm4b:s17+s4], $0x680, $0x38;
	[tilespmem:$0x13D00] =	vst v63  }
0x6d: {  	_ =	swait.ge [sflag:s26], $0x680  }
0x6e: {  	[sflag:s26] =	ssyncset.done $0x0  }
0x6f: {  	[sflag:s26] =	ssyncadd.s32 $0xFFFFF980  }
0x70: {  	[tilespmem:s31], [sflag:$0x1] =	stream.indirect.gather [spmem:s3], $0x10, s28, s30, $0xb8;
	[tilespmem:$0x13D00] =	vst v63  }
0x71: {  	_ =	swait.ge [sflag:s1], $0x6800  }
0x72: {  	[sflag:s1] =	ssyncset.done $0x0  }
0x73: {  	[sflag:s1] =	ssyncadd.s32 $0xFFFF9800  }
0x74: {  	[spmem:s2] =	stream.indirect.scatter.add.f32 [tilespmem:s31], [sflag:$0x3], $0x10, s29, s30, $0xb8;
	[tilespmem:$0x13D00] =	vst v63  }
0x75: {  	_ =	swait.ge [sflag:s10], $0x6800  }
0x76: {  	[sflag:s10] =	ssyncset.done $0x0  }
0x77: {  	s18 =	rddreg [dreg:$0x11];
	[sflag:s10] =	ssyncadd.s32 $0xFFFF9800  }
0x78: {  	[tilespmem:s0], [sflag:$0x5] =	stream.linear.gather [hbm4b:s18+s4], $0x680, $0x38;
	[tilespmem:$0x13D00] =	vst v63  }
0x79: {  	_ =	swait.ge [sflag:s26], $0x680  }
0x7a: {  	[sflag:s26] =	ssyncset.done $0x0  }
0x7b: {  	[sflag:s26] =	ssyncadd.s32 $0xFFFFF980  }
0x7c: {  	[tilespmem:s5], [sflag:$0x5] =	stream.linear.gather [hbm4b:s19+s4], $0x680, $0x38;
	[tilespmem:$0x13D00] =	vst v63  }
0x7d: {  	_ =	swait.ge [sflag:s26], $0x680  }
0x7e: {  	[sflag:s26] =	ssyncset.done $0x0  }
0x7f: {  	[sflag:s26] =	ssyncadd.s32 $0xFFFFF980  }
0x80: {  	[tilespmem:s7], [sflag:$0x2] =	stream.indirect.gather [spmem:s3], $0x10, s0, s30, $0xb8;
	[tilespmem:$0x13D00] =	vst v63  }
0x81: {  	_ =	swait.ge [sflag:s8], $0x6800  }
0x82: {  	[sflag:s8] =	ssyncset.done $0x0  }
0x83: {  	[sflag:s8] =	ssyncadd.s32 $0xFFFF9800  }
0x84: {  	[spmem:s2] =	stream.indirect.scatter.add.f32 [tilespmem:s7], [sflag:$0x4], $0x10, s5, s30, $0xb8;
	[tilespmem:$0x13D00] =	vst v63  }
0x85: {  	_ =	swait.ge [sflag:s9], $0x6800  }
0x86: {  	[sflag:s9] =	ssyncset.done $0x0  }
0x87: {  	[sflag:s9] =	ssyncadd.s32 $0xFFFF9800  }
0x88: {  	_ =	swait.ge [sflag:s10], $0x6800  }
0x89: {  	[sflag:s10] =	ssyncset.done $0x0  }
0x8a: {  	[sflag:s10] =	ssyncadd.s32 $0xFFFF9800  }
0x8b: {  	[tilespmem:s11], [sflag:$0x5] =	stream.linear.gather [hbm4b:s21+s4], $0x200, $0x38;
	[tilespmem:$0x13D00] =	vst v63  }
0x8c: {  	_ =	swait.ge [sflag:s26], $0x200  }
0x8d: {  	[sflag:s26] =	ssyncset.done $0x0  }
0x8e: {  	[sflag:s26] =	ssyncadd.s32 $0xFFFFFE00  }
0x8f: {  	[tilespmem:s12], [sflag:$0x5] =	stream.linear.gather [hbm4b:s22+s4], $0x200, $0x38;
	[tilespmem:$0x13D00] =	vst v63  }
0x90: {  	_ =	swait.ge [sflag:s26], $0x200  }
0x91: {  	[sflag:s26] =	ssyncset.done $0x0  }
0x92: {  	[sflag:s26] =	ssyncadd.s32 $0xFFFFFE00  }
0x93: {  	[tilespmem:s31], [sflag:$0x1] =	stream.indirect.gather [spmem:s3], $0x10, s11, s13, $0xb8;
	[tilespmem:$0x13D00] =	vst v63  }
0x94: {  	_ =	swait.ge [sflag:s1], $0x2000  }
0x95: {  	[sflag:s1] =	ssyncset.done $0x0  }
0x96: {  	s16 =	simm.s32 $0x0;
	[sflag:s1] =	ssyncadd.s32 $0xFFFFE000  }
0x97: {  	s17 =	simm.s32 $0x40;
	v2 =	vld [tilespmem:s16+$0x6D00]  }
.LBB2_2:
0x98: {  	p0 =	sne.s32 s17, $0x3FC0;
	v3 =	vld [tilespmem:s16+$0x7D00];
	_ =	sdelay $0x2  }
.Ltmp0:
0x99: {  	(pc) =	sbr.rel @p0 .LBB2_2-.Ltmp0, $4  }
0x9a: {  	v2 =	vmul.f32 v2, v0  }
0x9b: {  	v3 =	vmul.f32 v3, v1  }
0x9c: {  	s18 =	sshra.s32 s17, $0x2;
	[tilespmem:s16+$0x6D00] =	vst v2  }
0x9d: {  	s17 =	sadd.s32 $0x40, s17;
	v2 =	vld [tilespmem:s18+$0x6D00];
	[tilespmem:s16+$0x7D00] =	vst v3;
	s16 =	smov.u32 s18  }
0x9e: {  	v3 =	vld [tilespmem:s16+$0x7D00];
	_ =	sdelay $0x3  }
0x9f: {  	v2 =	vmul.f32 v2, v0  }
0xa0: {  	v3 =	vmul.f32 v3, v1  }
0xa1: {  	[tilespmem:s16+$0x6D00] =	vst v2  }
0xa2: {  	[tilespmem:s16+$0x7D00] =	vst v3  }
0xa3: {  	[spmem:s2] =	stream.indirect.scatter.add.f32 [tilespmem:s31], [sflag:$0x3], $0x10, s12, s13, $0xb8;
	[tilespmem:$0x13D00] =	vst v63  }
0xa4: {  	_ =	swait.ge [sflag:s9], $0x2000  }
0xa5: {  	s14 =	sadd.s32 $0x1, s14;
	[sflag:s9] =	ssyncset.done $0x0  }
0xa6: {  	p0 =	sne.s32 s14, s24;
	[sflag:s9] =	ssyncadd.s32 $0xFFFFE000  }
.Ltmp1:
0xa7: {  	[bflag:$0x0] =	sbarrier.arrive $0xFFFF;
	(pc) =	sbr.rel @p0 .LBB2_1-.Ltmp1, $4  }
0xa8: {  	[hbm:s23], [sflag:s6] =	dma.local [spmem:s15], $0x4F0  }
0xa9: {  	_ =	swait.ge [sflag:s26], $0x4F0  }
0xaa: {  	[sflag:s26] =	ssyncset.done $0x0  }
0xab: {  	[sflag:s26] =	ssyncadd.s32 $0xFFFFFB10  }
0xac: {  	_ =	sfence.sel $0x180000  }
0xad: {  	[bflag:$0x0] =	sbarrier.arrive $0xFFFF  }
0xae: {  	_ =	strace $0x9000004D  }
0xaf: {  	s0 =	stileid.u32;
	[bflag:$0x2] =	sbarrier.arrive $0xFFFF  }
0xb0: {  	p0 =	sne.s32 s0, $0x0;
	s0 =	rddreg [dreg:$0x4]  }
0xb1: {  	s0 =	sadd.s32 @!p0 $0x100000, s0  }
0xb2: {  	[sflag:s0] =	ssyncadd.tile.s32 @!p0 $0x1;
	_ =	shalt  }
.Lfunc_end2:
_tile_overlayer_lowered:
.L_overlay_start_2:
0xb3: {  	(tag) =	ssettag $0x2  }
0xb4: {  	s0 =	rddreg [dreg:$0x0];
	s2 =	stileid.u32  }
0xb5: {  	s1 =	rddreg [dreg:$0x1];
	p0 =	sne.s32 s2, $0x0  }
0xb6: {  	s3 =	rddreg [dreg:$0x2];
	[bflag:$0x3] =	sbarrier.arrive $0xFFFF;
	s2 =	simm.s32 @!p0 $0x1C05  }
0xb7: {  	[timem:s3], [sflag:s2] =	dma.local @!p0 [hbm:s0], s1  }
0xb8: {  	s0 =	simm.s32 @!p0 $0x5  }
0xb9: {  	_ =	swait.ge @!p0 [sflag:s0], s1  }
0xba: {  	s1 =	ssub.s32 @!p0 $0x0, s1;
	[sflag:s0] =	ssyncset.done @!p0 $0x0  }
0xbb: {  	[sflag:s0] =	ssyncadd.s32 @!p0 s1  }
0xbc: {  	[bflag:$0x3] =	sbarrier.arrive $0xFFFF  }
0xbd: {  	_ =	shalt  }

// kernel: kernel.9.cloned.1.call-start
scs
__scs_entry_jumppad:
0x0: {  	(pc) =	sbr.rel $0x88, $3  }
0x1: {  	(tag) =	ssettag $0x0;
	lr =	simm.s32 $0x1  }
0x2: {  	[smem:$0x3F9B] =	sst lr;
	_ =	strace $0xD0000000  }
0x3: {  	_ = 	snop  }
0x4: {  	_ = 	snop  }
0x5: {  	_ = 	snop  }
0x6: {  	_ = 	snop  }
0x7: {  	_ = 	snop  }
__scs_overlays_trampoline_lowered:
0x8: {  	[smem:$0x3FAA] =	sst s0  }
0x9: {  	[smem:$0x3FAB] =	sst s1  }
0xa: {  	[smem:$0x3FAC] =	sst s2  }
0xb: {  	[smem:$0x3FAD] =	sst s3  }
0xc: {  	[smem:$0x3FAE] =	sst s4  }
0xd: {  	[smem:$0x3FAF] =	sst s5  }
0xe: {  	[smem:$0x3FB0] =	sst s6  }
0xf: {  	[smem:$0x3FB1] =	sst s7  }
0x10: {  	[smem:$0x3FB2] =	sst s8  }
0x11: {  	[smem:$0x3FB3] =	sst s9;
	s0 =	simm.s32 @!p0 $0x0  }
0x12: {  	s1 =	sld [smem:$0x3F99];
	s0 =	simm.s32 @p0 $0x1  }
0x13: {  	[smem:$0x3FB4] =	sst s0;
	s0 =	simm.s32 @!p1 $0x0  }
0x14: {  	s2 =	sld [smem:$0x3F98];
	s0 =	simm.s32 @p1 $0x1  }
0x15: {  	[smem:$0x3FB5] =	sst s0;
	s0 =	simm.s32 @!p2 $0x0  }
0x16: {  	s3 =	sld [smem:$0x3FDB];
	s0 =	simm.s32 @p2 $0x1  }
0x17: {  	s4 =	simm.s32 $0x1BF5;
	[smem:$0x3FB7] =	sst s0  }
0x18: {  	s0 =	sld [smem:$0x3F9A];
	_ =	swait.ge [sflag:s4], $0x0  }
0x19: {  	s7 =	sld [smem:$0x3F9B]  }
0x1a: {  	s8 =	sadd.s32 $0xFFFFE003, lr  }
0x1b: {  	s9 =	sadd.s32 $0xFFFFFEF7, lr;
	s5 =	simm.s32 $0xFFFFFFFF;
	p2 =	slt.u32 s8, $0xFFFFF086  }
0x1c: {  	p1 =	slt.u32 s9, $0xF7A;
	s5 =	simm.s32 @!p2 $0x0  }
0x1d: {  	s5 =	simm.s32 @p1 $0x1;
	p0 =	seq.s32 s7, s2  }
0x1e: {  	s7 =	smul.u32 @!p0 $0xF7A, s2;
	p2 =	seq.s32 @!p0 s5, $0x0  }
0x1f: {  	s9 =	smul.u32 $0xF7A, s1;
	s8 =	simm.s32 @!p0 $0x1BF5;
	p2 =	por !p2, p0  }
0x20: {  	[sflag:s8] =	ssyncset.s32 @!p0 $0xFFFFF086;
	s6 =	sadd.s32 @!p0 s3, s7;
	s7 =	simm.s32 @!p0 $0x108  }
0x21: {  	s3 =	sadd.s32 s3, s9;
	s6 =	sadd.s32 @!p0 $0x88, s6;
	s7 =	simm.s32 @p2 $0x1082  }
0x22: {  	[simem:s7], [sflag:s8] =	dma.local @!p0 [hbm:s6], $0xF7A  }
0x23: {  	s9 =	sor.u32 $0xD0000000, s2;
	s6 =	simm.s32 $0x108;
	_ =	swait.ge @!p0 [sflag:s8], $0x0  }
0x24: {  	s3 =	sadd.s32 $0x88, s3;
	s6 =	simm.s32 @!p1 $0x1082;
	[sflag:s4] =	ssyncset.s32 $0xFFFFF086  }
0x25: {  	[simem:s6], [sflag:s4] =	dma.local [hbm:s3], $0xF7A  }
0x26: {  	[smem:$0x3F9B] =	sst s1;
	(tag) =	ssettag s2;
	_ =	strace s9  }
0x27: {  	s1 =	sld [smem:$0x3FAB]  }
0x28: {  	s2 =	sld [smem:$0x3FAC]  }
0x29: {  	s4 =	sld [smem:$0x3FAE]  }
0x2a: {  	p0 =	seq.s32 s5, $0x0;
	s5 =	sld [smem:$0x3FAF]  }
0x2b: {  	s6 =	sld [smem:$0x3FB0]  }
0x2c: {  	s7 =	sld [smem:$0x3FB1]  }
0x2d: {  	s3 =	simm.s32 $0x108;
	s8 =	sld [smem:$0x3FB2]  }
0x2e: {  	s3 =	simm.s32 @!p0 $0x1082;
	s9 =	sld [smem:$0x3FB3]  }
0x2f: {  	lr =	sadd.s32 s0, s3;
	s0 =	sld [smem:$0x3FAA]  }
0x30: {  	s3 =	sld [smem:$0x3FAD]  }
0x31: {  	[smem:$0x3FB6] =	sst s10  }
0x32: {  	s10 =	sld [smem:$0x3FB4];
	_ =	sdelay $0x3  }
0x33: {  	p0 =	seq.s32 s10, $0x1;
	s10 =	sld [smem:$0x3FB6];
	_ =	sdelay $0x3  }
0x34: {  	[smem:$0x3FB6] =	sst s10  }
0x35: {  	s10 =	sld [smem:$0x3FB5];
	_ =	sdelay $0x3  }
0x36: {  	p1 =	seq.s32 s10, $0x1;
	s10 =	sld [smem:$0x3FB6];
	_ =	sdelay $0x3  }
0x37: {  	[smem:$0x3FB6] =	sst s10  }
0x38: {  	s10 =	sld [smem:$0x3FB7]  }
0x39: {  	_ = 	snop;
	(pc) =	sbr.ind lr, $3  }
0x3a: {  	_ = 	snop  }
0x3b: {  	_ = 	snop  }
0x3c: {  	p2 =	seq.s32 s10, $0x1;
	s10 =	sld [smem:$0x3FB6]  }
0x3d: {  	_ =	shalt  }
0x3e: {  	_ =	shalt  }
0x3f: {  	_ =	shalt  }
0x40: {  	_ =	shalt  }
0x41: {  	_ =	shalt  }
0x42: {  	_ =	shalt  }
0x43: {  	_ =	shalt  }
0x44: {  	_ =	shalt  }
0x45: {  	_ =	shalt  }
0x46: {  	_ =	shalt  }
0x47: {  	_ =	shalt  }
0x48: {  	_ =	shalt  }
0x49: {  	_ =	shalt  }
0x4a: {  	_ =	shalt  }
0x4b: {  	_ =	shalt  }
0x4c: {  	_ =	shalt  }
0x4d: {  	_ =	shalt  }
0x4e: {  	_ =	shalt  }
0x4f: {  	_ =	shalt  }
0x50: {  	_ =	shalt  }
0x51: {  	_ =	shalt  }
0x52: {  	_ =	shalt  }
0x53: {  	_ =	shalt  }
0x54: {  	_ =	shalt  }
0x55: {  	_ =	shalt  }
0x56: {  	_ =	shalt  }
0x57: {  	_ =	shalt  }
0x58: {  	_ =	shalt  }
0x59: {  	_ =	shalt  }
0x5a: {  	_ =	shalt  }
0x5b: {  	_ =	shalt  }
0x5c: {  	_ =	shalt  }
0x5d: {  	_ =	shalt  }
0x5e: {  	_ =	shalt  }
0x5f: {  	_ =	shalt  }
0x60: {  	_ =	shalt  }
0x61: {  	_ =	shalt  }
0x62: {  	_ =	shalt  }
0x63: {  	_ =	shalt  }
0x64: {  	_ =	shalt  }
0x65: {  	_ =	shalt  }
0x66: {  	_ =	shalt  }
0x67: {  	_ =	shalt  }
0x68: {  	_ =	shalt  }
0x69: {  	_ =	shalt  }
0x6a: {  	_ =	shalt  }
0x6b: {  	_ =	shalt  }
0x6c: {  	_ =	shalt  }
0x6d: {  	_ =	shalt  }
0x6e: {  	_ =	shalt  }
0x6f: {  	_ =	shalt  }
0x70: {  	_ =	shalt  }
0x71: {  	_ =	shalt  }
0x72: {  	_ =	shalt  }
0x73: {  	_ =	shalt  }
0x74: {  	_ =	shalt  }
0x75: {  	_ =	shalt  }
0x76: {  	_ =	shalt  }
0x77: {  	_ =	shalt  }
0x78: {  	_ =	shalt  }
0x79: {  	_ =	shalt  }
0x7a: {  	_ =	shalt  }
0x7b: {  	_ =	shalt  }
0x7c: {  	_ =	shalt  }
0x7d: {  	_ =	shalt  }
0x7e: {  	_ =	shalt  }
0x7f: {  	_ =	shalt  }
0x80: {  	_ =	shalt  }
0x81: {  	_ =	shalt  }
0x82: {  	_ =	shalt  }
0x83: {  	_ =	shalt  }
0x84: {  	_ =	shalt  }
0x85: {  	_ =	shalt  }
0x86: {  	_ =	shalt  }
0x87: {  	_ =	shalt  }
.Lfunc_end0:
.L_simem_size_0:
called_computation_lowered:
.L_overlay_start_0:
0x88: {  	s2 =	sld [smem:$0x3FD9]  }
0x89: {  	s3 =	sld [smem:$0x3FFE];
	_ =	sdelay $0x1  }
0x8a: {  	s1 =	srdreg.scid  }
0x8b: {  	s0 =	sand.u32 $0x1, s1  }
0x8c: {  	s17 =	sshll.u32 s0, $0xA;
	s2 =	sadd.s32 s3, s2  }
0x8d: {  	s2 =	sadd.s32 s2, s17  }
0x8e: {  	[smem:$0x3FC2] =	sst s2  }
0x8f: {  	_ = 	snop  }
0x90: {  	s2 =	sld [smem:$0x3FD0];
	(tm) =	ssettm $0x1  }
0x91: {  	s18 =	sld [smem:$0x3FFB];
	_ =	sdelay $0x3  }
0x92: {  	_ =	strace s18  }
0x93: {  	s3 =	sld [smem:$0x3FFC];
	_ =	sdelay $0x3  }
0x94: {  	_ =	strace s3  }
0x95: {  	s3 =	sld [smem:$0x3FFD];
	_ =	sdelay $0x3  }
0x96: {  	_ =	strace s3  }
0x97: {  	_ =	strace $0x8FFFFFFF  }
0x98: {  	s19 =	sld [smem:$0x3FDB];
	_ =	sdelay $0x1  }
0x99: {  	s4 =	simm.s32 $_scs_section_size  }
0x9a: {  	s5 =	simm.s32 $_size__tile_overlayer_lowered;
	s6 =	simm.s32 $_tile_overlayer_lowered  }
0x9b: {  	s22 =	simm.s32 $0x1BFF;
	s21 =	sshll.u32 s6, $0x1;
	s3 =	sadd.s32 s4, s19  }
0x9c: {  	s7 =	simm.s32 $0x0;
	s20 =	sshll.u32 s5, $0x1;
	s5 =	sadd.s32 s21, s3  }
0x9d: {  	[timem:s7], [sflag:s22] =	dma.local [hbm:s5], s20  }
0x9e: {  	_ =	swait.ge [sflag:s22], s20  }
0x9f: {  	s4 =	ssub.s32 $0x0, s20;
	[sflag:s22] =	ssyncset.done $0x0  }
0xa0: {  	[sflag:s22] =	ssyncadd.s32 s4;
	_ =	sdelay $0x1  }
0xa1: {  	s23 =	simm.s32 $0x1B8B  }
0xa2: {  	_ =	swait.ge [sflag:s23], $0x1  }
0xa3: {  	[sflag:s23] =	ssyncset.done $0x0  }
0xa4: {  	s25 =	simm.s32 $0x1B8E;
	s24 =	sld [smem:$0x3FFE];
	[sflag:s23] =	ssyncadd.s32 $0xFFFFFFFF  }
0xa5: {  	s26 =	simm.s32 $execute0_lowered;
	[smem:$0x3FD2] =	sst s25  }
0xa6: {  	s5 =	sshll.u32 s26, $0x1;
	_ =	strace $0x80000046;
	[dreg:$0x1] =	wrdreg $0xFFFFFFFF  }
0xa7: {  	s28 =	simm.s32 $_size_execute0_lowered;
	s3 =	sadd.s32 s3, s5;
	[dreg:$0x0] =	wrdreg $0x0  }
0xa8: {  	s5 =	sshll.u32 s28, $0x1;
	[dreg:$0x2] =	wrdreg s3  }
0xa9: {  	[dreg:$0x3] =	wrdreg s5  }
0xaa: {  	[dreg:$0x4] =	wrdreg $0xC0  }
0xab: {  	_ =	task [dreg:s7], $0x5FFFF  }
0xac: {  	[dreg:$0x1] =	wrdreg $0xFFFFFFFF  }
0xad: {  	[dreg:$0x0] =	wrdreg $0x60  }
0xae: {  	[dreg:$0x2] =	wrdreg s24  }
0xaf: {  	[dreg:$0x3] =	wrdreg s2  }
0xb0: {  	[dreg:$0x4] =	wrdreg $0x0  }
0xb1: {  	[dreg:$0x5] =	wrdreg $0x9  }
0xb2: {  	_ =	task.clear_ibuf [dreg:s7], $0x6FFFF;
	_ =	strace $0x90000046  }
0xb3: {  	s29 =	simm.s32 $0x9;
	_ =	strace $0x80000048  }
0xb4: {  	_ =	swait.ge [sflag:s29], $0x1  }
0xb5: {  	[sflag:s29] =	ssyncadd.s32 $0xFFFFFFFF  }
0xb6: {  	_ =	strace $0x90000048  }
0xb7: {  	_ =	sfence  }
0xb8: {  	s30 =	sld [smem:$0x0];
	_ =	sdelay $0x2  }
0xb9: {  	s31 =	sshll.u32 s1, $0xD;
	s1 =	sshrl.u32 s1, $0x2  }
0xba: {  	s3 =	sand.u32 $0x4000, s31;
	s1 =	sadd.s32 s1, s30  }
0xbb: {  	s0 =	sor.u32 s3, s0;
	s1 =	sshll.u32 s1, $0x11  }
0xbc: {  	s0 =	sor.u32 s1, s0  }
0xbd: {  	s0 =	sadd.s32 $0x8F2B, s0  }
0xbe: {  	[sflag:s0] =	ssyncadd.remote.s32 $0x1  }
0xbf: {  	_ =	sfence.sel $0xFFFF  }
0xc0: {  	[dreg:$0x0] =	wrdreg $0xFFFFFFFF;
	(pc) =	sbr.abs _section_cstart, $3  }
0xc1: {  	[dreg:$0x1] =	wrdreg $0xFFFFFFFF  }
0xc2: {  	_ =	task.clear_ibuf [dreg:s7], $0x2FFFF;
	_ =	strace $0x9FFFFFFF  }
0xc3: {  	(tm) =	ssettm $0x7FFFFFFF  }
tec
execute0_lowered:
.L_overlay_start_1:
0x0: {  	(tag) =	ssettag $0x1  }
0x1: {  	s12 =	rddreg [dreg:$0x0]  }
0x2: {  	s0 =	srdreg.scid;
	s2 =	rddreg [dreg:$0x1]  }
0x3: {  	s3 =	rddreg [dreg:$0x2];
	s4 =	simm.s32 $0x0;
	s25 =	simm.f32 $1.000000000e+00  }
0x4: {  	s26 =	simm.f32 $1.000000000e+00;
	s15 =	simm.s32 $0x3680;
	s16 =	simm.s32 $0x3  }
0x5: {  	s19 =	simm.s32 $0x2780;
	s20 =	simm.s32 $0x680;
	s21 =	simm.s32 $0x2E00  }
0x6: {  	s22 =	simm.s32 $0x1;
	s23 =	simm.s32 $0x2;
	s24 =	simm.s32 $0x3480  }
0x7: {  	s28 =	simm.s32 $0x0;
	s6 =	sand.u32 $0x1, s0;
	s0 =	stileid.u32  }
0x8: {  	[smem:$0x7FF] =	sst s4;
	s1 =	sshll.u32 s6, $0x4;
	s8 =	smul.u32 $0x2780, s0  }
0x9: {  	s9 =	smul.u32 $0x27800, s6;
	s6 =	ssub.s32 $0x2, s6;
	s17 =	sshll.u32 s0, $0x6  }
0xa: {  	s7 =	sor.u32 s0, s1;
	s1 =	rddreg [dreg:$0x3];
	_ =	strace $0x80000047  }
0xb: {  	s10 =	sshrl.u32 s6, $0x1;
	s17 =	sor.u32 $0x1C03, s17;
	s5 =	smul.u32 $0x2700, s7  }
0xc: {  	s9 =	sadd.s32 s8, s9;
	p0 =	seq.s32 s7, $0xF;
	s14 =	ssub.s32 s6, s10  }
0xd: {  	s18 =	sadd.s32 s8, s3;
	s9 =	sshrl.u32 s9, $0x3;
	s25 =	simm.s32 @!p0 $0x0  }
0xe: {  	p0 =	seq.s32 s7, $0x1F;
	s14 =	smax.u32 s14, $0x1;
	s18 =	sshrl.u32 s18, $0x3  }
0xf: {  	s5 =	sshrl.u32 s5, $0x3;
	s13 =	sadd.s32 s9, s12;
	s26 =	simm.s32 @!p0 $0x0  }
0x10: {  	v0 =	vmov s25;
	s25 =	simm.s32 $0x200;
	s11 =	sadd.s32 s5, s12;
	s5 =	sadd.s32 $0x16400, s12  }
0x11: {  	s12 =	sadd.s32 $0x16240, s12;
	s13 =	sadd.s32 $0x16A00, s13;
	v1 =	vmov s26;
	s26 =	simm.s32 $0x9E80  }
0x12: {  	s6 =	sadd.s32 $0xC640, s11;
	s7 =	sadd.s32 $0xC710, s11;
	s8 =	sadd.s32 $0xC7E0, s11  }
0x13: {  	s9 =	sadd.s32 $0xC8B0, s11;
	s10 =	sadd.s32 $0xC980, s11;
	s11 =	sadd.s32 $0xCA50, s11  }
.LBB2_1:
0x14: {  	[tilespmem:s15], [sflag:$0x3] =	stream.linear.gather [hbm4b:s2+s4], $0x6800, $0x38;
	[tilespmem:$0xBE80] =	vst v63  }
0x15: {  	_ =	swait.ge [sflag:s16], $0x6800  }
0x16: {  	[sflag:s16] =	ssyncset.done $0x0  }
0x17: {  	s29 =	simm.s32 $0x0;
	[sflag:s16] =	ssyncadd.s32 $0xFFFF9800  }
0x18: {  	v2 =	vld [tilespmem:s29+$0x4680]  }
0x19: {  	v3 =	vld [tilespmem:s29+$0x3680]  }
0x1a: {  	s30 =	simm.s32 $0x40  }
.LBB2_2:
0x1b: {  	p0 =	sne.s32 s30, $0x3FC0  }
.Ltmp0:
0x1c: {  	_ = 	snop;
	(pc) =	sbr.rel @p0 .LBB2_2-.Ltmp0, $4  }
0x1d: {  	s31 =	sshra.s32 s30, $0x2;
	v4 =	vmul.f32 v2, v1  }
0x1e: {  	v2 =	vld [tilespmem:s31+$0x4680];
	v5 =	vmul.f32 v3, v0  }
0x1f: {  	v3 =	vld [tilespmem:s31+$0x3680];
	[tilespmem:s29+$0xAE80] =	vst v4  }
0x20: {  	s30 =	sadd.s32 $0x40, s30;
	[tilespmem:s29+$0x9E80] =	vst v5;
	s29 =	smov.u32 s31  }
0x21: {  	_ =	sdelay $0x1  }
0x22: {  	v2 =	vmul.f32 v2, v1  }
0x23: {  	v3 =	vmul.f32 v3, v0  }
0x24: {  	[tilespmem:s29+$0xAE80] =	vst v2  }
0x25: {  	[tilespmem:s29+$0x9E80] =	vst v3  }
0x26: {  	[spmem:s18], [sflag:s17] =	dma.local [hbm:s5], $0x4F0  }
0x27: {  	_ =	swait.ge [sflag:s16], $0x4F0  }
0x28: {  	[sflag:s16] =	ssyncset.done $0x0  }
0x29: {  	[sflag:s16] =	ssyncadd.s32 $0xFFFFFB10  }
0x2a: {  	[bflag:$0x0] =	sbarrier.arrive $0xFFFF  }
0x2b: {  	[tilespmem:s19], [sflag:$0x3] =	stream.linear.gather [hbm4b:s6+s4], $0x680, $0x38;
	[tilespmem:$0xBE80] =	vst v63  }
0x2c: {  	_ =	swait.ge [sflag:s16], $0x680  }
0x2d: {  	[sflag:s16] =	ssyncset.done $0x0  }
0x2e: {  	[sflag:s16] =	ssyncadd.s32 $0xFFFFF980  }
0x2f: {  	[spmem:s3] =	stream.indirect.scatter.add.f32 [tilespmem:s15], [sflag:$0x1], $0x10, s19, s20, $0xb8;
	[tilespmem:$0xBE80] =	vst v63  }
0x30: {  	_ = 	snop  }
0x31: {  	[tilespmem:s21], [sflag:$0x3] =	stream.linear.gather [hbm4b:s7+s4], $0x680, $0x38;
	[tilespmem:$0xBE80] =	vst v63  }
0x32: {  	_ =	swait.ge [sflag:s16], $0x680  }
0x33: {  	[sflag:s16] =	ssyncset.done $0x0  }
0x34: {  	[sflag:s16] =	ssyncadd.s32 $0xFFFFF980  }
0x35: {  	[spmem:s3] =	stream.indirect.scatter.add.f32 [tilespmem:s15], [sflag:$0x2], $0x10, s21, s20, $0xb8;
	[tilespmem:$0xBE80] =	vst v63  }
0x36: {  	_ =	swait.ge [sflag:s22], $0x6800  }
0x37: {  	[sflag:s22] =	ssyncset.done $0x0  }
0x38: {  	[sflag:s22] =	ssyncadd.s32 $0xFFFF9800  }
0x39: {  	[tilespmem:s19], [sflag:$0x3] =	stream.linear.gather [hbm4b:s8+s4], $0x680, $0x38;
	[tilespmem:$0xBE80] =	vst v63  }
0x3a: {  	_ =	swait.ge [sflag:s16], $0x680  }
0x3b: {  	[sflag:s16] =	ssyncset.done $0x0  }
0x3c: {  	[sflag:s16] =	ssyncadd.s32 $0xFFFFF980  }
0x3d: {  	[spmem:s3] =	stream.indirect.scatter.add.f32 [tilespmem:s15], [sflag:$0x1], $0x10, s19, s20, $0xb8;
	[tilespmem:$0xBE80] =	vst v63  }
0x3e: {  	_ =	swait.ge [sflag:s23], $0x6800  }
0x3f: {  	[sflag:s23] =	ssyncset.done $0x0  }
0x40: {  	[sflag:s23] =	ssyncadd.s32 $0xFFFF9800  }
0x41: {  	[tilespmem:s21], [sflag:$0x3] =	stream.linear.gather [hbm4b:s9+s4], $0x680, $0x38;
	[tilespmem:$0xBE80] =	vst v63  }
0x42: {  	_ =	swait.ge [sflag:s16], $0x680  }
0x43: {  	[sflag:s16] =	ssyncset.done $0x0  }
0x44: {  	[sflag:s16] =	ssyncadd.s32 $0xFFFFF980  }
0x45: {  	[spmem:s3] =	stream.indirect.scatter.add.f32 [tilespmem:s15], [sflag:$0x2], $0x10, s21, s20, $0xb8;
	[tilespmem:$0xBE80] =	vst v63  }
0x46: {  	_ =	swait.ge [sflag:s22], $0x6800  }
0x47: {  	[sflag:s22] =	ssyncset.done $0x0  }
0x48: {  	[sflag:s22] =	ssyncadd.s32 $0xFFFF9800  }
0x49: {  	[tilespmem:s19], [sflag:$0x3] =	stream.linear.gather [hbm4b:s10+s4], $0x680, $0x38;
	[tilespmem:$0xBE80] =	vst v63  }
0x4a: {  	_ =	swait.ge [sflag:s16], $0x680  }
0x4b: {  	[sflag:s16] =	ssyncset.done $0x0  }
0x4c: {  	[sflag:s16] =	ssyncadd.s32 $0xFFFFF980  }
0x4d: {  	[spmem:s3] =	stream.indirect.scatter.add.f32 [tilespmem:s15], [sflag:$0x1], $0x10, s19, s20, $0xb8;
	[tilespmem:$0xBE80] =	vst v63  }
0x4e: {  	_ =	swait.ge [sflag:s23], $0x6800  }
0x4f: {  	[sflag:s23] =	ssyncset.done $0x0  }
0x50: {  	[sflag:s23] =	ssyncadd.s32 $0xFFFF9800  }
0x51: {  	[tilespmem:s21], [sflag:$0x3] =	stream.linear.gather [hbm4b:s11+s4], $0x680, $0x38;
	[tilespmem:$0xBE80] =	vst v63  }
0x52: {  	_ =	swait.ge [sflag:s16], $0x680  }
0x53: {  	[sflag:s16] =	ssyncset.done $0x0  }
0x54: {  	[sflag:s16] =	ssyncadd.s32 $0xFFFFF980  }
0x55: {  	[spmem:s3] =	stream.indirect.scatter.add.f32 [tilespmem:s15], [sflag:$0x2], $0x10, s21, s20, $0xb8;
	[tilespmem:$0xBE80] =	vst v63  }
0x56: {  	_ = 	snop  }
0x57: {  	[tilespmem:s24], [sflag:$0x3] =	stream.linear.gather [hbm4b:s12+s4], $0x200, $0x38;
	[tilespmem:$0xBE80] =	vst v63  }
0x58: {  	_ =	swait.ge [sflag:s16], $0x200  }
0x59: {  	[sflag:s16] =	ssyncset.done $0x0  }
0x5a: {  	[sflag:s16] =	ssyncadd.s32 $0xFFFFFE00  }
0x5b: {  	[spmem:s3] =	stream.indirect.scatter.add.f32 [tilespmem:s26], [sflag:$0x1], $0x10, s24, s25, $0xb8;
	[tilespmem:$0xBE80] =	vst v63  }
0x5c: {  	_ =	swait.ge [sflag:s22], $0x6800  }
0x5d: {  	[sflag:s22] =	ssyncset.done $0x0  }
0x5e: {  	[sflag:s22] =	ssyncadd.s32 $0xFFFF9800  }
0x5f: {  	_ =	swait.ge [sflag:s23], $0x6800  }
0x60: {  	[sflag:s23] =	ssyncset.done $0x0  }
0x61: {  	[sflag:s23] =	ssyncadd.s32 $0xFFFF9800  }
0x62: {  	_ =	swait.ge [sflag:s22], $0x2000  }
0x63: {  	s28 =	sadd.s32 $0x1, s28;
	[sflag:s22] =	ssyncset.done $0x0  }
0x64: {  	p0 =	sne.s32 s28, s14;
	[sflag:s22] =	ssyncadd.s32 $0xFFFFE000  }
.Ltmp1:
0x65: {  	[bflag:$0x0] =	sbarrier.arrive $0xFFFF;
	(pc) =	sbr.rel @p0 .LBB2_1-.Ltmp1, $4  }
0x66: {  	[hbm:s13], [sflag:s17] =	dma.local [spmem:s18], $0x4F0  }
0x67: {  	_ =	swait.ge [sflag:s16], $0x4F0  }
0x68: {  	[sflag:s16] =	ssyncset.done $0x0  }
0x69: {  	[sflag:s16] =	ssyncadd.s32 $0xFFFFFB10  }
0x6a: {  	_ =	sfence.sel $0x180000  }
0x6b: {  	[bflag:$0x0] =	sbarrier.arrive $0xFFFF  }
0x6c: {  	p0 =	sne.s32 s0, $0x0;
	_ =	strace $0x90000047  }
0x6d: {  	s0 =	sadd.s32 @!p0 $0x100000, s1;
	[bflag:$0x2] =	sbarrier.arrive $0xFFFF  }
0x6e: {  	[sflag:s0] =	ssyncadd.tile.s32 @!p0 $0x1;
	_ =	shalt  }
.Lfunc_end2:
_tile_overlayer_lowered:
.L_overlay_start_2:
0x6f: {  	(tag) =	ssettag $0x2  }
0x70: {  	s0 =	rddreg [dreg:$0x0];
	s2 =	stileid.u32  }
0x71: {  	s1 =	rddreg [dreg:$0x1];
	p0 =	sne.s32 s2, $0x0  }
0x72: {  	s3 =	rddreg [dreg:$0x2];
	[bflag:$0x3] =	sbarrier.arrive $0xFFFF;
	s2 =	simm.s32 @!p0 $0x1C03  }
0x73: {  	[timem:s3], [sflag:s2] =	dma.local @!p0 [hbm:s0], s1  }
0x74: {  	s0 =	simm.s32 @!p0 $0x3  }
0x75: {  	_ =	swait.ge @!p0 [sflag:s0], s1  }
0x76: {  	s1 =	ssub.s32 @!p0 $0x0, s1;
	[sflag:s0] =	ssyncset.done @!p0 $0x0  }
0x77: {  	[sflag:s0] =	ssyncadd.s32 @!p0 s1  }
0x78: {  	[bflag:$0x3] =	sbarrier.arrive $0xFFFF  }
0x79: {  	_ =	shalt  }

</sc_bundles>
